<compile_context>
chip_gen: v7x
topology: tpu7x:2x2x1
jax: 0.10.2.dev20260603
libtpu: 0.0.44.dev20260713+nightly
codegen_flags: <defaults>
</compile_context>

<pallas_src>
import functools

import jax
import jax.numpy as jnp
from jax import lax
from jax.experimental import pallas as pl
from jax.experimental.pallas import tpu as pltpu
from jax.experimental.pallas import tpu_sc as plsc

_N = 10000
_E = 320000
_D = 128

_NC = 2
_NS = 16
_NW = _NC * _NS
_CH = 112
_CPW = 90
_EP = _NW * _CPW * _CH
_RPT = 632
_NP = _NS * _RPT

_f32 = jnp.float32


def _sc_mesh():
    return plsc.VectorSubcoreMesh(core_axis_name="c", subcore_axis_name="s",
                                  num_cores=_NC, num_subcores=_NS)


def _zero_acc_slice(buf, acc, s):
    for j in range(_RPT // _CH):
        pltpu.sync_copy(buf, acc.at[pl.ds(s * _RPT + j * _CH, _CH)])
    rem = _RPT % _CH
    if rem:
        pltpu.sync_copy(buf.at[pl.ds(0, rem)],
                        acc.at[pl.ds(s * _RPT + (_RPT // _CH) * _CH, rem)])


def _fill_buf(buf, value):
    def _row(i, _):
        r = i // 8
        col = (i % 8) * 16
        buf[r, pl.ds(col, 16)] = jnp.full((16,), value, _f32)
        return _
    lax.fori_loop(0, _CH * 8, _row, None)


def _deg_body(dstp, out, buf, idx_d, acc):
    c = lax.axis_index("c")
    s = lax.axis_index("s")
    w = c * _NS + s

    _fill_buf(buf, 0.0)
    _zero_acc_slice(buf, acc, s)
    plsc.subcore_barrier()

    _fill_buf(buf, 1.0)

    base = w * _CPW * _CH

    def _chunk(k, _):
        off = base + k * _CH
        pltpu.sync_copy(dstp.at[pl.ds(off, _CH)], idx_d)
        pltpu.sync_copy(buf, acc.at[idx_d], add=True)
        return _
    lax.fori_loop(0, _CPW, _chunk, None)

    plsc.subcore_barrier()
    pltpu.sync_copy(acc.at[pl.ds(s * _RPT, _RPT)],
                    out.at[pl.ds(c * _NP + s * _RPT, _RPT)])


@functools.partial(
    pl.kernel,
    out_type=jax.ShapeDtypeStruct((_NC * _NP, _D), _f32),
    mesh=_sc_mesh(),
    scratch_types=[
        pltpu.VMEM((_CH, _D), _f32),
        pltpu.VMEM((_CH,), jnp.int32),
        pltpu.VMEM_SHARED((_NP, _D), _f32),
    ],
)
def _deg_kernel(dstp, out, buf, idx_d, acc):
    _deg_body(dstp, out, buf, idx_d, acc)


_NBUF = 3
_NGRP = _CPW // _NBUF


def _agg_body(tbl, srcp, dstp, out, rows, idx_s, idx_d, acc, gsem, ssem):
    c = lax.axis_index("c")
    s = lax.axis_index("s")
    w = c * _NS + s

    _fill_buf(rows[0], 0.0)
    _zero_acc_slice(rows[0], acc, s)
    plsc.subcore_barrier()

    base = w * _CPW * _CH

    def _load_idx(k, b):
        off = base + k * _CH
        pltpu.sync_copy(srcp.at[pl.ds(off, _CH)], idx_s[b])
        pltpu.sync_copy(dstp.at[pl.ds(off, _CH)], idx_d[b])

    gd = [pltpu.make_async_copy(tbl.at[idx_s[b]], rows[b], gsem[b])
          for b in range(_NBUF)]
    sd = [pltpu.make_async_copy(rows[b], acc.at[idx_d[b]], ssem[b])
          for b in range(_NBUF)]

    for b in range(_NBUF):
        _load_idx(b, b)
        gd[b].start()

    def _group(i, _):
        for b in range(_NBUF):
            gd[b].wait()
            sd[b].start(add=True)
        for b in range(_NBUF):
            sd[b].wait()
            _load_idx((i + 1) * _NBUF + b, b)
            gd[b].start()
        return _
    lax.fori_loop(0, _NGRP - 1, _group, None)

    for b in range(_NBUF):
        gd[b].wait()
        sd[b].start(add=True)
    for b in range(_NBUF):
        sd[b].wait()

    plsc.subcore_barrier()
    pltpu.sync_copy(acc.at[pl.ds(s * _RPT, _RPT)],
                    out.at[pl.ds(c * _NP + s * _RPT, _RPT)])


@functools.partial(
    pl.kernel,
    out_type=jax.ShapeDtypeStruct((_NC * _NP, _D), _f32),
    mesh=_sc_mesh(),
    scratch_types=[
        [pltpu.VMEM((_CH, _D), _f32)] * _NBUF,
        [pltpu.VMEM((_CH,), jnp.int32)] * _NBUF,
        [pltpu.VMEM((_CH,), jnp.int32)] * _NBUF,
        pltpu.VMEM_SHARED((_NP, _D), _f32),
        [pltpu.SemaphoreType.DMA] * _NBUF,
        [pltpu.SemaphoreType.DMA] * _NBUF,
    ],
)
def _agg_kernel(tbl, srcp, dstp, out, rows, idx_s, idx_d, acc, gsem, ssem):
    _agg_body(tbl, srcp, dstp, out, rows, idx_s, idx_d, acc, gsem, ssem)


_BLK = 1000
_GRID = _N // _BLK


def _k2_body(x_ref, w1_ref, deg_ref, h1s_ref, dinv_ref):
    deg = deg_ref[:, 0:1] + deg_ref[:, 1:2] + 1.0
    dinv = lax.rsqrt(deg)
    dinvb = jnp.broadcast_to(dinv, (_BLK, _D))
    h = jnp.dot(x_ref[:, :], w1_ref[:, :], preferred_element_type=_f32)
    h1s_ref[:, :] = h * dinvb
    dinv_ref[:, :] = dinvb


def _k2(x, W1, deg2):
    return pl.pallas_call(
        _k2_body,
        grid=(_GRID,),
        in_specs=[
            pl.BlockSpec((_BLK, _D), lambda i: (i, 0)),
            pl.BlockSpec((_D, _D), lambda i: (0, 0)),
            pl.BlockSpec((_BLK, 2), lambda i: (i, 0)),
        ],
        out_specs=[
            pl.BlockSpec((_BLK, _D), lambda i: (i, 0)),
            pl.BlockSpec((_BLK, _D), lambda i: (i, 0)),
        ],
        out_shape=[
            jax.ShapeDtypeStruct((_N, _D), _f32),
            jax.ShapeDtypeStruct((_N, _D), _f32),
        ],
    )(x, W1, deg2)


def _k4_body(s0_ref, s1_ref, h1s_ref, dinv_ref, b1_ref, w2_ref, h2s_ref):
    z = (s0_ref[:, :] + s1_ref[:, :] + h1s_ref[:, :]) * dinv_ref[:, :]
    z = z + b1_ref[:, :]
    h2 = jnp.maximum(z, 0.0)
    h2s_ref[:, :] = jnp.dot(h2, w2_ref[:, :],
                            preferred_element_type=_f32) * dinv_ref[:, :]


def _k4(s0, s1, h1s, dinvb, b1, W2):
    return pl.pallas_call(
        _k4_body,
        grid=(_GRID,),
        in_specs=[
            pl.BlockSpec((_BLK, _D), lambda i: (i, 0)),
            pl.BlockSpec((_BLK, _D), lambda i: (i, 0)),
            pl.BlockSpec((_BLK, _D), lambda i: (i, 0)),
            pl.BlockSpec((_BLK, _D), lambda i: (i, 0)),
            pl.BlockSpec((1, _D), lambda i: (0, 0)),
            pl.BlockSpec((_D, _D), lambda i: (0, 0)),
        ],
        out_specs=pl.BlockSpec((_BLK, _D), lambda i: (i, 0)),
        out_shape=jax.ShapeDtypeStruct((_N, _D), _f32),
    )(s0, s1, h1s, dinvb, b1, W2)


def _k6_body(s0_ref, s1_ref, h2s_ref, dinv_ref, b2_ref, x_ref, out_ref):
    z = (s0_ref[:, :] + s1_ref[:, :] + h2s_ref[:, :]) * dinv_ref[:, :]
    out_ref[:, :] = z + b2_ref[:, :] + x_ref[:, :]


def _k6(s0, s1, h2s, dinvb, b2, x):
    return pl.pallas_call(
        _k6_body,
        grid=(_GRID,),
        in_specs=[
            pl.BlockSpec((_BLK, _D), lambda i: (i, 0)),
            pl.BlockSpec((_BLK, _D), lambda i: (i, 0)),
            pl.BlockSpec((_BLK, _D), lambda i: (i, 0)),
            pl.BlockSpec((_BLK, _D), lambda i: (i, 0)),
            pl.BlockSpec((1, _D), lambda i: (0, 0)),
            pl.BlockSpec((_BLK, _D), lambda i: (i, 0)),
        ],
        out_specs=pl.BlockSpec((_BLK, _D), lambda i: (i, 0)),
        out_shape=jax.ShapeDtypeStruct((_N, _D), _f32),
    )(s0, s1, h2s, dinvb, b2, x)


def kernel(x, edge_index, W1, b1, W2, b2):
    src = edge_index[0]
    dst = edge_index[1]
    pad = _EP - _E
    pad_iota = lax.iota(jnp.int32, pad)
    srcp = jnp.concatenate([src, pad_iota % _N])
    dstp = jnp.concatenate([dst, _N + pad_iota % (_NP - _N)])

    degp = _deg_kernel(dstp)
    deg2 = jnp.stack([degp[:_N, 0], degp[_NP:_NP + _N, 0]], axis=1)

    h1s, dinvb = _k2(x, W1, deg2)

    s1 = _agg_kernel(h1s, srcp, dstp)
    h2s = _k4(s1[:_N], s1[_NP:_NP + _N], h1s, dinvb,
              b1.reshape(1, _D), W2)

    s2 = _agg_kernel(h2s, srcp, dstp)
    return _k6(s2[:_N], s2[_NP:_NP + _N], h2s, dinvb,
               b2.reshape(1, _D), x)

# --- scband reference (transcript-rebuilt; emitter-appended) ---
"""Pipeline reference for scband-gcnembed-43559558316064 (READ-ONLY COPY).

The authoritative reference and input builder live on the scoring server;
editing this copy changes nothing except your own understanding.
"""

import jax, jax.numpy as jnp
import numpy as np

N = 10000
E = 320000
D_IN = 128
D_HID = 128
D_OUT = 128


def _glorot(key, fan_in, fan_out):
    limit = float(np.sqrt(6.0 / (fan_in + fan_out)))
    return jax.random.uniform(key, (fan_in, fan_out), minval=-limit, maxval=limit, dtype=jnp.float32)


def setup_inputs(seed: int = 0) -> dict:
    key = jax.random.key(seed)
    k1, k2, k3, k4 = jax.random.split(key, 4)
    x = jax.random.normal(k1, (N, D_IN), dtype=jnp.float32)
    edge_index = jax.random.randint(k2, (2, E), 0, N, dtype=jnp.int32)
    W1 = _glorot(k3, D_IN, D_HID)
    b1 = jnp.zeros((D_HID,), dtype=jnp.float32)
    W2 = _glorot(k4, D_HID, D_OUT)
    b2 = jnp.zeros((D_OUT,), dtype=jnp.float32)
    return {"x": x, "edge_index": edge_index, "W1": W1, "b1": b1, "W2": W2, "b2": b2}


def _gcn_conv(h, edge_index, W, b):
    # PyG-style GCNConv: x' = D^{-1/2} (A + I) D^{-1/2} (x W) + b
    h = h @ W
    src = edge_index[0]
    dst = edge_index[1]
    loop = jnp.arange(N, dtype=src.dtype)
    src_f = jnp.concatenate([src, loop])
    dst_f = jnp.concatenate([dst, loop])
    deg = jax.ops.segment_sum(jnp.ones_like(dst_f, dtype=h.dtype), dst_f, num_segments=N)
    dinv = jnp.where(deg > 0, jax.lax.rsqrt(deg), 0.0)
    norm = dinv[src_f] * dinv[dst_f]
    msg = h[src_f] * norm[:, None]
    out = jax.ops.segment_sum(msg, dst_f, num_segments=N)
    return out + b


def reference(x, edge_index, W1, b1, W2, b2):
    identity = x
    h = jax.nn.relu(_gcn_conv(x, edge_index, W1, b1))
    # dropout p=0.5 is identity in eval mode (training=False)
    out = _gcn_conv(h, edge_index, W2, b2)
    # use_residual=True and in_channels == out_channels -> no projection
    out = out + identity
    return out

if __name__ == "__main__":
    import jax
    _d = setup_inputs()
    print(jax.jit(kernel)(*tuple(_d.values())))

</pallas_src>

<mosaic_0001>
#map = affine_map<(d0, d1) -> (0)>
#map1 = affine_map<(d0, d1) -> (0, 0)>
module attributes {stable_mosaic.version = 14 : i64} {
  func.func @_deg_kernel(%arg0: i32, %arg1: i32, %arg2: memref<322560xi32, #tpu.memory_space<hbm>>, %arg3: memref<20224x128xf32, #tpu.memory_space<hbm>>, %arg4: memref<112x128xf32, #tpu.memory_space<vmem>>, %arg5: memref<112xi32, #tpu.memory_space<vmem>>, %arg6: memref<10112x128xf32, #tpu.memory_space<vmem_shared>>) attributes {dimension_semantics = [#tpu.dimension_semantics<core_parallel>, #tpu.dimension_semantics<subcore_parallel>], iteration_bounds = array<i64: 2, 16>, scalar_prefetch = 0 : i64, scratch_operands = 3 : i64, tpu.core_type = #tpu.core_type<sc_vector_subcore>, window_params = [{transform_indices = #map}, {transform_indices = #map1}]} {
    %mul3A = arith.constant 16 : i32
    %mul3A_0 = arith.muli %arg0, %mul3A : i32
    %add3A = arith.addi %mul3A_0, %arg1 : i32
    %scan3A = arith.constant 0 : i32
    %scan3A_1 = arith.constant 896 : i32
    %scan3A_2 = arith.addi %scan3A, %scan3A_1 : i32
    %scan3A_3 = arith.constant 1 : i32
    scf.for %scan3A_51 = %scan3A to %scan3A_2 step %scan3A_3  : i32 {
      %jit3A = arith.constant 8 : i32
      %div3A = arith.divsi %scan3A_51, %jit3A : i32
      %sign3A = arith.constant 0 : i32
      %sign3A_52 = arith.cmpi sgt, %scan3A_51, %sign3A : i32
      %sign3A_53 = arith.extui %sign3A_52 : i1 to i32
      %sign3A_54 = arith.constant 0 : i32
      %sign3A_55 = arith.cmpi slt, %scan3A_51, %sign3A_54 : i32
      %sign3A_56 = arith.extui %sign3A_55 : i1 to i32
      %sign3A_57 = arith.subi %sign3A_53, %sign3A_56 : i32
      %sign3A_58 = arith.constant 0 : i32
      %sign3A_59 = arith.cmpi sgt, %jit3A, %sign3A_58 : i32
      %sign3A_60 = arith.extui %sign3A_59 : i1 to i32
      %sign3A_61 = arith.constant 0 : i32
      %sign3A_62 = arith.cmpi slt, %jit3A, %sign3A_61 : i32
      %sign3A_63 = arith.extui %sign3A_62 : i1 to i32
      %sign3A_64 = arith.subi %sign3A_60, %sign3A_63 : i32
      %ne3A = arith.cmpi ne, %sign3A_57, %sign3A_64 : i32
      %rem3A = arith.remsi %scan3A_51, %jit3A : i32
      %ne3A_65 = arith.constant 0 : i32
      %ne3A_66 = arith.cmpi ne, %rem3A, %ne3A_65 : i32
      %and3A = arith.andi %ne3A, %ne3A_66 : i1
      %sub3A = arith.constant 1 : i32
      %sub3A_67 = arith.subi %div3A, %sub3A : i32
      %select_n3A = arith.select %and3A, %sub3A_67, %div3A : i32
      %jit3A_68 = arith.constant 8 : i32
      %eq3A = arith.constant 0 : i32
      %eq3A_69 = arith.cmpi eq, %jit3A_68, %eq3A : i32
      %jit3A_70 = arith.constant 1 : i32
      %select_n3A_71 = arith.select %eq3A_69, %jit3A_70, %jit3A_68 : i32
      %rem3A_72 = arith.remsi %scan3A_51, %select_n3A_71 : i32
      %ne3A_73 = arith.constant 0 : i32
      %ne3A_74 = arith.cmpi ne, %rem3A_72, %ne3A_73 : i32
      %lt3A = arith.constant 0 : i32
      %lt3A_75 = arith.cmpi slt, %rem3A_72, %lt3A : i32
      %lt3A_76 = arith.constant 0 : i32
      %lt3A_77 = arith.cmpi slt, %select_n3A_71, %lt3A_76 : i32
      %ne3A_78 = arith.xori %lt3A_75, %lt3A_77 : i1
      %and3A_79 = arith.andi %ne3A_78, %ne3A_74 : i1
      %add3A_80 = arith.addi %rem3A_72, %select_n3A_71 : i32
      %select_n3A_81 = arith.select %and3A_79, %add3A_80, %rem3A_72 : i32
      %mul3A_82 = arith.constant 16 : i32
      %mul3A_83 = arith.muli %select_n3A_81, %mul3A_82 : i32
      %broadcast_in_dim3A = arith.constant 0.000000e+00 : f32
      %broadcast_in_dim3A_84 = vector.broadcast %broadcast_in_dim3A : f32 to vector<16xf32>
      %swap3A = arith.index_cast %select_n3A : i32 to index
      %swap3A_85 = arith.index_cast %mul3A_83 : i32 to index
      %swap3A_86 = tpu.vector_load %arg4[%swap3A, %swap3A_85] {strides = array<i32>} : memref<112x128xf32, #tpu.memory_space<vmem>>, vector<1x16xf32>,
      %swap3A_87 = vector.shape_cast %swap3A_86 : vector<1x16xf32> to vector<16xf32>
      %swap3A_88 = vector.shape_cast %broadcast_in_dim3A_84 : vector<16xf32> to vector<1x16xf32>
      tpu.vector_store %arg4[%swap3A, %swap3A_85], %swap3A_88 {strides = array<i32>} : memref<112x128xf32, #tpu.memory_space<vmem>>, vector<1x16xf32>,
    }
    %scan3A_4 = arith.constant 896 : i32
    %mul3A_5 = arith.constant 632 : i32
    %mul3A_6 = arith.muli %arg1, %mul3A_5 : i32
    %add3A_7 = arith.constant 0 : i32
    %add3A_8 = arith.addi %mul3A_6, %add3A_7 : i32
    "tpu.region"() ({
      %run_scoped3A = tpu.sem_alloc : memref<!tpu.dma_semaphore, #tpu.memory_space<semaphore_mem>>
      %dma_start3A = arith.constant 0 : i32
      %dma_start3A_51 = tpu.memref_slice %arg6[%add3A_8, %dma_start3A] : memref<10112x128xf32, #tpu.memory_space<vmem_shared>> -> memref<112x128xf32, #tpu.memory_space<vmem_shared>>
      %dma_start3A_52 = arith.constant 0 : i32
      %dma_start3A_53 = tpu.memref_slice %arg6[%add3A_8, %dma_start3A_52] : memref<10112x128xf32, #tpu.memory_space<vmem_shared>> -> memref<112x128xf32, #tpu.memory_space<vmem_shared>>
      tpu.enqueue_dma source(%arg4 : memref<112x128xf32, #tpu.memory_space<vmem>>) target(%dma_start3A_53 : memref<112x128xf32, #tpu.memory_space<vmem_shared>>) target_semaphore(%run_scoped3A : memref<!tpu.dma_semaphore, #tpu.memory_space<semaphore_mem>>)
      %dma_wait3A = arith.constant 0 : i32
      %dma_wait3A_54 = tpu.memref_slice %arg6[%add3A_8, %dma_wait3A] : memref<10112x128xf32, #tpu.memory_space<vmem_shared>> -> memref<112x128xf32, #tpu.memory_space<vmem_shared>>
      %dma_wait3A_55 = arith.constant 0 : i32
      %dma_wait3A_56 = tpu.memref_slice %arg6[%add3A_8, %dma_wait3A_55] : memref<10112x128xf32, #tpu.memory_space<vmem_shared>> -> memref<112x128xf32, #tpu.memory_space<vmem_shared>>
      tpu.wait_dma2 semaphore(%run_scoped3A : memref<!tpu.dma_semaphore, #tpu.memory_space<semaphore_mem>>) src(%arg4 : memref<112x128xf32, #tpu.memory_space<vmem>>) dst(%dma_wait3A_56 : memref<112x128xf32, #tpu.memory_space<vmem_shared>>)
      tpu.yield
    }) : () -> ()
    %mul3A_9 = arith.constant 632 : i32
    %mul3A_10 = arith.muli %arg1, %mul3A_9 : i32
    %add3A_11 = arith.constant 112 : i32
    %add3A_12 = arith.addi %mul3A_10, %add3A_11 : i32
    "tpu.region"() ({
      %run_scoped3A = tpu.sem_alloc : memref<!tpu.dma_semaphore, #tpu.memory_space<semaphore_mem>>
      %dma_start3A = arith.constant 0 : i32
      %dma_start3A_51 = tpu.memref_slice %arg6[%add3A_12, %dma_start3A] : memref<10112x128xf32, #tpu.memory_space<vmem_shared>> -> memref<112x128xf32, #tpu.memory_space<vmem_shared>>
      %dma_start3A_52 = arith.constant 0 : i32
      %dma_start3A_53 = tpu.memref_slice %arg6[%add3A_12, %dma_start3A_52] : memref<10112x128xf32, #tpu.memory_space<vmem_shared>> -> memref<112x128xf32, #tpu.memory_space<vmem_shared>>
      tpu.enqueue_dma source(%arg4 : memref<112x128xf32, #tpu.memory_space<vmem>>) target(%dma_start3A_53 : memref<112x128xf32, #tpu.memory_space<vmem_shared>>) target_semaphore(%run_scoped3A : memref<!tpu.dma_semaphore, #tpu.memory_space<semaphore_mem>>)
      %dma_wait3A = arith.constant 0 : i32
      %dma_wait3A_54 = tpu.memref_slice %arg6[%add3A_12, %dma_wait3A] : memref<10112x128xf32, #tpu.memory_space<vmem_shared>> -> memref<112x128xf32, #tpu.memory_space<vmem_shared>>
      %dma_wait3A_55 = arith.constant 0 : i32
      %dma_wait3A_56 = tpu.memref_slice %arg6[%add3A_12, %dma_wait3A_55] : memref<10112x128xf32, #tpu.memory_space<vmem_shared>> -> memref<112x128xf32, #tpu.memory_space<vmem_shared>>
      tpu.wait_dma2 semaphore(%run_scoped3A : memref<!tpu.dma_semaphore, #tpu.memory_space<semaphore_mem>>) src(%arg4 : memref<112x128xf32, #tpu.memory_space<vmem>>) dst(%dma_wait3A_56 : memref<112x128xf32, #tpu.memory_space<vmem_shared>>)
      tpu.yield
    }) : () -> ()
    %mul3A_13 = arith.constant 632 : i32
    %mul3A_14 = arith.muli %arg1, %mul3A_13 : i32
    %add3A_15 = arith.constant 224 : i32
    %add3A_16 = arith.addi %mul3A_14, %add3A_15 : i32
    "tpu.region"() ({
      %run_scoped3A = tpu.sem_alloc : memref<!tpu.dma_semaphore, #tpu.memory_space<semaphore_mem>>
      %dma_start3A = arith.constant 0 : i32
      %dma_start3A_51 = tpu.memref_slice %arg6[%add3A_16, %dma_start3A] : memref<10112x128xf32, #tpu.memory_space<vmem_shared>> -> memref<112x128xf32, #tpu.memory_space<vmem_shared>>
      %dma_start3A_52 = arith.constant 0 : i32
      %dma_start3A_53 = tpu.memref_slice %arg6[%add3A_16, %dma_start3A_52] : memref<10112x128xf32, #tpu.memory_space<vmem_shared>> -> memref<112x128xf32, #tpu.memory_space<vmem_shared>>
      tpu.enqueue_dma source(%arg4 : memref<112x128xf32, #tpu.memory_space<vmem>>) target(%dma_start3A_53 : memref<112x128xf32, #tpu.memory_space<vmem_shared>>) target_semaphore(%run_scoped3A : memref<!tpu.dma_semaphore, #tpu.memory_space<semaphore_mem>>)
      %dma_wait3A = arith.constant 0 : i32
      %dma_wait3A_54 = tpu.memref_slice %arg6[%add3A_16, %dma_wait3A] : memref<10112x128xf32, #tpu.memory_space<vmem_shared>> -> memref<112x128xf32, #tpu.memory_space<vmem_shared>>
      %dma_wait3A_55 = arith.constant 0 : i32
      %dma_wait3A_56 = tpu.memref_slice %arg6[%add3A_16, %dma_wait3A_55] : memref<10112x128xf32, #tpu.memory_space<vmem_shared>> -> memref<112x128xf32, #tpu.memory_space<vmem_shared>>
      tpu.wait_dma2 semaphore(%run_scoped3A : memref<!tpu.dma_semaphore, #tpu.memory_space<semaphore_mem>>) src(%arg4 : memref<112x128xf32, #tpu.memory_space<vmem>>) dst(%dma_wait3A_56 : memref<112x128xf32, #tpu.memory_space<vmem_shared>>)
      tpu.yield
    }) : () -> ()
    %mul3A_17 = arith.constant 632 : i32
    %mul3A_18 = arith.muli %arg1, %mul3A_17 : i32
    %add3A_19 = arith.constant 336 : i32
    %add3A_20 = arith.addi %mul3A_18, %add3A_19 : i32
    "tpu.region"() ({
      %run_scoped3A = tpu.sem_alloc : memref<!tpu.dma_semaphore, #tpu.memory_space<semaphore_mem>>
      %dma_start3A = arith.constant 0 : i32
      %dma_start3A_51 = tpu.memref_slice %arg6[%add3A_20, %dma_start3A] : memref<10112x128xf32, #tpu.memory_space<vmem_shared>> -> memref<112x128xf32, #tpu.memory_space<vmem_shared>>
      %dma_start3A_52 = arith.constant 0 : i32
      %dma_start3A_53 = tpu.memref_slice %arg6[%add3A_20, %dma_start3A_52] : memref<10112x128xf32, #tpu.memory_space<vmem_shared>> -> memref<112x128xf32, #tpu.memory_space<vmem_shared>>
      tpu.enqueue_dma source(%arg4 : memref<112x128xf32, #tpu.memory_space<vmem>>) target(%dma_start3A_53 : memref<112x128xf32, #tpu.memory_space<vmem_shared>>) target_semaphore(%run_scoped3A : memref<!tpu.dma_semaphore, #tpu.memory_space<semaphore_mem>>)
      %dma_wait3A = arith.constant 0 : i32
      %dma_wait3A_54 = tpu.memref_slice %arg6[%add3A_20, %dma_wait3A] : memref<10112x128xf32, #tpu.memory_space<vmem_shared>> -> memref<112x128xf32, #tpu.memory_space<vmem_shared>>
      %dma_wait3A_55 = arith.constant 0 : i32
      %dma_wait3A_56 = tpu.memref_slice %arg6[%add3A_20, %dma_wait3A_55] : memref<10112x128xf32, #tpu.memory_space<vmem_shared>> -> memref<112x128xf32, #tpu.memory_space<vmem_shared>>
      tpu.wait_dma2 semaphore(%run_scoped3A : memref<!tpu.dma_semaphore, #tpu.memory_space<semaphore_mem>>) src(%arg4 : memref<112x128xf32, #tpu.memory_space<vmem>>) dst(%dma_wait3A_56 : memref<112x128xf32, #tpu.memory_space<vmem_shared>>)
      tpu.yield
    }) : () -> ()
    %mul3A_21 = arith.constant 632 : i32
    %mul3A_22 = arith.muli %arg1, %mul3A_21 : i32
    %add3A_23 = arith.constant 448 : i32
    %add3A_24 = arith.addi %mul3A_22, %add3A_23 : i32
    "tpu.region"() ({
      %run_scoped3A = tpu.sem_alloc : memref<!tpu.dma_semaphore, #tpu.memory_space<semaphore_mem>>
      %dma_start3A = arith.constant 0 : i32
      %dma_start3A_51 = tpu.memref_slice %arg6[%add3A_24, %dma_start3A] : memref<10112x128xf32, #tpu.memory_space<vmem_shared>> -> memref<112x128xf32, #tpu.memory_space<vmem_shared>>
      %dma_start3A_52 = arith.constant 0 : i32
      %dma_start3A_53 = tpu.memref_slice %arg6[%add3A_24, %dma_start3A_52] : memref<10112x128xf32, #tpu.memory_space<vmem_shared>> -> memref<112x128xf32, #tpu.memory_space<vmem_shared>>
      tpu.enqueue_dma source(%arg4 : memref<112x128xf32, #tpu.memory_space<vmem>>) target(%dma_start3A_53 : memref<112x128xf32, #tpu.memory_space<vmem_shared>>) target_semaphore(%run_scoped3A : memref<!tpu.dma_semaphore, #tpu.memory_space<semaphore_mem>>)
      %dma_wait3A = arith.constant 0 : i32
      %dma_wait3A_54 = tpu.memref_slice %arg6[%add3A_24, %dma_wait3A] : memref<10112x128xf32, #tpu.memory_space<vmem_shared>> -> memref<112x128xf32, #tpu.memory_space<vmem_shared>>
      %dma_wait3A_55 = arith.constant 0 : i32
      %dma_wait3A_56 = tpu.memref_slice %arg6[%add3A_24, %dma_wait3A_55] : memref<10112x128xf32, #tpu.memory_space<vmem_shared>> -> memref<112x128xf32, #tpu.memory_space<vmem_shared>>
      tpu.wait_dma2 semaphore(%run_scoped3A : memref<!tpu.dma_semaphore, #tpu.memory_space<semaphore_mem>>) src(%arg4 : memref<112x128xf32, #tpu.memory_space<vmem>>) dst(%dma_wait3A_56 : memref<112x128xf32, #tpu.memory_space<vmem_shared>>)
      tpu.yield
    }) : () -> ()
    %mul3A_25 = arith.constant 632 : i32
    %mul3A_26 = arith.muli %arg1, %mul3A_25 : i32
    %add3A_27 = arith.constant 560 : i32
    %add3A_28 = arith.addi %mul3A_26, %add3A_27 : i32
    "tpu.region"() ({
      %run_scoped3A = tpu.sem_alloc : memref<!tpu.dma_semaphore, #tpu.memory_space<semaphore_mem>>
      %dma_start3A = arith.constant 0 : i32
      %dma_start3A_51 = arith.constant 0 : i32
      %dma_start3A_52 = tpu.memref_slice %arg4[%dma_start3A, %dma_start3A_51] : memref<112x128xf32, #tpu.memory_space<vmem>> -> memref<72x128xf32, #tpu.memory_space<vmem>>
      %dma_start3A_53 = arith.constant 0 : i32
      %dma_start3A_54 = tpu.memref_slice %arg6[%add3A_28, %dma_start3A_53] : memref<10112x128xf32, #tpu.memory_space<vmem_shared>> -> memref<72x128xf32, #tpu.memory_space<vmem_shared>>
      %dma_start3A_55 = arith.constant 0 : i32
      %dma_start3A_56 = tpu.memref_slice %arg6[%add3A_28, %dma_start3A_55] : memref<10112x128xf32, #tpu.memory_space<vmem_shared>> -> memref<72x128xf32, #tpu.memory_space<vmem_shared>>
      %dma_start3A_57 = arith.constant 0 : i32
      %dma_start3A_58 = arith.constant 0 : i32
      %dma_start3A_59 = tpu.memref_slice %arg4[%dma_start3A_57, %dma_start3A_58] : memref<112x128xf32, #tpu.memory_space<vmem>> -> memref<72x128xf32, #tpu.memory_space<vmem>>
      tpu.enqueue_dma source(%dma_start3A_59 : memref<72x128xf32, #tpu.memory_space<vmem>>) target(%dma_start3A_56 : memref<72x128xf32, #tpu.memory_space<vmem_shared>>) target_semaphore(%run_scoped3A : memref<!tpu.dma_semaphore, #tpu.memory_space<semaphore_mem>>)
      %dma_wait3A = arith.constant 0 : i32
      %dma_wait3A_60 = arith.constant 0 : i32
      %dma_wait3A_61 = tpu.memref_slice %arg4[%dma_wait3A, %dma_wait3A_60] : memref<112x128xf32, #tpu.memory_space<vmem>> -> memref<72x128xf32, #tpu.memory_space<vmem>>
      %dma_wait3A_62 = arith.constant 0 : i32
      %dma_wait3A_63 = tpu.memref_slice %arg6[%add3A_28, %dma_wait3A_62] : memref<10112x128xf32, #tpu.memory_space<vmem_shared>> -> memref<72x128xf32, #tpu.memory_space<vmem_shared>>
      %dma_wait3A_64 = arith.constant 0 : i32
      %dma_wait3A_65 = tpu.memref_slice %arg6[%add3A_28, %dma_wait3A_64] : memref<10112x128xf32, #tpu.memory_space<vmem_shared>> -> memref<72x128xf32, #tpu.memory_space<vmem_shared>>
      %dma_wait3A_66 = arith.constant 0 : i32
      %dma_wait3A_67 = arith.constant 0 : i32
      %dma_wait3A_68 = tpu.memref_slice %arg4[%dma_wait3A_66, %dma_wait3A_67] : memref<112x128xf32, #tpu.memory_space<vmem>> -> memref<72x128xf32, #tpu.memory_space<vmem>>
      tpu.wait_dma2 semaphore(%run_scoped3A : memref<!tpu.dma_semaphore, #tpu.memory_space<semaphore_mem>>) src(%dma_wait3A_68 : memref<72x128xf32, #tpu.memory_space<vmem>>) dst(%dma_wait3A_65 : memref<72x128xf32, #tpu.memory_space<vmem_shared>>)
      tpu.yield
    }) : () -> ()
    %barrier3A = arith.constant 0 : index
    tpu.barrier barrier_id(%barrier3A)
    %scan3A_29 = arith.constant 0 : i32
    %scan3A_30 = arith.constant 896 : i32
    %scan3A_31 = arith.addi %scan3A_29, %scan3A_30 : i32
    %scan3A_32 = arith.constant 1 : i32
    scf.for %scan3A_51 = %scan3A_29 to %scan3A_31 step %scan3A_32  : i32 {
      %jit3A = arith.constant 8 : i32
      %div3A = arith.divsi %scan3A_51, %jit3A : i32
      %sign3A = arith.constant 0 : i32
      %sign3A_52 = arith.cmpi sgt, %scan3A_51, %sign3A : i32
      %sign3A_53 = arith.extui %sign3A_52 : i1 to i32
      %sign3A_54 = arith.constant 0 : i32
      %sign3A_55 = arith.cmpi slt, %scan3A_51, %sign3A_54 : i32
      %sign3A_56 = arith.extui %sign3A_55 : i1 to i32
      %sign3A_57 = arith.subi %sign3A_53, %sign3A_56 : i32
      %sign3A_58 = arith.constant 0 : i32
      %sign3A_59 = arith.cmpi sgt, %jit3A, %sign3A_58 : i32
      %sign3A_60 = arith.extui %sign3A_59 : i1 to i32
      %sign3A_61 = arith.constant 0 : i32
      %sign3A_62 = arith.cmpi slt, %jit3A, %sign3A_61 : i32
      %sign3A_63 = arith.extui %sign3A_62 : i1 to i32
      %sign3A_64 = arith.subi %sign3A_60, %sign3A_63 : i32
      %ne3A = arith.cmpi ne, %sign3A_57, %sign3A_64 : i32
      %rem3A = arith.remsi %scan3A_51, %jit3A : i32
      %ne3A_65 = arith.constant 0 : i32
      %ne3A_66 = arith.cmpi ne, %rem3A, %ne3A_65 : i32
      %and3A = arith.andi %ne3A, %ne3A_66 : i1
      %sub3A = arith.constant 1 : i32
      %sub3A_67 = arith.subi %div3A, %sub3A : i32
      %select_n3A = arith.select %and3A, %sub3A_67, %div3A : i32
      %jit3A_68 = arith.constant 8 : i32
      %eq3A = arith.constant 0 : i32
      %eq3A_69 = arith.cmpi eq, %jit3A_68, %eq3A : i32
      %jit3A_70 = arith.constant 1 : i32
      %select_n3A_71 = arith.select %eq3A_69, %jit3A_70, %jit3A_68 : i32
      %rem3A_72 = arith.remsi %scan3A_51, %select_n3A_71 : i32
      %ne3A_73 = arith.constant 0 : i32
      %ne3A_74 = arith.cmpi ne, %rem3A_72, %ne3A_73 : i32
      %lt3A = arith.constant 0 : i32
      %lt3A_75 = arith.cmpi slt, %rem3A_72, %lt3A : i32
      %lt3A_76 = arith.constant 0 : i32
      %lt3A_77 = arith.cmpi slt, %select_n3A_71, %lt3A_76 : i32
      %ne3A_78 = arith.xori %lt3A_75, %lt3A_77 : i1
      %and3A_79 = arith.andi %ne3A_78, %ne3A_74 : i1
      %add3A_80 = arith.addi %rem3A_72, %select_n3A_71 : i32
      %select_n3A_81 = arith.select %and3A_79, %add3A_80, %rem3A_72 : i32
      %mul3A_82 = arith.constant 16 : i32
      %mul3A_83 = arith.muli %select_n3A_81, %mul3A_82 : i32
      %broadcast_in_dim3A = arith.constant 1.000000e+00 : f32
      %broadcast_in_dim3A_84 = vector.broadcast %broadcast_in_dim3A : f32 to vector<16xf32>
      %swap3A = arith.index_cast %select_n3A : i32 to index
      %swap3A_85 = arith.index_cast %mul3A_83 : i32 to index
      %swap3A_86 = tpu.vector_load %arg4[%swap3A, %swap3A_85] {strides = array<i32>} : memref<112x128xf32, #tpu.memory_space<vmem>>, vector<1x16xf32>,
      %swap3A_87 = vector.shape_cast %swap3A_86 : vector<1x16xf32> to vector<16xf32>
      %swap3A_88 = vector.shape_cast %broadcast_in_dim3A_84 : vector<16xf32> to vector<1x16xf32>
      tpu.vector_store %arg4[%swap3A, %swap3A_85], %swap3A_88 {strides = array<i32>} : memref<112x128xf32, #tpu.memory_space<vmem>>, vector<1x16xf32>,
    }
    %scan3A_33 = arith.constant 896 : i32
    %mul3A_34 = arith.constant 90 : i32
    %mul3A_35 = arith.muli %add3A, %mul3A_34 : i32
    %mul3A_36 = arith.constant 112 : i32
    %mul3A_37 = arith.muli %mul3A_35, %mul3A_36 : i32
    %scan3A_38 = arith.constant 0 : i32
    %scan3A_39 = arith.constant 90 : i32
    %scan3A_40 = arith.addi %scan3A_38, %scan3A_39 : i32
    %scan3A_41 = arith.constant 1 : i32
    scf.for %scan3A_51 = %scan3A_38 to %scan3A_40 step %scan3A_41  : i32 {
      %mul3A_52 = arith.constant 112 : i32
      %mul3A_53 = arith.muli %scan3A_51, %mul3A_52 : i32
      %add3A_54 = arith.addi %mul3A_37, %mul3A_53 : i32
      "tpu.region"() ({
        %run_scoped3A = tpu.sem_alloc : memref<!tpu.dma_semaphore, #tpu.memory_space<semaphore_mem>>
        %dma_start3A = tpu.memref_slice %arg2[%add3A_54] : memref<322560xi32, #tpu.memory_space<hbm>> -> memref<112xi32, #tpu.memory_space<hbm>>
        %dma_start3A_55 = tpu.memref_slice %arg2[%add3A_54] : memref<322560xi32, #tpu.memory_space<hbm>> -> memref<112xi32, #tpu.memory_space<hbm>>
        tpu.enqueue_dma source(%dma_start3A_55 : memref<112xi32, #tpu.memory_space<hbm>>) target(%arg5 : memref<112xi32, #tpu.memory_space<vmem>>) target_semaphore(%run_scoped3A : memref<!tpu.dma_semaphore, #tpu.memory_space<semaphore_mem>>)
        %dma_wait3A = tpu.memref_slice %arg2[%add3A_54] : memref<322560xi32, #tpu.memory_space<hbm>> -> memref<112xi32, #tpu.memory_space<hbm>>
        %dma_wait3A_56 = tpu.memref_slice %arg2[%add3A_54] : memref<322560xi32, #tpu.memory_space<hbm>> -> memref<112xi32, #tpu.memory_space<hbm>>
        tpu.wait_dma2 semaphore(%run_scoped3A : memref<!tpu.dma_semaphore, #tpu.memory_space<semaphore_mem>>) src(%dma_wait3A_56 : memref<112xi32, #tpu.memory_space<hbm>>) dst(%arg5 : memref<112xi32, #tpu.memory_space<vmem>>)
        tpu.yield
      }) : () -> ()
      "tpu.region"() ({
        %run_scoped3A = tpu.sem_alloc : memref<!tpu.dma_semaphore, #tpu.memory_space<semaphore_mem>>
        %dma_start3A = arith.constant 0 : i32
        %dma_start3A_55 = arith.constant 0 : i32
        %dma_start3A_56 = tpu.memref_slice %arg6[%dma_start3A, %dma_start3A_55] : memref<10112x128xf32, #tpu.memory_space<vmem_shared>> -> memref<10112x128xf32, #tpu.memory_space<vmem_shared>>
        tpu.enqueue_indirect_dma source(%arg4 : memref<112x128xf32, #tpu.memory_space<vmem>>) target(%dma_start3A_56 : memref<10112x128xf32, #tpu.memory_space<vmem_shared>>) offsets(%arg5 : memref<112xi32, #tpu.memory_space<vmem>>) semaphore(%run_scoped3A : memref<!tpu.dma_semaphore, #tpu.memory_space<semaphore_mem>>) {add = true}
        %dma_wait3A = arith.constant 0 : i32
        %dma_wait3A_57 = arith.constant 0 : i32
        %dma_wait3A_58 = tpu.memref_slice %arg6[%dma_wait3A, %dma_wait3A_57] : memref<10112x128xf32, #tpu.memory_space<vmem_shared>> -> memref<10112x128xf32, #tpu.memory_space<vmem_shared>>
        tpu.wait_indirect_dma semaphore(%run_scoped3A : memref<!tpu.dma_semaphore, #tpu.memory_space<semaphore_mem>>) src(%arg4 : memref<112x128xf32, #tpu.memory_space<vmem>>) dst(%dma_wait3A_58 : memref<10112x128xf32, #tpu.memory_space<vmem_shared>>)
        tpu.yield
      }) : () -> ()
    }
    %scan3A_42 = arith.constant 90 : i32
    %barrier3A_43 = arith.constant 0 : index
    tpu.barrier barrier_id(%barrier3A_43)
    %mul3A_44 = arith.constant 632 : i32
    %mul3A_45 = arith.muli %arg1, %mul3A_44 : i32
    %mul3A_46 = arith.constant 10112 : i32
    %mul3A_47 = arith.muli %arg0, %mul3A_46 : i32
    %mul3A_48 = arith.constant 632 : i32
    %mul3A_49 = arith.muli %arg1, %mul3A_48 : i32
    %add3A_50 = arith.addi %mul3A_47, %mul3A_49 : i32
    "tpu.region"() ({
      %run_scoped3A = tpu.sem_alloc : memref<!tpu.dma_semaphore, #tpu.memory_space<semaphore_mem>>
      %dma_start3A = arith.constant 0 : i32
      %dma_start3A_51 = tpu.memref_slice %arg3[%add3A_50, %dma_start3A] : memref<20224x128xf32, #tpu.memory_space<hbm>> -> memref<632x128xf32, #tpu.memory_space<hbm>>
      %dma_start3A_52 = arith.constant 0 : i32
      %dma_start3A_53 = tpu.memref_slice %arg6[%mul3A_45, %dma_start3A_52] : memref<10112x128xf32, #tpu.memory_space<vmem_shared>> -> memref<632x128xf32, #tpu.memory_space<vmem_shared>>
      tpu.enqueue_dma source(%dma_start3A_53 : memref<632x128xf32, #tpu.memory_space<vmem_shared>>) target(%dma_start3A_51 : memref<632x128xf32, #tpu.memory_space<hbm>>) target_semaphore(%run_scoped3A : memref<!tpu.dma_semaphore, #tpu.memory_space<semaphore_mem>>)
      %dma_wait3A = arith.constant 0 : i32
      %dma_wait3A_54 = tpu.memref_slice %arg3[%add3A_50, %dma_wait3A] : memref<20224x128xf32, #tpu.memory_space<hbm>> -> memref<632x128xf32, #tpu.memory_space<hbm>>
      %dma_wait3A_55 = arith.constant 0 : i32
      %dma_wait3A_56 = tpu.memref_slice %arg6[%mul3A_45, %dma_wait3A_55] : memref<10112x128xf32, #tpu.memory_space<vmem_shared>> -> memref<632x128xf32, #tpu.memory_space<vmem_shared>>
      tpu.wait_dma2 semaphore(%run_scoped3A : memref<!tpu.dma_semaphore, #tpu.memory_space<semaphore_mem>>) src(%dma_wait3A_56 : memref<632x128xf32, #tpu.memory_space<vmem_shared>>) dst(%dma_wait3A_54 : memref<632x128xf32, #tpu.memory_space<hbm>>)
      tpu.yield
    }) : () -> ()
    return
  }
}

#map = affine_map<(d0, d1) -> (0, 0)>
#map1 = affine_map<(d0, d1) -> (0)>
module attributes {stable_mosaic.version = 14 : i64} {
  func.func @_agg_kernel(%arg0: i32, %arg1: i32, %arg2: memref<10000x128xf32, #tpu.memory_space<hbm>>, %arg3: memref<322560xi32, #tpu.memory_space<hbm>>, %arg4: memref<322560xi32, #tpu.memory_space<hbm>>, %arg5: memref<20224x128xf32, #tpu.memory_space<hbm>>, %arg6: memref<112x128xf32, #tpu.memory_space<vmem>>, %arg7: memref<112x128xf32, #tpu.memory_space<vmem>>, %arg8: memref<112x128xf32, #tpu.memory_space<vmem>>, %arg9: memref<112xi32, #tpu.memory_space<vmem>>, %arg10: memref<112xi32, #tpu.memory_space<vmem>>, %arg11: memref<112xi32, #tpu.memory_space<vmem>>, %arg12: memref<112xi32, #tpu.memory_space<vmem>>, %arg13: memref<112xi32, #tpu.memory_space<vmem>>, %arg14: memref<112xi32, #tpu.memory_space<vmem>>, %arg15: memref<10112x128xf32, #tpu.memory_space<vmem_shared>>, %arg16: memref<!tpu.dma_semaphore, #tpu.memory_space<semaphore_mem>>, %arg17: memref<!tpu.dma_semaphore, #tpu.memory_space<semaphore_mem>>, %arg18: memref<!tpu.dma_semaphore, #tpu.memory_space<semaphore_mem>>, %arg19: memref<!tpu.dma_semaphore, #tpu.memory_space<semaphore_mem>>, %arg20: memref<!tpu.dma_semaphore, #tpu.memory_space<semaphore_mem>>, %arg21: memref<!tpu.dma_semaphore, #tpu.memory_space<semaphore_mem>>) attributes {dimension_semantics = [#tpu.dimension_semantics<core_parallel>, #tpu.dimension_semantics<subcore_parallel>], iteration_bounds = array<i64: 2, 16>, scalar_prefetch = 0 : i64, scratch_operands = 16 : i64, tpu.core_type = #tpu.core_type<sc_vector_subcore>, window_params = [{transform_indices = #map}, {transform_indices = #map1}, {transform_indices = #map1}, {transform_indices = #map}]} {
    %mul3A = arith.constant 16 : i32
    %mul3A_0 = arith.muli %arg0, %mul3A : i32
    %add3A = arith.addi %mul3A_0, %arg1 : i32
    %scan3A = arith.constant 0 : i32
    %scan3A_1 = arith.constant 896 : i32
    %scan3A_2 = arith.addi %scan3A, %scan3A_1 : i32
    %scan3A_3 = arith.constant 1 : i32
    scf.for %scan3A_86 = %scan3A to %scan3A_2 step %scan3A_3  : i32 {
      %jit3A = arith.constant 8 : i32
      %div3A = arith.divsi %scan3A_86, %jit3A : i32
      %sign3A = arith.constant 0 : i32
      %sign3A_87 = arith.cmpi sgt, %scan3A_86, %sign3A : i32
      %sign3A_88 = arith.extui %sign3A_87 : i1 to i32
      %sign3A_89 = arith.constant 0 : i32
      %sign3A_90 = arith.cmpi slt, %scan3A_86, %sign3A_89 : i32
      %sign3A_91 = arith.extui %sign3A_90 : i1 to i32
      %sign3A_92 = arith.subi %sign3A_88, %sign3A_91 : i32
      %sign3A_93 = arith.constant 0 : i32
      %sign3A_94 = arith.cmpi sgt, %jit3A, %sign3A_93 : i32
      %sign3A_95 = arith.extui %sign3A_94 : i1 to i32
      %sign3A_96 = arith.constant 0 : i32
      %sign3A_97 = arith.cmpi slt, %jit3A, %sign3A_96 : i32
      %sign3A_98 = arith.extui %sign3A_97 : i1 to i32
      %sign3A_99 = arith.subi %sign3A_95, %sign3A_98 : i32
      %ne3A = arith.cmpi ne, %sign3A_92, %sign3A_99 : i32
      %rem3A = arith.remsi %scan3A_86, %jit3A : i32
      %ne3A_100 = arith.constant 0 : i32
      %ne3A_101 = arith.cmpi ne, %rem3A, %ne3A_100 : i32
      %and3A = arith.andi %ne3A, %ne3A_101 : i1
      %sub3A = arith.constant 1 : i32
      %sub3A_102 = arith.subi %div3A, %sub3A : i32
      %select_n3A = arith.select %and3A, %sub3A_102, %div3A : i32
      %jit3A_103 = arith.constant 8 : i32
      %eq3A = arith.constant 0 : i32
      %eq3A_104 = arith.cmpi eq, %jit3A_103, %eq3A : i32
      %jit3A_105 = arith.constant 1 : i32
      %select_n3A_106 = arith.select %eq3A_104, %jit3A_105, %jit3A_103 : i32
      %rem3A_107 = arith.remsi %scan3A_86, %select_n3A_106 : i32
      %ne3A_108 = arith.constant 0 : i32
      %ne3A_109 = arith.cmpi ne, %rem3A_107, %ne3A_108 : i32
      %lt3A = arith.constant 0 : i32
      %lt3A_110 = arith.cmpi slt, %rem3A_107, %lt3A : i32
      %lt3A_111 = arith.constant 0 : i32
      %lt3A_112 = arith.cmpi slt, %select_n3A_106, %lt3A_111 : i32
      %ne3A_113 = arith.xori %lt3A_110, %lt3A_112 : i1
      %and3A_114 = arith.andi %ne3A_113, %ne3A_109 : i1
      %add3A_115 = arith.addi %rem3A_107, %select_n3A_106 : i32
      %select_n3A_116 = arith.select %and3A_114, %add3A_115, %rem3A_107 : i32
      %mul3A_117 = arith.constant 16 : i32
      %mul3A_118 = arith.muli %select_n3A_116, %mul3A_117 : i32
      %broadcast_in_dim3A = arith.constant 0.000000e+00 : f32
      %broadcast_in_dim3A_119 = vector.broadcast %broadcast_in_dim3A : f32 to vector<16xf32>
      %swap3A = arith.index_cast %select_n3A : i32 to index
      %swap3A_120 = arith.index_cast %mul3A_118 : i32 to index
      %swap3A_121 = tpu.vector_load %arg6[%swap3A, %swap3A_120] {strides = array<i32>} : memref<112x128xf32, #tpu.memory_space<vmem>>, vector<1x16xf32>,
      %swap3A_122 = vector.shape_cast %swap3A_121 : vector<1x16xf32> to vector<16xf32>
      %swap3A_123 = vector.shape_cast %broadcast_in_dim3A_119 : vector<16xf32> to vector<1x16xf32>
      tpu.vector_store %arg6[%swap3A, %swap3A_120], %swap3A_123 {strides = array<i32>} : memref<112x128xf32, #tpu.memory_space<vmem>>, vector<1x16xf32>,
    }
    %scan3A_4 = arith.constant 896 : i32
    %mul3A_5 = arith.constant 632 : i32
    %mul3A_6 = arith.muli %arg1, %mul3A_5 : i32
    %add3A_7 = arith.constant 0 : i32
    %add3A_8 = arith.addi %mul3A_6, %add3A_7 : i32
    "tpu.region"() ({
      %run_scoped3A = tpu.sem_alloc : memref<!tpu.dma_semaphore, #tpu.memory_space<semaphore_mem>>
      %dma_start3A_86 = arith.constant 0 : i32
      %dma_start3A_87 = tpu.memref_slice %arg15[%add3A_8, %dma_start3A_86] : memref<10112x128xf32, #tpu.memory_space<vmem_shared>> -> memref<112x128xf32, #tpu.memory_space<vmem_shared>>
      %dma_start3A_88 = arith.constant 0 : i32
      %dma_start3A_89 = tpu.memref_slice %arg15[%add3A_8, %dma_start3A_88] : memref<10112x128xf32, #tpu.memory_space<vmem_shared>> -> memref<112x128xf32, #tpu.memory_space<vmem_shared>>
      tpu.enqueue_dma source(%arg6 : memref<112x128xf32, #tpu.memory_space<vmem>>) target(%dma_start3A_89 : memref<112x128xf32, #tpu.memory_space<vmem_shared>>) target_semaphore(%run_scoped3A : memref<!tpu.dma_semaphore, #tpu.memory_space<semaphore_mem>>)
      %dma_wait3A_90 = arith.constant 0 : i32
      %dma_wait3A_91 = tpu.memref_slice %arg15[%add3A_8, %dma_wait3A_90] : memref<10112x128xf32, #tpu.memory_space<vmem_shared>> -> memref<112x128xf32, #tpu.memory_space<vmem_shared>>
      %dma_wait3A_92 = arith.constant 0 : i32
      %dma_wait3A_93 = tpu.memref_slice %arg15[%add3A_8, %dma_wait3A_92] : memref<10112x128xf32, #tpu.memory_space<vmem_shared>> -> memref<112x128xf32, #tpu.memory_space<vmem_shared>>
      tpu.wait_dma2 semaphore(%run_scoped3A : memref<!tpu.dma_semaphore, #tpu.memory_space<semaphore_mem>>) src(%arg6 : memref<112x128xf32, #tpu.memory_space<vmem>>) dst(%dma_wait3A_93 : memref<112x128xf32, #tpu.memory_space<vmem_shared>>)
      tpu.yield
    }) : () -> ()
    %mul3A_9 = arith.constant 632 : i32
    %mul3A_10 = arith.muli %arg1, %mul3A_9 : i32
    %add3A_11 = arith.constant 112 : i32
    %add3A_12 = arith.addi %mul3A_10, %add3A_11 : i32
    "tpu.region"() ({
      %run_scoped3A = tpu.sem_alloc : memref<!tpu.dma_semaphore, #tpu.memory_space<semaphore_mem>>
      %dma_start3A_86 = arith.constant 0 : i32
      %dma_start3A_87 = tpu.memref_slice %arg15[%add3A_12, %dma_start3A_86] : memref<10112x128xf32, #tpu.memory_space<vmem_shared>> -> memref<112x128xf32, #tpu.memory_space<vmem_shared>>
      %dma_start3A_88 = arith.constant 0 : i32
      %dma_start3A_89 = tpu.memref_slice %arg15[%add3A_12, %dma_start3A_88] : memref<10112x128xf32, #tpu.memory_space<vmem_shared>> -> memref<112x128xf32, #tpu.memory_space<vmem_shared>>
      tpu.enqueue_dma source(%arg6 : memref<112x128xf32, #tpu.memory_space<vmem>>) target(%dma_start3A_89 : memref<112x128xf32, #tpu.memory_space<vmem_shared>>) target_semaphore(%run_scoped3A : memref<!tpu.dma_semaphore, #tpu.memory_space<semaphore_mem>>)
      %dma_wait3A_90 = arith.constant 0 : i32
      %dma_wait3A_91 = tpu.memref_slice %arg15[%add3A_12, %dma_wait3A_90] : memref<10112x128xf32, #tpu.memory_space<vmem_shared>> -> memref<112x128xf32, #tpu.memory_space<vmem_shared>>
      %dma_wait3A_92 = arith.constant 0 : i32
      %dma_wait3A_93 = tpu.memref_slice %arg15[%add3A_12, %dma_wait3A_92] : memref<10112x128xf32, #tpu.memory_space<vmem_shared>> -> memref<112x128xf32, #tpu.memory_space<vmem_shared>>
      tpu.wait_dma2 semaphore(%run_scoped3A : memref<!tpu.dma_semaphore, #tpu.memory_space<semaphore_mem>>) src(%arg6 : memref<112x128xf32, #tpu.memory_space<vmem>>) dst(%dma_wait3A_93 : memref<112x128xf32, #tpu.memory_space<vmem_shared>>)
      tpu.yield
    }) : () -> ()
    %mul3A_13 = arith.constant 632 : i32
    %mul3A_14 = arith.muli %arg1, %mul3A_13 : i32
    %add3A_15 = arith.constant 224 : i32
    %add3A_16 = arith.addi %mul3A_14, %add3A_15 : i32
    "tpu.region"() ({
      %run_scoped3A = tpu.sem_alloc : memref<!tpu.dma_semaphore, #tpu.memory_space<semaphore_mem>>
      %dma_start3A_86 = arith.constant 0 : i32
      %dma_start3A_87 = tpu.memref_slice %arg15[%add3A_16, %dma_start3A_86] : memref<10112x128xf32, #tpu.memory_space<vmem_shared>> -> memref<112x128xf32, #tpu.memory_space<vmem_shared>>
      %dma_start3A_88 = arith.constant 0 : i32
      %dma_start3A_89 = tpu.memref_slice %arg15[%add3A_16, %dma_start3A_88] : memref<10112x128xf32, #tpu.memory_space<vmem_shared>> -> memref<112x128xf32, #tpu.memory_space<vmem_shared>>
      tpu.enqueue_dma source(%arg6 : memref<112x128xf32, #tpu.memory_space<vmem>>) target(%dma_start3A_89 : memref<112x128xf32, #tpu.memory_space<vmem_shared>>) target_semaphore(%run_scoped3A : memref<!tpu.dma_semaphore, #tpu.memory_space<semaphore_mem>>)
      %dma_wait3A_90 = arith.constant 0 : i32
      %dma_wait3A_91 = tpu.memref_slice %arg15[%add3A_16, %dma_wait3A_90] : memref<10112x128xf32, #tpu.memory_space<vmem_shared>> -> memref<112x128xf32, #tpu.memory_space<vmem_shared>>
      %dma_wait3A_92 = arith.constant 0 : i32
      %dma_wait3A_93 = tpu.memref_slice %arg15[%add3A_16, %dma_wait3A_92] : memref<10112x128xf32, #tpu.memory_space<vmem_shared>> -> memref<112x128xf32, #tpu.memory_space<vmem_shared>>
      tpu.wait_dma2 semaphore(%run_scoped3A : memref<!tpu.dma_semaphore, #tpu.memory_space<semaphore_mem>>) src(%arg6 : memref<112x128xf32, #tpu.memory_space<vmem>>) dst(%dma_wait3A_93 : memref<112x128xf32, #tpu.memory_space<vmem_shared>>)
      tpu.yield
    }) : () -> ()
    %mul3A_17 = arith.constant 632 : i32
    %mul3A_18 = arith.muli %arg1, %mul3A_17 : i32
    %add3A_19 = arith.constant 336 : i32
    %add3A_20 = arith.addi %mul3A_18, %add3A_19 : i32
    "tpu.region"() ({
      %run_scoped3A = tpu.sem_alloc : memref<!tpu.dma_semaphore, #tpu.memory_space<semaphore_mem>>
      %dma_start3A_86 = arith.constant 0 : i32
      %dma_start3A_87 = tpu.memref_slice %arg15[%add3A_20, %dma_start3A_86] : memref<10112x128xf32, #tpu.memory_space<vmem_shared>> -> memref<112x128xf32, #tpu.memory_space<vmem_shared>>
      %dma_start3A_88 = arith.constant 0 : i32
      %dma_start3A_89 = tpu.memref_slice %arg15[%add3A_20, %dma_start3A_88] : memref<10112x128xf32, #tpu.memory_space<vmem_shared>> -> memref<112x128xf32, #tpu.memory_space<vmem_shared>>
      tpu.enqueue_dma source(%arg6 : memref<112x128xf32, #tpu.memory_space<vmem>>) target(%dma_start3A_89 : memref<112x128xf32, #tpu.memory_space<vmem_shared>>) target_semaphore(%run_scoped3A : memref<!tpu.dma_semaphore, #tpu.memory_space<semaphore_mem>>)
      %dma_wait3A_90 = arith.constant 0 : i32
      %dma_wait3A_91 = tpu.memref_slice %arg15[%add3A_20, %dma_wait3A_90] : memref<10112x128xf32, #tpu.memory_space<vmem_shared>> -> memref<112x128xf32, #tpu.memory_space<vmem_shared>>
      %dma_wait3A_92 = arith.constant 0 : i32
      %dma_wait3A_93 = tpu.memref_slice %arg15[%add3A_20, %dma_wait3A_92] : memref<10112x128xf32, #tpu.memory_space<vmem_shared>> -> memref<112x128xf32, #tpu.memory_space<vmem_shared>>
      tpu.wait_dma2 semaphore(%run_scoped3A : memref<!tpu.dma_semaphore, #tpu.memory_space<semaphore_mem>>) src(%arg6 : memref<112x128xf32, #tpu.memory_space<vmem>>) dst(%dma_wait3A_93 : memref<112x128xf32, #tpu.memory_space<vmem_shared>>)
      tpu.yield
    }) : () -> ()
    %mul3A_21 = arith.constant 632 : i32
    %mul3A_22 = arith.muli %arg1, %mul3A_21 : i32
    %add3A_23 = arith.constant 448 : i32
    %add3A_24 = arith.addi %mul3A_22, %add3A_23 : i32
    "tpu.region"() ({
      %run_scoped3A = tpu.sem_alloc : memref<!tpu.dma_semaphore, #tpu.memory_space<semaphore_mem>>
      %dma_start3A_86 = arith.constant 0 : i32
      %dma_start3A_87 = tpu.memref_slice %arg15[%add3A_24, %dma_start3A_86] : memref<10112x128xf32, #tpu.memory_space<vmem_shared>> -> memref<112x128xf32, #tpu.memory_space<vmem_shared>>
      %dma_start3A_88 = arith.constant 0 : i32
      %dma_start3A_89 = tpu.memref_slice %arg15[%add3A_24, %dma_start3A_88] : memref<10112x128xf32, #tpu.memory_space<vmem_shared>> -> memref<112x128xf32, #tpu.memory_space<vmem_shared>>
      tpu.enqueue_dma source(%arg6 : memref<112x128xf32, #tpu.memory_space<vmem>>) target(%dma_start3A_89 : memref<112x128xf32, #tpu.memory_space<vmem_shared>>) target_semaphore(%run_scoped3A : memref<!tpu.dma_semaphore, #tpu.memory_space<semaphore_mem>>)
      %dma_wait3A_90 = arith.constant 0 : i32
      %dma_wait3A_91 = tpu.memref_slice %arg15[%add3A_24, %dma_wait3A_90] : memref<10112x128xf32, #tpu.memory_space<vmem_shared>> -> memref<112x128xf32, #tpu.memory_space<vmem_shared>>
      %dma_wait3A_92 = arith.constant 0 : i32
      %dma_wait3A_93 = tpu.memref_slice %arg15[%add3A_24, %dma_wait3A_92] : memref<10112x128xf32, #tpu.memory_space<vmem_shared>> -> memref<112x128xf32, #tpu.memory_space<vmem_shared>>
      tpu.wait_dma2 semaphore(%run_scoped3A : memref<!tpu.dma_semaphore, #tpu.memory_space<semaphore_mem>>) src(%arg6 : memref<112x128xf32, #tpu.memory_space<vmem>>) dst(%dma_wait3A_93 : memref<112x128xf32, #tpu.memory_space<vmem_shared>>)
      tpu.yield
    }) : () -> ()
    %mul3A_25 = arith.constant 632 : i32
    %mul3A_26 = arith.muli %arg1, %mul3A_25 : i32
    %add3A_27 = arith.constant 560 : i32
    %add3A_28 = arith.addi %mul3A_26, %add3A_27 : i32
    "tpu.region"() ({
      %run_scoped3A = tpu.sem_alloc : memref<!tpu.dma_semaphore, #tpu.memory_space<semaphore_mem>>
      %dma_start3A_86 = arith.constant 0 : i32
      %dma_start3A_87 = arith.constant 0 : i32
      %dma_start3A_88 = tpu.memref_slice %arg6[%dma_start3A_86, %dma_start3A_87] : memref<112x128xf32, #tpu.memory_space<vmem>> -> memref<72x128xf32, #tpu.memory_space<vmem>>
      %dma_start3A_89 = arith.constant 0 : i32
      %dma_start3A_90 = tpu.memref_slice %arg15[%add3A_28, %dma_start3A_89] : memref<10112x128xf32, #tpu.memory_space<vmem_shared>> -> memref<72x128xf32, #tpu.memory_space<vmem_shared>>
      %dma_start3A_91 = arith.constant 0 : i32
      %dma_start3A_92 = tpu.memref_slice %arg15[%add3A_28, %dma_start3A_91] : memref<10112x128xf32, #tpu.memory_space<vmem_shared>> -> memref<72x128xf32, #tpu.memory_space<vmem_shared>>
      %dma_start3A_93 = arith.constant 0 : i32
      %dma_start3A_94 = arith.constant 0 : i32
      %dma_start3A_95 = tpu.memref_slice %arg6[%dma_start3A_93, %dma_start3A_94] : memref<112x128xf32, #tpu.memory_space<vmem>> -> memref<72x128xf32, #tpu.memory_space<vmem>>
      tpu.enqueue_dma source(%dma_start3A_95 : memref<72x128xf32, #tpu.memory_space<vmem>>) target(%dma_start3A_92 : memref<72x128xf32, #tpu.memory_space<vmem_shared>>) target_semaphore(%run_scoped3A : memref<!tpu.dma_semaphore, #tpu.memory_space<semaphore_mem>>)
      %dma_wait3A_96 = arith.constant 0 : i32
      %dma_wait3A_97 = arith.constant 0 : i32
      %dma_wait3A_98 = tpu.memref_slice %arg6[%dma_wait3A_96, %dma_wait3A_97] : memref<112x128xf32, #tpu.memory_space<vmem>> -> memref<72x128xf32, #tpu.memory_space<vmem>>
      %dma_wait3A_99 = arith.constant 0 : i32
      %dma_wait3A_100 = tpu.memref_slice %arg15[%add3A_28, %dma_wait3A_99] : memref<10112x128xf32, #tpu.memory_space<vmem_shared>> -> memref<72x128xf32, #tpu.memory_space<vmem_shared>>
      %dma_wait3A_101 = arith.constant 0 : i32
      %dma_wait3A_102 = tpu.memref_slice %arg15[%add3A_28, %dma_wait3A_101] : memref<10112x128xf32, #tpu.memory_space<vmem_shared>> -> memref<72x128xf32, #tpu.memory_space<vmem_shared>>
      %dma_wait3A_103 = arith.constant 0 : i32
      %dma_wait3A_104 = arith.constant 0 : i32
      %dma_wait3A_105 = tpu.memref_slice %arg6[%dma_wait3A_103, %dma_wait3A_104] : memref<112x128xf32, #tpu.memory_space<vmem>> -> memref<72x128xf32, #tpu.memory_space<vmem>>
      tpu.wait_dma2 semaphore(%run_scoped3A : memref<!tpu.dma_semaphore, #tpu.memory_space<semaphore_mem>>) src(%dma_wait3A_105 : memref<72x128xf32, #tpu.memory_space<vmem>>) dst(%dma_wait3A_102 : memref<72x128xf32, #tpu.memory_space<vmem_shared>>)
      tpu.yield
    }) : () -> ()
    %barrier3A = arith.constant 0 : index
    tpu.barrier barrier_id(%barrier3A)
    %mul3A_29 = arith.constant 90 : i32
    %mul3A_30 = arith.muli %add3A, %mul3A_29 : i32
    %mul3A_31 = arith.constant 112 : i32
    %mul3A_32 = arith.muli %mul3A_30, %mul3A_31 : i32
    %add3A_33 = arith.constant 0 : i32
    %add3A_34 = arith.addi %mul3A_32, %add3A_33 : i32
    "tpu.region"() ({
      %run_scoped3A = tpu.sem_alloc : memref<!tpu.dma_semaphore, #tpu.memory_space<semaphore_mem>>
      %dma_start3A_86 = tpu.memref_slice %arg3[%add3A_34] : memref<322560xi32, #tpu.memory_space<hbm>> -> memref<112xi32, #tpu.memory_space<hbm>>
      %dma_start3A_87 = tpu.memref_slice %arg3[%add3A_34] : memref<322560xi32, #tpu.memory_space<hbm>> -> memref<112xi32, #tpu.memory_space<hbm>>
      tpu.enqueue_dma source(%dma_start3A_87 : memref<112xi32, #tpu.memory_space<hbm>>) target(%arg9 : memref<112xi32, #tpu.memory_space<vmem>>) target_semaphore(%run_scoped3A : memref<!tpu.dma_semaphore, #tpu.memory_space<semaphore_mem>>)
      %dma_wait3A_88 = tpu.memref_slice %arg3[%add3A_34] : memref<322560xi32, #tpu.memory_space<hbm>> -> memref<112xi32, #tpu.memory_space<hbm>>
      %dma_wait3A_89 = tpu.memref_slice %arg3[%add3A_34] : memref<322560xi32, #tpu.memory_space<hbm>> -> memref<112xi32, #tpu.memory_space<hbm>>
      tpu.wait_dma2 semaphore(%run_scoped3A : memref<!tpu.dma_semaphore, #tpu.memory_space<semaphore_mem>>) src(%dma_wait3A_89 : memref<112xi32, #tpu.memory_space<hbm>>) dst(%arg9 : memref<112xi32, #tpu.memory_space<vmem>>)
      tpu.yield
    }) : () -> ()
    "tpu.region"() ({
      %run_scoped3A = tpu.sem_alloc : memref<!tpu.dma_semaphore, #tpu.memory_space<semaphore_mem>>
      %dma_start3A_86 = tpu.memref_slice %arg4[%add3A_34] : memref<322560xi32, #tpu.memory_space<hbm>> -> memref<112xi32, #tpu.memory_space<hbm>>
      %dma_start3A_87 = tpu.memref_slice %arg4[%add3A_34] : memref<322560xi32, #tpu.memory_space<hbm>> -> memref<112xi32, #tpu.memory_space<hbm>>
      tpu.enqueue_dma source(%dma_start3A_87 : memref<112xi32, #tpu.memory_space<hbm>>) target(%arg12 : memref<112xi32, #tpu.memory_space<vmem>>) target_semaphore(%run_scoped3A : memref<!tpu.dma_semaphore, #tpu.memory_space<semaphore_mem>>)
      %dma_wait3A_88 = tpu.memref_slice %arg4[%add3A_34] : memref<322560xi32, #tpu.memory_space<hbm>> -> memref<112xi32, #tpu.memory_space<hbm>>
      %dma_wait3A_89 = tpu.memref_slice %arg4[%add3A_34] : memref<322560xi32, #tpu.memory_space<hbm>> -> memref<112xi32, #tpu.memory_space<hbm>>
      tpu.wait_dma2 semaphore(%run_scoped3A : memref<!tpu.dma_semaphore, #tpu.memory_space<semaphore_mem>>) src(%dma_wait3A_89 : memref<112xi32, #tpu.memory_space<hbm>>) dst(%arg12 : memref<112xi32, #tpu.memory_space<vmem>>)
      tpu.yield
    }) : () -> ()
    %dma_start3A = arith.constant 0 : i32
    %dma_start3A_35 = arith.constant 0 : i32
    %dma_start3A_36 = tpu.memref_slice %arg2[%dma_start3A, %dma_start3A_35] : memref<10000x128xf32, #tpu.memory_space<hbm>> -> memref<10000x128xf32, #tpu.memory_space<hbm>>
    tpu.enqueue_indirect_dma source(%dma_start3A_36 : memref<10000x128xf32, #tpu.memory_space<hbm>>) target(%arg6 : memref<112x128xf32, #tpu.memory_space<vmem>>) offsets(%arg9 : memref<112xi32, #tpu.memory_space<vmem>>) semaphore(%arg16 : memref<!tpu.dma_semaphore, #tpu.memory_space<semaphore_mem>>)
    %add3A_37 = arith.constant 112 : i32
    %add3A_38 = arith.addi %mul3A_32, %add3A_37 : i32
    "tpu.region"() ({
      %run_scoped3A = tpu.sem_alloc : memref<!tpu.dma_semaphore, #tpu.memory_space<semaphore_mem>>
      %dma_start3A_86 = tpu.memref_slice %arg3[%add3A_38] : memref<322560xi32, #tpu.memory_space<hbm>> -> memref<112xi32, #tpu.memory_space<hbm>>
      %dma_start3A_87 = tpu.memref_slice %arg3[%add3A_38] : memref<322560xi32, #tpu.memory_space<hbm>> -> memref<112xi32, #tpu.memory_space<hbm>>
      tpu.enqueue_dma source(%dma_start3A_87 : memref<112xi32, #tpu.memory_space<hbm>>) target(%arg10 : memref<112xi32, #tpu.memory_space<vmem>>) target_semaphore(%run_scoped3A : memref<!tpu.dma_semaphore, #tpu.memory_space<semaphore_mem>>)
      %dma_wait3A_88 = tpu.memref_slice %arg3[%add3A_38] : memref<322560xi32, #tpu.memory_space<hbm>> -> memref<112xi32, #tpu.memory_space<hbm>>
      %dma_wait3A_89 = tpu.memref_slice %arg3[%add3A_38] : memref<322560xi32, #tpu.memory_space<hbm>> -> memref<112xi32, #tpu.memory_space<hbm>>
      tpu.wait_dma2 semaphore(%run_scoped3A : memref<!tpu.dma_semaphore, #tpu.memory_space<semaphore_mem>>) src(%dma_wait3A_89 : memref<112xi32, #tpu.memory_space<hbm>>) dst(%arg10 : memref<112xi32, #tpu.memory_space<vmem>>)
      tpu.yield
    }) : () -> ()
    "tpu.region"() ({
      %run_scoped3A = tpu.sem_alloc : memref<!tpu.dma_semaphore, #tpu.memory_space<semaphore_mem>>
      %dma_start3A_86 = tpu.memref_slice %arg4[%add3A_38] : memref<322560xi32, #tpu.memory_space<hbm>> -> memref<112xi32, #tpu.memory_space<hbm>>
      %dma_start3A_87 = tpu.memref_slice %arg4[%add3A_38] : memref<322560xi32, #tpu.memory_space<hbm>> -> memref<112xi32, #tpu.memory_space<hbm>>
      tpu.enqueue_dma source(%dma_start3A_87 : memref<112xi32, #tpu.memory_space<hbm>>) target(%arg13 : memref<112xi32, #tpu.memory_space<vmem>>) target_semaphore(%run_scoped3A : memref<!tpu.dma_semaphore, #tpu.memory_space<semaphore_mem>>)
      %dma_wait3A_88 = tpu.memref_slice %arg4[%add3A_38] : memref<322560xi32, #tpu.memory_space<hbm>> -> memref<112xi32, #tpu.memory_space<hbm>>
      %dma_wait3A_89 = tpu.memref_slice %arg4[%add3A_38] : memref<322560xi32, #tpu.memory_space<hbm>> -> memref<112xi32, #tpu.memory_space<hbm>>
      tpu.wait_dma2 semaphore(%run_scoped3A : memref<!tpu.dma_semaphore, #tpu.memory_space<semaphore_mem>>) src(%dma_wait3A_89 : memref<112xi32, #tpu.memory_space<hbm>>) dst(%arg13 : memref<112xi32, #tpu.memory_space<vmem>>)
      tpu.yield
    }) : () -> ()
    %dma_start3A_39 = arith.constant 0 : i32
    %dma_start3A_40 = arith.constant 0 : i32
    %dma_start3A_41 = tpu.memref_slice %arg2[%dma_start3A_39, %dma_start3A_40] : memref<10000x128xf32, #tpu.memory_space<hbm>> -> memref<10000x128xf32, #tpu.memory_space<hbm>>
    tpu.enqueue_indirect_dma source(%dma_start3A_41 : memref<10000x128xf32, #tpu.memory_space<hbm>>) target(%arg7 : memref<112x128xf32, #tpu.memory_space<vmem>>) offsets(%arg10 : memref<112xi32, #tpu.memory_space<vmem>>) semaphore(%arg17 : memref<!tpu.dma_semaphore, #tpu.memory_space<semaphore_mem>>)
    %add3A_42 = arith.constant 224 : i32
    %add3A_43 = arith.addi %mul3A_32, %add3A_42 : i32
    "tpu.region"() ({
      %run_scoped3A = tpu.sem_alloc : memref<!tpu.dma_semaphore, #tpu.memory_space<semaphore_mem>>
      %dma_start3A_86 = tpu.memref_slice %arg3[%add3A_43] : memref<322560xi32, #tpu.memory_space<hbm>> -> memref<112xi32, #tpu.memory_space<hbm>>
      %dma_start3A_87 = tpu.memref_slice %arg3[%add3A_43] : memref<322560xi32, #tpu.memory_space<hbm>> -> memref<112xi32, #tpu.memory_space<hbm>>
      tpu.enqueue_dma source(%dma_start3A_87 : memref<112xi32, #tpu.memory_space<hbm>>) target(%arg11 : memref<112xi32, #tpu.memory_space<vmem>>) target_semaphore(%run_scoped3A : memref<!tpu.dma_semaphore, #tpu.memory_space<semaphore_mem>>)
      %dma_wait3A_88 = tpu.memref_slice %arg3[%add3A_43] : memref<322560xi32, #tpu.memory_space<hbm>> -> memref<112xi32, #tpu.memory_space<hbm>>
      %dma_wait3A_89 = tpu.memref_slice %arg3[%add3A_43] : memref<322560xi32, #tpu.memory_space<hbm>> -> memref<112xi32, #tpu.memory_space<hbm>>
      tpu.wait_dma2 semaphore(%run_scoped3A : memref<!tpu.dma_semaphore, #tpu.memory_space<semaphore_mem>>) src(%dma_wait3A_89 : memref<112xi32, #tpu.memory_space<hbm>>) dst(%arg11 : memref<112xi32, #tpu.memory_space<vmem>>)
      tpu.yield
    }) : () -> ()
    "tpu.region"() ({
      %run_scoped3A = tpu.sem_alloc : memref<!tpu.dma_semaphore, #tpu.memory_space<semaphore_mem>>
      %dma_start3A_86 = tpu.memref_slice %arg4[%add3A_43] : memref<322560xi32, #tpu.memory_space<hbm>> -> memref<112xi32, #tpu.memory_space<hbm>>
      %dma_start3A_87 = tpu.memref_slice %arg4[%add3A_43] : memref<322560xi32, #tpu.memory_space<hbm>> -> memref<112xi32, #tpu.memory_space<hbm>>
      tpu.enqueue_dma source(%dma_start3A_87 : memref<112xi32, #tpu.memory_space<hbm>>) target(%arg14 : memref<112xi32, #tpu.memory_space<vmem>>) target_semaphore(%run_scoped3A : memref<!tpu.dma_semaphore, #tpu.memory_space<semaphore_mem>>)
      %dma_wait3A_88 = tpu.memref_slice %arg4[%add3A_43] : memref<322560xi32, #tpu.memory_space<hbm>> -> memref<112xi32, #tpu.memory_space<hbm>>
      %dma_wait3A_89 = tpu.memref_slice %arg4[%add3A_43] : memref<322560xi32, #tpu.memory_space<hbm>> -> memref<112xi32, #tpu.memory_space<hbm>>
      tpu.wait_dma2 semaphore(%run_scoped3A : memref<!tpu.dma_semaphore, #tpu.memory_space<semaphore_mem>>) src(%dma_wait3A_89 : memref<112xi32, #tpu.memory_space<hbm>>) dst(%arg14 : memref<112xi32, #tpu.memory_space<vmem>>)
      tpu.yield
    }) : () -> ()
    %dma_start3A_44 = arith.constant 0 : i32
    %dma_start3A_45 = arith.constant 0 : i32
    %dma_start3A_46 = tpu.memref_slice %arg2[%dma_start3A_44, %dma_start3A_45] : memref<10000x128xf32, #tpu.memory_space<hbm>> -> memref<10000x128xf32, #tpu.memory_space<hbm>>
    tpu.enqueue_indirect_dma source(%dma_start3A_46 : memref<10000x128xf32, #tpu.memory_space<hbm>>) target(%arg8 : memref<112x128xf32, #tpu.memory_space<vmem>>) offsets(%arg11 : memref<112xi32, #tpu.memory_space<vmem>>) semaphore(%arg18 : memref<!tpu.dma_semaphore, #tpu.memory_space<semaphore_mem>>)
    %scan3A_47 = arith.constant 0 : i32
    %scan3A_48 = arith.constant 29 : i32
    %scan3A_49 = arith.addi %scan3A_47, %scan3A_48 : i32
    %scan3A_50 = arith.constant 1 : i32
    scf.for %scan3A_86 = %scan3A_47 to %scan3A_49 step %scan3A_50  : i32 {
      %dma_wait3A_87 = arith.constant 0 : i32
      %dma_wait3A_88 = arith.constant 0 : i32
      %dma_wait3A_89 = tpu.memref_slice %arg2[%dma_wait3A_87, %dma_wait3A_88] : memref<10000x128xf32, #tpu.memory_space<hbm>> -> memref<10000x128xf32, #tpu.memory_space<hbm>>
      tpu.wait_indirect_dma semaphore(%arg16 : memref<!tpu.dma_semaphore, #tpu.memory_space<semaphore_mem>>) src(%dma_wait3A_89 : memref<10000x128xf32, #tpu.memory_space<hbm>>) dst(%arg6 : memref<112x128xf32, #tpu.memory_space<vmem>>)
      %dma_start3A_90 = arith.constant 0 : i32
      %dma_start3A_91 = arith.constant 0 : i32
      %dma_start3A_92 = tpu.memref_slice %arg15[%dma_start3A_90, %dma_start3A_91] : memref<10112x128xf32, #tpu.memory_space<vmem_shared>> -> memref<10112x128xf32, #tpu.memory_space<vmem_shared>>
      tpu.enqueue_indirect_dma source(%arg6 : memref<112x128xf32, #tpu.memory_space<vmem>>) target(%dma_start3A_92 : memref<10112x128xf32, #tpu.memory_space<vmem_shared>>) offsets(%arg12 : memref<112xi32, #tpu.memory_space<vmem>>) semaphore(%arg19 : memref<!tpu.dma_semaphore, #tpu.memory_space<semaphore_mem>>) {add = true}
      %dma_wait3A_93 = arith.constant 0 : i32
      %dma_wait3A_94 = arith.constant 0 : i32
      %dma_wait3A_95 = tpu.memref_slice %arg2[%dma_wait3A_93, %dma_wait3A_94] : memref<10000x128xf32, #tpu.memory_space<hbm>> -> memref<10000x128xf32, #tpu.memory_space<hbm>>
      tpu.wait_indirect_dma semaphore(%arg17 : memref<!tpu.dma_semaphore, #tpu.memory_space<semaphore_mem>>) src(%dma_wait3A_95 : memref<10000x128xf32, #tpu.memory_space<hbm>>) dst(%arg7 : memref<112x128xf32, #tpu.memory_space<vmem>>)
      %dma_start3A_96 = arith.constant 0 : i32
      %dma_start3A_97 = arith.constant 0 : i32
      %dma_start3A_98 = tpu.memref_slice %arg15[%dma_start3A_96, %dma_start3A_97] : memref<10112x128xf32, #tpu.memory_space<vmem_shared>> -> memref<10112x128xf32, #tpu.memory_space<vmem_shared>>
      tpu.enqueue_indirect_dma source(%arg7 : memref<112x128xf32, #tpu.memory_space<vmem>>) target(%dma_start3A_98 : memref<10112x128xf32, #tpu.memory_space<vmem_shared>>) offsets(%arg13 : memref<112xi32, #tpu.memory_space<vmem>>) semaphore(%arg20 : memref<!tpu.dma_semaphore, #tpu.memory_space<semaphore_mem>>) {add = true}
      %dma_wait3A_99 = arith.constant 0 : i32
      %dma_wait3A_100 = arith.constant 0 : i32
      %dma_wait3A_101 = tpu.memref_slice %arg2[%dma_wait3A_99, %dma_wait3A_100] : memref<10000x128xf32, #tpu.memory_space<hbm>> -> memref<10000x128xf32, #tpu.memory_space<hbm>>
      tpu.wait_indirect_dma semaphore(%arg18 : memref<!tpu.dma_semaphore, #tpu.memory_space<semaphore_mem>>) src(%dma_wait3A_101 : memref<10000x128xf32, #tpu.memory_space<hbm>>) dst(%arg8 : memref<112x128xf32, #tpu.memory_space<vmem>>)
      %dma_start3A_102 = arith.constant 0 : i32
      %dma_start3A_103 = arith.constant 0 : i32
      %dma_start3A_104 = tpu.memref_slice %arg15[%dma_start3A_102, %dma_start3A_103] : memref<10112x128xf32, #tpu.memory_space<vmem_shared>> -> memref<10112x128xf32, #tpu.memory_space<vmem_shared>>
      tpu.enqueue_indirect_dma source(%arg8 : memref<112x128xf32, #tpu.memory_space<vmem>>) target(%dma_start3A_104 : memref<10112x128xf32, #tpu.memory_space<vmem_shared>>) offsets(%arg14 : memref<112xi32, #tpu.memory_space<vmem>>) semaphore(%arg21 : memref<!tpu.dma_semaphore, #tpu.memory_space<semaphore_mem>>) {add = true}
      %dma_wait3A_105 = arith.constant 0 : i32
      %dma_wait3A_106 = arith.constant 0 : i32
      %dma_wait3A_107 = tpu.memref_slice %arg15[%dma_wait3A_105, %dma_wait3A_106] : memref<10112x128xf32, #tpu.memory_space<vmem_shared>> -> memref<10112x128xf32, #tpu.memory_space<vmem_shared>>
      tpu.wait_indirect_dma semaphore(%arg19 : memref<!tpu.dma_semaphore, #tpu.memory_space<semaphore_mem>>) src(%arg6 : memref<112x128xf32, #tpu.memory_space<vmem>>) dst(%dma_wait3A_107 : memref<10112x128xf32, #tpu.memory_space<vmem_shared>>)
      %add3A_108 = arith.constant 1 : i32
      %add3A_109 = arith.addi %scan3A_86, %add3A_108 : i32
      %mul3A_110 = arith.constant 3 : i32
      %mul3A_111 = arith.muli %add3A_109, %mul3A_110 : i32
      %add3A_112 = arith.constant 0 : i32
      %add3A_113 = arith.addi %mul3A_111, %add3A_112 : i32
      %mul3A_114 = arith.constant 112 : i32
      %mul3A_115 = arith.muli %add3A_113, %mul3A_114 : i32
      %add3A_116 = arith.addi %mul3A_32, %mul3A_115 : i32
      "tpu.region"() ({
        %run_scoped3A = tpu.sem_alloc : memref<!tpu.dma_semaphore, #tpu.memory_space<semaphore_mem>>
        %dma_start3A_150 = tpu.memref_slice %arg3[%add3A_116] : memref<322560xi32, #tpu.memory_space<hbm>> -> memref<112xi32, #tpu.memory_space<hbm>>
        %dma_start3A_151 = tpu.memref_slice %arg3[%add3A_116] : memref<322560xi32, #tpu.memory_space<hbm>> -> memref<112xi32, #tpu.memory_space<hbm>>
        tpu.enqueue_dma source(%dma_start3A_151 : memref<112xi32, #tpu.memory_space<hbm>>) target(%arg9 : memref<112xi32, #tpu.memory_space<vmem>>) target_semaphore(%run_scoped3A : memref<!tpu.dma_semaphore, #tpu.memory_space<semaphore_mem>>)
        %dma_wait3A_152 = tpu.memref_slice %arg3[%add3A_116] : memref<322560xi32, #tpu.memory_space<hbm>> -> memref<112xi32, #tpu.memory_space<hbm>>
        %dma_wait3A_153 = tpu.memref_slice %arg3[%add3A_116] : memref<322560xi32, #tpu.memory_space<hbm>> -> memref<112xi32, #tpu.memory_space<hbm>>
        tpu.wait_dma2 semaphore(%run_scoped3A : memref<!tpu.dma_semaphore, #tpu.memory_space<semaphore_mem>>) src(%dma_wait3A_153 : memref<112xi32, #tpu.memory_space<hbm>>) dst(%arg9 : memref<112xi32, #tpu.memory_space<vmem>>)
        tpu.yield
      }) : () -> ()
      "tpu.region"() ({
        %run_scoped3A = tpu.sem_alloc : memref<!tpu.dma_semaphore, #tpu.memory_space<semaphore_mem>>
        %dma_start3A_150 = tpu.memref_slice %arg4[%add3A_116] : memref<322560xi32, #tpu.memory_space<hbm>> -> memref<112xi32, #tpu.memory_space<hbm>>
        %dma_start3A_151 = tpu.memref_slice %arg4[%add3A_116] : memref<322560xi32, #tpu.memory_space<hbm>> -> memref<112xi32, #tpu.memory_space<hbm>>
        tpu.enqueue_dma source(%dma_start3A_151 : memref<112xi32, #tpu.memory_space<hbm>>) target(%arg12 : memref<112xi32, #tpu.memory_space<vmem>>) target_semaphore(%run_scoped3A : memref<!tpu.dma_semaphore, #tpu.memory_space<semaphore_mem>>)
        %dma_wait3A_152 = tpu.memref_slice %arg4[%add3A_116] : memref<322560xi32, #tpu.memory_space<hbm>> -> memref<112xi32, #tpu.memory_space<hbm>>
        %dma_wait3A_153 = tpu.memref_slice %arg4[%add3A_116] : memref<322560xi32, #tpu.memory_space<hbm>> -> memref<112xi32, #tpu.memory_space<hbm>>
        tpu.wait_dma2 semaphore(%run_scoped3A : memref<!tpu.dma_semaphore, #tpu.memory_space<semaphore_mem>>) src(%dma_wait3A_153 : memref<112xi32, #tpu.memory_space<hbm>>) dst(%arg12 : memref<112xi32, #tpu.memory_space<vmem>>)
        tpu.yield
      }) : () -> ()
      %dma_start3A_117 = arith.constant 0 : i32
      %dma_start3A_118 = arith.constant 0 : i32
      %dma_start3A_119 = tpu.memref_slice %arg2[%dma_start3A_117, %dma_start3A_118] : memref<10000x128xf32, #tpu.memory_space<hbm>> -> memref<10000x128xf32, #tpu.memory_space<hbm>>
      tpu.enqueue_indirect_dma source(%dma_start3A_119 : memref<10000x128xf32, #tpu.memory_space<hbm>>) target(%arg6 : memref<112x128xf32, #tpu.memory_space<vmem>>) offsets(%arg9 : memref<112xi32, #tpu.memory_space<vmem>>) semaphore(%arg16 : memref<!tpu.dma_semaphore, #tpu.memory_space<semaphore_mem>>)
      %dma_wait3A_120 = arith.constant 0 : i32
      %dma_wait3A_121 = arith.constant 0 : i32
      %dma_wait3A_122 = tpu.memref_slice %arg15[%dma_wait3A_120, %dma_wait3A_121] : memref<10112x128xf32, #tpu.memory_space<vmem_shared>> -> memref<10112x128xf32, #tpu.memory_space<vmem_shared>>
      tpu.wait_indirect_dma semaphore(%arg20 : memref<!tpu.dma_semaphore, #tpu.memory_space<semaphore_mem>>) src(%arg7 : memref<112x128xf32, #tpu.memory_space<vmem>>) dst(%dma_wait3A_122 : memref<10112x128xf32, #tpu.memory_space<vmem_shared>>)
      %add3A_123 = arith.constant 1 : i32
      %add3A_124 = arith.addi %scan3A_86, %add3A_123 : i32
      %mul3A_125 = arith.constant 3 : i32
      %mul3A_126 = arith.muli %add3A_124, %mul3A_125 : i32
      %add3A_127 = arith.constant 1 : i32
      %add3A_128 = arith.addi %mul3A_126, %add3A_127 : i32
      %mul3A_129 = arith.constant 112 : i32
      %mul3A_130 = arith.muli %add3A_128, %mul3A_129 : i32
      %add3A_131 = arith.addi %mul3A_32, %mul3A_130 : i32
      "tpu.region"() ({
        %run_scoped3A = tpu.sem_alloc : memref<!tpu.dma_semaphore, #tpu.memory_space<semaphore_mem>>
        %dma_start3A_150 = tpu.memref_slice %arg3[%add3A_131] : memref<322560xi32, #tpu.memory_space<hbm>> -> memref<112xi32, #tpu.memory_space<hbm>>
        %dma_start3A_151 = tpu.memref_slice %arg3[%add3A_131] : memref<322560xi32, #tpu.memory_space<hbm>> -> memref<112xi32, #tpu.memory_space<hbm>>
        tpu.enqueue_dma source(%dma_start3A_151 : memref<112xi32, #tpu.memory_space<hbm>>) target(%arg10 : memref<112xi32, #tpu.memory_space<vmem>>) target_semaphore(%run_scoped3A : memref<!tpu.dma_semaphore, #tpu.memory_space<semaphore_mem>>)
        %dma_wait3A_152 = tpu.memref_slice %arg3[%add3A_131] : memref<322560xi32, #tpu.memory_space<hbm>> -> memref<112xi32, #tpu.memory_space<hbm>>
        %dma_wait3A_153 = tpu.memref_slice %arg3[%add3A_131] : memref<322560xi32, #tpu.memory_space<hbm>> -> memref<112xi32, #tpu.memory_space<hbm>>
        tpu.wait_dma2 semaphore(%run_scoped3A : memref<!tpu.dma_semaphore, #tpu.memory_space<semaphore_mem>>) src(%dma_wait3A_153 : memref<112xi32, #tpu.memory_space<hbm>>) dst(%arg10 : memref<112xi32, #tpu.memory_space<vmem>>)
        tpu.yield
      }) : () -> ()
      "tpu.region"() ({
        %run_scoped3A = tpu.sem_alloc : memref<!tpu.dma_semaphore, #tpu.memory_space<semaphore_mem>>
        %dma_start3A_150 = tpu.memref_slice %arg4[%add3A_131] : memref<322560xi32, #tpu.memory_space<hbm>> -> memref<112xi32, #tpu.memory_space<hbm>>
        %dma_start3A_151 = tpu.memref_slice %arg4[%add3A_131] : memref<322560xi32, #tpu.memory_space<hbm>> -> memref<112xi32, #tpu.memory_space<hbm>>
        tpu.enqueue_dma source(%dma_start3A_151 : memref<112xi32, #tpu.memory_space<hbm>>) target(%arg13 : memref<112xi32, #tpu.memory_space<vmem>>) target_semaphore(%run_scoped3A : memref<!tpu.dma_semaphore, #tpu.memory_space<semaphore_mem>>)
        %dma_wait3A_152 = tpu.memref_slice %arg4[%add3A_131] : memref<322560xi32, #tpu.memory_space<hbm>> -> memref<112xi32, #tpu.memory_space<hbm>>
        %dma_wait3A_153 = tpu.memref_slice %arg4[%add3A_131] : memref<322560xi32, #tpu.memory_space<hbm>> -> memref<112xi32, #tpu.memory_space<hbm>>
        tpu.wait_dma2 semaphore(%run_scoped3A : memref<!tpu.dma_semaphore, #tpu.memory_space<semaphore_mem>>) src(%dma_wait3A_153 : memref<112xi32, #tpu.memory_space<hbm>>) dst(%arg13 : memref<112xi32, #tpu.memory_space<vmem>>)
        tpu.yield
      }) : () -> ()
      %dma_start3A_132 = arith.constant 0 : i32
      %dma_start3A_133 = arith.constant 0 : i32
      %dma_start3A_134 = tpu.memref_slice %arg2[%dma_start3A_132, %dma_start3A_133] : memref<10000x128xf32, #tpu.memory_space<hbm>> -> memref<10000x128xf32, #tpu.memory_space<hbm>>
      tpu.enqueue_indirect_dma source(%dma_start3A_134 : memref<10000x128xf32, #tpu.memory_space<hbm>>) target(%arg7 : memref<112x128xf32, #tpu.memory_space<vmem>>) offsets(%arg10 : memref<112xi32, #tpu.memory_space<vmem>>) semaphore(%arg17 : memref<!tpu.dma_semaphore, #tpu.memory_space<semaphore_mem>>)
      %dma_wait3A_135 = arith.constant 0 : i32
      %dma_wait3A_136 = arith.constant 0 : i32
      %dma_wait3A_137 = tpu.memref_slice %arg15[%dma_wait3A_135, %dma_wait3A_136] : memref<10112x128xf32, #tpu.memory_space<vmem_shared>> -> memref<10112x128xf32, #tpu.memory_space<vmem_shared>>
      tpu.wait_indirect_dma semaphore(%arg21 : memref<!tpu.dma_semaphore, #tpu.memory_space<semaphore_mem>>) src(%arg8 : memref<112x128xf32, #tpu.memory_space<vmem>>) dst(%dma_wait3A_137 : memref<10112x128xf32, #tpu.memory_space<vmem_shared>>)
      %add3A_138 = arith.constant 1 : i32
      %add3A_139 = arith.addi %scan3A_86, %add3A_138 : i32
      %mul3A_140 = arith.constant 3 : i32
      %mul3A_141 = arith.muli %add3A_139, %mul3A_140 : i32
      %add3A_142 = arith.constant 2 : i32
      %add3A_143 = arith.addi %mul3A_141, %add3A_142 : i32
      %mul3A_144 = arith.constant 112 : i32
      %mul3A_145 = arith.muli %add3A_143, %mul3A_144 : i32
      %add3A_146 = arith.addi %mul3A_32, %mul3A_145 : i32
      "tpu.region"() ({
        %run_scoped3A = tpu.sem_alloc : memref<!tpu.dma_semaphore, #tpu.memory_space<semaphore_mem>>
        %dma_start3A_150 = tpu.memref_slice %arg3[%add3A_146] : memref<322560xi32, #tpu.memory_space<hbm>> -> memref<112xi32, #tpu.memory_space<hbm>>
        %dma_start3A_151 = tpu.memref_slice %arg3[%add3A_146] : memref<322560xi32, #tpu.memory_space<hbm>> -> memref<112xi32, #tpu.memory_space<hbm>>
        tpu.enqueue_dma source(%dma_start3A_151 : memref<112xi32, #tpu.memory_space<hbm>>) target(%arg11 : memref<112xi32, #tpu.memory_space<vmem>>) target_semaphore(%run_scoped3A : memref<!tpu.dma_semaphore, #tpu.memory_space<semaphore_mem>>)
        %dma_wait3A_152 = tpu.memref_slice %arg3[%add3A_146] : memref<322560xi32, #tpu.memory_space<hbm>> -> memref<112xi32, #tpu.memory_space<hbm>>
        %dma_wait3A_153 = tpu.memref_slice %arg3[%add3A_146] : memref<322560xi32, #tpu.memory_space<hbm>> -> memref<112xi32, #tpu.memory_space<hbm>>
        tpu.wait_dma2 semaphore(%run_scoped3A : memref<!tpu.dma_semaphore, #tpu.memory_space<semaphore_mem>>) src(%dma_wait3A_153 : memref<112xi32, #tpu.memory_space<hbm>>) dst(%arg11 : memref<112xi32, #tpu.memory_space<vmem>>)
        tpu.yield
      }) : () -> ()
      "tpu.region"() ({
        %run_scoped3A = tpu.sem_alloc : memref<!tpu.dma_semaphore, #tpu.memory_space<semaphore_mem>>
        %dma_start3A_150 = tpu.memref_slice %arg4[%add3A_146] : memref<322560xi32, #tpu.memory_space<hbm>> -> memref<112xi32, #tpu.memory_space<hbm>>
        %dma_start3A_151 = tpu.memref_slice %arg4[%add3A_146] : memref<322560xi32, #tpu.memory_space<hbm>> -> memref<112xi32, #tpu.memory_space<hbm>>
        tpu.enqueue_dma source(%dma_start3A_151 : memref<112xi32, #tpu.memory_space<hbm>>) target(%arg14 : memref<112xi32, #tpu.memory_space<vmem>>) target_semaphore(%run_scoped3A : memref<!tpu.dma_semaphore, #tpu.memory_space<semaphore_mem>>)
        %dma_wait3A_152 = tpu.memref_slice %arg4[%add3A_146] : memref<322560xi32, #tpu.memory_space<hbm>> -> memref<112xi32, #tpu.memory_space<hbm>>
        %dma_wait3A_153 = tpu.memref_slice %arg4[%add3A_146] : memref<322560xi32, #tpu.memory_space<hbm>> -> memref<112xi32, #tpu.memory_space<hbm>>
        tpu.wait_dma2 semaphore(%run_scoped3A : memref<!tpu.dma_semaphore, #tpu.memory_space<semaphore_mem>>) src(%dma_wait3A_153 : memref<112xi32, #tpu.memory_space<hbm>>) dst(%arg14 : memref<112xi32, #tpu.memory_space<vmem>>)
        tpu.yield
      }) : () -> ()
      %dma_start3A_147 = arith.constant 0 : i32
      %dma_start3A_148 = arith.constant 0 : i32
      %dma_start3A_149 = tpu.memref_slice %arg2[%dma_start3A_147, %dma_start3A_148] : memref<10000x128xf32, #tpu.memory_space<hbm>> -> memref<10000x128xf32, #tpu.memory_space<hbm>>
      tpu.enqueue_indirect_dma source(%dma_start3A_149 : memref<10000x128xf32, #tpu.memory_space<hbm>>) target(%arg8 : memref<112x128xf32, #tpu.memory_space<vmem>>) offsets(%arg11 : memref<112xi32, #tpu.memory_space<vmem>>) semaphore(%arg18 : memref<!tpu.dma_semaphore, #tpu.memory_space<semaphore_mem>>)
    }
    %scan3A_51 = arith.constant 29 : i32
    %dma_wait3A = arith.constant 0 : i32
    %dma_wait3A_52 = arith.constant 0 : i32
    %dma_wait3A_53 = tpu.memref_slice %arg2[%dma_wait3A, %dma_wait3A_52] : memref<10000x128xf32, #tpu.memory_space<hbm>> -> memref<10000x128xf32, #tpu.memory_space<hbm>>
    tpu.wait_indirect_dma semaphore(%arg16 : memref<!tpu.dma_semaphore, #tpu.memory_space<semaphore_mem>>) src(%dma_wait3A_53 : memref<10000x128xf32, #tpu.memory_space<hbm>>) dst(%arg6 : memref<112x128xf32, #tpu.memory_space<vmem>>)
    %dma_start3A_54 = arith.constant 0 : i32
    %dma_start3A_55 = arith.constant 0 : i32
    %dma_start3A_56 = tpu.memref_slice %arg15[%dma_start3A_54, %dma_start3A_55] : memref<10112x128xf32, #tpu.memory_space<vmem_shared>> -> memref<10112x128xf32, #tpu.memory_space<vmem_shared>>
    tpu.enqueue_indirect_dma source(%arg6 : memref<112x128xf32, #tpu.memory_space<vmem>>) target(%dma_start3A_56 : memref<10112x128xf32, #tpu.memory_space<vmem_shared>>) offsets(%arg12 : memref<112xi32, #tpu.memory_space<vmem>>) semaphore(%arg19 : memref<!tpu.dma_semaphore, #tpu.memory_space<semaphore_mem>>) {add = true}
    %dma_wait3A_57 = arith.constant 0 : i32
    %dma_wait3A_58 = arith.constant 0 : i32
    %dma_wait3A_59 = tpu.memref_slice %arg2[%dma_wait3A_57, %dma_wait3A_58] : memref<10000x128xf32, #tpu.memory_space<hbm>> -> memref<10000x128xf32, #tpu.memory_space<hbm>>
    tpu.wait_indirect_dma semaphore(%arg17 : memref<!tpu.dma_semaphore, #tpu.memory_space<semaphore_mem>>) src(%dma_wait3A_59 : memref<10000x128xf32, #tpu.memory_space<hbm>>) dst(%arg7 : memref<112x128xf32, #tpu.memory_space<vmem>>)
    %dma_start3A_60 = arith.constant 0 : i32
    %dma_start3A_61 = arith.constant 0 : i32
    %dma_start3A_62 = tpu.memref_slice %arg15[%dma_start3A_60, %dma_start3A_61] : memref<10112x128xf32, #tpu.memory_space<vmem_shared>> -> memref<10112x128xf32, #tpu.memory_space<vmem_shared>>
    tpu.enqueue_indirect_dma source(%arg7 : memref<112x128xf32, #tpu.memory_space<vmem>>) target(%dma_start3A_62 : memref<10112x128xf32, #tpu.memory_space<vmem_shared>>) offsets(%arg13 : memref<112xi32, #tpu.memory_space<vmem>>) semaphore(%arg20 : memref<!tpu.dma_semaphore, #tpu.memory_space<semaphore_mem>>) {add = true}
    %dma_wait3A_63 = arith.constant 0 : i32
    %dma_wait3A_64 = arith.constant 0 : i32
    %dma_wait3A_65 = tpu.memref_slice %arg2[%dma_wait3A_63, %dma_wait3A_64] : memref<10000x128xf32, #tpu.memory_space<hbm>> -> memref<10000x128xf32, #tpu.memory_space<hbm>>
    tpu.wait_indirect_dma semaphore(%arg18 : memref<!tpu.dma_semaphore, #tpu.memory_space<semaphore_mem>>) src(%dma_wait3A_65 : memref<10000x128xf32, #tpu.memory_space<hbm>>) dst(%arg8 : memref<112x128xf32, #tpu.memory_space<vmem>>)
    %dma_start3A_66 = arith.constant 0 : i32
    %dma_start3A_67 = arith.constant 0 : i32
    %dma_start3A_68 = tpu.memref_slice %arg15[%dma_start3A_66, %dma_start3A_67] : memref<10112x128xf32, #tpu.memory_space<vmem_shared>> -> memref<10112x128xf32, #tpu.memory_space<vmem_shared>>
    tpu.enqueue_indirect_dma source(%arg8 : memref<112x128xf32, #tpu.memory_space<vmem>>) target(%dma_start3A_68 : memref<10112x128xf32, #tpu.memory_space<vmem_shared>>) offsets(%arg14 : memref<112xi32, #tpu.memory_space<vmem>>) semaphore(%arg21 : memref<!tpu.dma_semaphore, #tpu.memory_space<semaphore_mem>>) {add = true}
    %dma_wait3A_69 = arith.constant 0 : i32
    %dma_wait3A_70 = arith.constant 0 : i32
    %dma_wait3A_71 = tpu.memref_slice %arg15[%dma_wait3A_69, %dma_wait3A_70] : memref<10112x128xf32, #tpu.memory_space<vmem_shared>> -> memref<10112x128xf32, #tpu.memory_space<vmem_shared>>
    tpu.wait_indirect_dma semaphore(%arg19 : memref<!tpu.dma_semaphore, #tpu.memory_space<semaphore_mem>>) src(%arg6 : memref<112x128xf32, #tpu.memory_space<vmem>>) dst(%dma_wait3A_71 : memref<10112x128xf32, #tpu.memory_space<vmem_shared>>)
    %dma_wait3A_72 = arith.constant 0 : i32
    %dma_wait3A_73 = arith.constant 0 : i32
    %dma_wait3A_74 = tpu.memref_slice %arg15[%dma_wait3A_72, %dma_wait3A_73] : memref<10112x128xf32, #tpu.memory_space<vmem_shared>> -> memref<10112x128xf32, #tpu.memory_space<vmem_shared>>
    tpu.wait_indirect_dma semaphore(%arg20 : memref<!tpu.dma_semaphore, #tpu.memory_space<semaphore_mem>>) src(%arg7 : memref<112x128xf32, #tpu.memory_space<vmem>>) dst(%dma_wait3A_74 : memref<10112x128xf32, #tpu.memory_space<vmem_shared>>)
    %dma_wait3A_75 = arith.constant 0 : i32
    %dma_wait3A_76 = arith.constant 0 : i32
    %dma_wait3A_77 = tpu.memref_slice %arg15[%dma_wait3A_75, %dma_wait3A_76] : memref<10112x128xf32, #tpu.memory_space<vmem_shared>> -> memref<10112x128xf32, #tpu.memory_space<vmem_shared>>
    tpu.wait_indirect_dma semaphore(%arg21 : memref<!tpu.dma_semaphore, #tpu.memory_space<semaphore_mem>>) src(%arg8 : memref<112x128xf32, #tpu.memory_space<vmem>>) dst(%dma_wait3A_77 : memref<10112x128xf32, #tpu.memory_space<vmem_shared>>)
    %barrier3A_78 = arith.constant 0 : index
    tpu.barrier barrier_id(%barrier3A_78)
    %mul3A_79 = arith.constant 632 : i32
    %mul3A_80 = arith.muli %arg1, %mul3A_79 : i32
    %mul3A_81 = arith.constant 10112 : i32
    %mul3A_82 = arith.muli %arg0, %mul3A_81 : i32
    %mul3A_83 = arith.constant 632 : i32
    %mul3A_84 = arith.muli %arg1, %mul3A_83 : i32
    %add3A_85 = arith.addi %mul3A_82, %mul3A_84 : i32
    "tpu.region"() ({
      %run_scoped3A = tpu.sem_alloc : memref<!tpu.dma_semaphore, #tpu.memory_space<semaphore_mem>>
      %dma_start3A_86 = arith.constant 0 : i32
      %dma_start3A_87 = tpu.memref_slice %arg5[%add3A_85, %dma_start3A_86] : memref<20224x128xf32, #tpu.memory_space<hbm>> -> memref<632x128xf32, #tpu.memory_space<hbm>>
      %dma_start3A_88 = arith.constant 0 : i32
      %dma_start3A_89 = tpu.memref_slice %arg15[%mul3A_80, %dma_start3A_88] : memref<10112x128xf32, #tpu.memory_space<vmem_shared>> -> memref<632x128xf32, #tpu.memory_space<vmem_shared>>
      tpu.enqueue_dma source(%dma_start3A_89 : memref<632x128xf32, #tpu.memory_space<vmem_shared>>) target(%dma_start3A_87 : memref<632x128xf32, #tpu.memory_space<hbm>>) target_semaphore(%run_scoped3A : memref<!tpu.dma_semaphore, #tpu.memory_space<semaphore_mem>>)
      %dma_wait3A_90 = arith.constant 0 : i32
      %dma_wait3A_91 = tpu.memref_slice %arg5[%add3A_85, %dma_wait3A_90] : memref<20224x128xf32, #tpu.memory_space<hbm>> -> memref<632x128xf32, #tpu.memory_space<hbm>>
      %dma_wait3A_92 = arith.constant 0 : i32
      %dma_wait3A_93 = tpu.memref_slice %arg15[%mul3A_80, %dma_wait3A_92] : memref<10112x128xf32, #tpu.memory_space<vmem_shared>> -> memref<632x128xf32, #tpu.memory_space<vmem_shared>>
      tpu.wait_dma2 semaphore(%run_scoped3A : memref<!tpu.dma_semaphore, #tpu.memory_space<semaphore_mem>>) src(%dma_wait3A_93 : memref<632x128xf32, #tpu.memory_space<vmem_shared>>) dst(%dma_wait3A_91 : memref<632x128xf32, #tpu.memory_space<hbm>>)
      tpu.yield
    }) : () -> ()
    return
  }
}

#map = affine_map<(d0, d1) -> (0, 0)>
#map1 = affine_map<(d0, d1) -> (0)>
module attributes {stable_mosaic.version = 14 : i64} {
  func.func @_agg_kernel(%arg0: i32, %arg1: i32, %arg2: memref<10000x128xf32, #tpu.memory_space<hbm>>, %arg3: memref<322560xi32, #tpu.memory_space<hbm>>, %arg4: memref<322560xi32, #tpu.memory_space<hbm>>, %arg5: memref<20224x128xf32, #tpu.memory_space<hbm>>, %arg6: memref<112x128xf32, #tpu.memory_space<vmem>>, %arg7: memref<112x128xf32, #tpu.memory_space<vmem>>, %arg8: memref<112x128xf32, #tpu.memory_space<vmem>>, %arg9: memref<112xi32, #tpu.memory_space<vmem>>, %arg10: memref<112xi32, #tpu.memory_space<vmem>>, %arg11: memref<112xi32, #tpu.memory_space<vmem>>, %arg12: memref<112xi32, #tpu.memory_space<vmem>>, %arg13: memref<112xi32, #tpu.memory_space<vmem>>, %arg14: memref<112xi32, #tpu.memory_space<vmem>>, %arg15: memref<10112x128xf32, #tpu.memory_space<vmem_shared>>, %arg16: memref<!tpu.dma_semaphore, #tpu.memory_space<semaphore_mem>>, %arg17: memref<!tpu.dma_semaphore, #tpu.memory_space<semaphore_mem>>, %arg18: memref<!tpu.dma_semaphore, #tpu.memory_space<semaphore_mem>>, %arg19: memref<!tpu.dma_semaphore, #tpu.memory_space<semaphore_mem>>, %arg20: memref<!tpu.dma_semaphore, #tpu.memory_space<semaphore_mem>>, %arg21: memref<!tpu.dma_semaphore, #tpu.memory_space<semaphore_mem>>) attributes {dimension_semantics = [#tpu.dimension_semantics<core_parallel>, #tpu.dimension_semantics<subcore_parallel>], iteration_bounds = array<i64: 2, 16>, scalar_prefetch = 0 : i64, scratch_operands = 16 : i64, tpu.core_type = #tpu.core_type<sc_vector_subcore>, window_params = [{transform_indices = #map}, {transform_indices = #map1}, {transform_indices = #map1}, {transform_indices = #map}]} {
    %mul3A = arith.constant 16 : i32
    %mul3A_0 = arith.muli %arg0, %mul3A : i32
    %add3A = arith.addi %mul3A_0, %arg1 : i32
    %scan3A = arith.constant 0 : i32
    %scan3A_1 = arith.constant 896 : i32
    %scan3A_2 = arith.addi %scan3A, %scan3A_1 : i32
    %scan3A_3 = arith.constant 1 : i32
    scf.for %scan3A_86 = %scan3A to %scan3A_2 step %scan3A_3  : i32 {
      %jit3A = arith.constant 8 : i32
      %div3A = arith.divsi %scan3A_86, %jit3A : i32
      %sign3A = arith.constant 0 : i32
      %sign3A_87 = arith.cmpi sgt, %scan3A_86, %sign3A : i32
      %sign3A_88 = arith.extui %sign3A_87 : i1 to i32
      %sign3A_89 = arith.constant 0 : i32
      %sign3A_90 = arith.cmpi slt, %scan3A_86, %sign3A_89 : i32
      %sign3A_91 = arith.extui %sign3A_90 : i1 to i32
      %sign3A_92 = arith.subi %sign3A_88, %sign3A_91 : i32
      %sign3A_93 = arith.constant 0 : i32
      %sign3A_94 = arith.cmpi sgt, %jit3A, %sign3A_93 : i32
      %sign3A_95 = arith.extui %sign3A_94 : i1 to i32
      %sign3A_96 = arith.constant 0 : i32
      %sign3A_97 = arith.cmpi slt, %jit3A, %sign3A_96 : i32
      %sign3A_98 = arith.extui %sign3A_97 : i1 to i32
      %sign3A_99 = arith.subi %sign3A_95, %sign3A_98 : i32
      %ne3A = arith.cmpi ne, %sign3A_92, %sign3A_99 : i32
      %rem3A = arith.remsi %scan3A_86, %jit3A : i32
      %ne3A_100 = arith.constant 0 : i32
      %ne3A_101 = arith.cmpi ne, %rem3A, %ne3A_100 : i32
      %and3A = arith.andi %ne3A, %ne3A_101 : i1
      %sub3A = arith.constant 1 : i32
      %sub3A_102 = arith.subi %div3A, %sub3A : i32
      %select_n3A = arith.select %and3A, %sub3A_102, %div3A : i32
      %jit3A_103 = arith.constant 8 : i32
      %eq3A = arith.constant 0 : i32
      %eq3A_104 = arith.cmpi eq, %jit3A_103, %eq3A : i32
      %jit3A_105 = arith.constant 1 : i32
      %select_n3A_106 = arith.select %eq3A_104, %jit3A_105, %jit3A_103 : i32
      %rem3A_107 = arith.remsi %scan3A_86, %select_n3A_106 : i32
      %ne3A_108 = arith.constant 0 : i32
      %ne3A_109 = arith.cmpi ne, %rem3A_107, %ne3A_108 : i32
      %lt3A = arith.constant 0 : i32
      %lt3A_110 = arith.cmpi slt, %rem3A_107, %lt3A : i32
      %lt3A_111 = arith.constant 0 : i32
      %lt3A_112 = arith.cmpi slt, %select_n3A_106, %lt3A_111 : i32
      %ne3A_113 = arith.xori %lt3A_110, %lt3A_112 : i1
      %and3A_114 = arith.andi %ne3A_113, %ne3A_109 : i1
      %add3A_115 = arith.addi %rem3A_107, %select_n3A_106 : i32
      %select_n3A_116 = arith.select %and3A_114, %add3A_115, %rem3A_107 : i32
      %mul3A_117 = arith.constant 16 : i32
      %mul3A_118 = arith.muli %select_n3A_116, %mul3A_117 : i32
      %broadcast_in_dim3A = arith.constant 0.000000e+00 : f32
      %broadcast_in_dim3A_119 = vector.broadcast %broadcast_in_dim3A : f32 to vector<16xf32>
      %swap3A = arith.index_cast %select_n3A : i32 to index
      %swap3A_120 = arith.index_cast %mul3A_118 : i32 to index
      %swap3A_121 = tpu.vector_load %arg6[%swap3A, %swap3A_120] {strides = array<i32>} : memref<112x128xf32, #tpu.memory_space<vmem>>, vector<1x16xf32>,
      %swap3A_122 = vector.shape_cast %swap3A_121 : vector<1x16xf32> to vector<16xf32>
      %swap3A_123 = vector.shape_cast %broadcast_in_dim3A_119 : vector<16xf32> to vector<1x16xf32>
      tpu.vector_store %arg6[%swap3A, %swap3A_120], %swap3A_123 {strides = array<i32>} : memref<112x128xf32, #tpu.memory_space<vmem>>, vector<1x16xf32>,
    }
    %scan3A_4 = arith.constant 896 : i32
    %mul3A_5 = arith.constant 632 : i32
    %mul3A_6 = arith.muli %arg1, %mul3A_5 : i32
    %add3A_7 = arith.constant 0 : i32
    %add3A_8 = arith.addi %mul3A_6, %add3A_7 : i32
    "tpu.region"() ({
      %run_scoped3A = tpu.sem_alloc : memref<!tpu.dma_semaphore, #tpu.memory_space<semaphore_mem>>
      %dma_start3A_86 = arith.constant 0 : i32
      %dma_start3A_87 = tpu.memref_slice %arg15[%add3A_8, %dma_start3A_86] : memref<10112x128xf32, #tpu.memory_space<vmem_shared>> -> memref<112x128xf32, #tpu.memory_space<vmem_shared>>
      %dma_start3A_88 = arith.constant 0 : i32
      %dma_start3A_89 = tpu.memref_slice %arg15[%add3A_8, %dma_start3A_88] : memref<10112x128xf32, #tpu.memory_space<vmem_shared>> -> memref<112x128xf32, #tpu.memory_space<vmem_shared>>
      tpu.enqueue_dma source(%arg6 : memref<112x128xf32, #tpu.memory_space<vmem>>) target(%dma_start3A_89 : memref<112x128xf32, #tpu.memory_space<vmem_shared>>) target_semaphore(%run_scoped3A : memref<!tpu.dma_semaphore, #tpu.memory_space<semaphore_mem>>)
      %dma_wait3A_90 = arith.constant 0 : i32
      %dma_wait3A_91 = tpu.memref_slice %arg15[%add3A_8, %dma_wait3A_90] : memref<10112x128xf32, #tpu.memory_space<vmem_shared>> -> memref<112x128xf32, #tpu.memory_space<vmem_shared>>
      %dma_wait3A_92 = arith.constant 0 : i32
      %dma_wait3A_93 = tpu.memref_slice %arg15[%add3A_8, %dma_wait3A_92] : memref<10112x128xf32, #tpu.memory_space<vmem_shared>> -> memref<112x128xf32, #tpu.memory_space<vmem_shared>>
      tpu.wait_dma2 semaphore(%run_scoped3A : memref<!tpu.dma_semaphore, #tpu.memory_space<semaphore_mem>>) src(%arg6 : memref<112x128xf32, #tpu.memory_space<vmem>>) dst(%dma_wait3A_93 : memref<112x128xf32, #tpu.memory_space<vmem_shared>>)
      tpu.yield
    }) : () -> ()
    %mul3A_9 = arith.constant 632 : i32
    %mul3A_10 = arith.muli %arg1, %mul3A_9 : i32
    %add3A_11 = arith.constant 112 : i32
    %add3A_12 = arith.addi %mul3A_10, %add3A_11 : i32
    "tpu.region"() ({
      %run_scoped3A = tpu.sem_alloc : memref<!tpu.dma_semaphore, #tpu.memory_space<semaphore_mem>>
      %dma_start3A_86 = arith.constant 0 : i32
      %dma_start3A_87 = tpu.memref_slice %arg15[%add3A_12, %dma_start3A_86] : memref<10112x128xf32, #tpu.memory_space<vmem_shared>> -> memref<112x128xf32, #tpu.memory_space<vmem_shared>>
      %dma_start3A_88 = arith.constant 0 : i32
      %dma_start3A_89 = tpu.memref_slice %arg15[%add3A_12, %dma_start3A_88] : memref<10112x128xf32, #tpu.memory_space<vmem_shared>> -> memref<112x128xf32, #tpu.memory_space<vmem_shared>>
      tpu.enqueue_dma source(%arg6 : memref<112x128xf32, #tpu.memory_space<vmem>>) target(%dma_start3A_89 : memref<112x128xf32, #tpu.memory_space<vmem_shared>>) target_semaphore(%run_scoped3A : memref<!tpu.dma_semaphore, #tpu.memory_space<semaphore_mem>>)
      %dma_wait3A_90 = arith.constant 0 : i32
      %dma_wait3A_91 = tpu.memref_slice %arg15[%add3A_12, %dma_wait3A_90] : memref<10112x128xf32, #tpu.memory_space<vmem_shared>> -> memref<112x128xf32, #tpu.memory_space<vmem_shared>>
      %dma_wait3A_92 = arith.constant 0 : i32
      %dma_wait3A_93 = tpu.memref_slice %arg15[%add3A_12, %dma_wait3A_92] : memref<10112x128xf32, #tpu.memory_space<vmem_shared>> -> memref<112x128xf32, #tpu.memory_space<vmem_shared>>
      tpu.wait_dma2 semaphore(%run_scoped3A : memref<!tpu.dma_semaphore, #tpu.memory_space<semaphore_mem>>) src(%arg6 : memref<112x128xf32, #tpu.memory_space<vmem>>) dst(%dma_wait3A_93 : memref<112x128xf32, #tpu.memory_space<vmem_shared>>)
      tpu.yield
    }) : () -> ()
    %mul3A_13 = arith.constant 632 : i32
    %mul3A_14 = arith.muli %arg1, %mul3A_13 : i32
    %add3A_15 = arith.constant 224 : i32
    %add3A_16 = arith.addi %mul3A_14, %add3A_15 : i32
    "tpu.region"() ({
      %run_scoped3A = tpu.sem_alloc : memref<!tpu.dma_semaphore, #tpu.memory_space<semaphore_mem>>
      %dma_start3A_86 = arith.constant 0 : i32
      %dma_start3A_87 = tpu.memref_slice %arg15[%add3A_16, %dma_start3A_86] : memref<10112x128xf32, #tpu.memory_space<vmem_shared>> -> memref<112x128xf32, #tpu.memory_space<vmem_shared>>
      %dma_start3A_88 = arith.constant 0 : i32
      %dma_start3A_89 = tpu.memref_slice %arg15[%add3A_16, %dma_start3A_88] : memref<10112x128xf32, #tpu.memory_space<vmem_shared>> -> memref<112x128xf32, #tpu.memory_space<vmem_shared>>
      tpu.enqueue_dma source(%arg6 : memref<112x128xf32, #tpu.memory_space<vmem>>) target(%dma_start3A_89 : memref<112x128xf32, #tpu.memory_space<vmem_shared>>) target_semaphore(%run_scoped3A : memref<!tpu.dma_semaphore, #tpu.memory_space<semaphore_mem>>)
      %dma_wait3A_90 = arith.constant 0 : i32
      %dma_wait3A_91 = tpu.memref_slice %arg15[%add3A_16, %dma_wait3A_90] : memref<10112x128xf32, #tpu.memory_space<vmem_shared>> -> memref<112x128xf32, #tpu.memory_space<vmem_shared>>
      %dma_wait3A_92 = arith.constant 0 : i32
      %dma_wait3A_93 = tpu.memref_slice %arg15[%add3A_16, %dma_wait3A_92] : memref<10112x128xf32, #tpu.memory_space<vmem_shared>> -> memref<112x128xf32, #tpu.memory_space<vmem_shared>>
      tpu.wait_dma2 semaphore(%run_scoped3A : memref<!tpu.dma_semaphore, #tpu.memory_space<semaphore_mem>>) src(%arg6 : memref<112x128xf32, #tpu.memory_space<vmem>>) dst(%dma_wait3A_93 : memref<112x128xf32, #tpu.memory_space<vmem_shared>>)
      tpu.yield
    }) : () -> ()
    %mul3A_17 = arith.constant 632 : i32
    %mul3A_18 = arith.muli %arg1, %mul3A_17 : i32
    %add3A_19 = arith.constant 336 : i32
    %add3A_20 = arith.addi %mul3A_18, %add3A_19 : i32
    "tpu.region"() ({
      %run_scoped3A = tpu.sem_alloc : memref<!tpu.dma_semaphore, #tpu.memory_space<semaphore_mem>>
      %dma_start3A_86 = arith.constant 0 : i32
      %dma_start3A_87 = tpu.memref_slice %arg15[%add3A_20, %dma_start3A_86] : memref<10112x128xf32, #tpu.memory_space<vmem_shared>> -> memref<112x128xf32, #tpu.memory_space<vmem_shared>>
      %dma_start3A_88 = arith.constant 0 : i32
      %dma_start3A_89 = tpu.memref_slice %arg15[%add3A_20, %dma_start3A_88] : memref<10112x128xf32, #tpu.memory_space<vmem_shared>> -> memref<112x128xf32, #tpu.memory_space<vmem_shared>>
      tpu.enqueue_dma source(%arg6 : memref<112x128xf32, #tpu.memory_space<vmem>>) target(%dma_start3A_89 : memref<112x128xf32, #tpu.memory_space<vmem_shared>>) target_semaphore(%run_scoped3A : memref<!tpu.dma_semaphore, #tpu.memory_space<semaphore_mem>>)
      %dma_wait3A_90 = arith.constant 0 : i32
      %dma_wait3A_91 = tpu.memref_slice %arg15[%add3A_20, %dma_wait3A_90] : memref<10112x128xf32, #tpu.memory_space<vmem_shared>> -> memref<112x128xf32, #tpu.memory_space<vmem_shared>>
      %dma_wait3A_92 = arith.constant 0 : i32
      %dma_wait3A_93 = tpu.memref_slice %arg15[%add3A_20, %dma_wait3A_92] : memref<10112x128xf32, #tpu.memory_space<vmem_shared>> -> memref<112x128xf32, #tpu.memory_space<vmem_shared>>
      tpu.wait_dma2 semaphore(%run_scoped3A : memref<!tpu.dma_semaphore, #tpu.memory_space<semaphore_mem>>) src(%arg6 : memref<112x128xf32, #tpu.memory_space<vmem>>) dst(%dma_wait3A_93 : memref<112x128xf32, #tpu.memory_space<vmem_shared>>)
      tpu.yield
    }) : () -> ()
    %mul3A_21 = arith.constant 632 : i32
    %mul3A_22 = arith.muli %arg1, %mul3A_21 : i32
    %add3A_23 = arith.constant 448 : i32
    %add3A_24 = arith.addi %mul3A_22, %add3A_23 : i32
    "tpu.region"() ({
      %run_scoped3A = tpu.sem_alloc : memref<!tpu.dma_semaphore, #tpu.memory_space<semaphore_mem>>
      %dma_start3A_86 = arith.constant 0 : i32
      %dma_start3A_87 = tpu.memref_slice %arg15[%add3A_24, %dma_start3A_86] : memref<10112x128xf32, #tpu.memory_space<vmem_shared>> -> memref<112x128xf32, #tpu.memory_space<vmem_shared>>
      %dma_start3A_88 = arith.constant 0 : i32
      %dma_start3A_89 = tpu.memref_slice %arg15[%add3A_24, %dma_start3A_88] : memref<10112x128xf32, #tpu.memory_space<vmem_shared>> -> memref<112x128xf32, #tpu.memory_space<vmem_shared>>
      tpu.enqueue_dma source(%arg6 : memref<112x128xf32, #tpu.memory_space<vmem>>) target(%dma_start3A_89 : memref<112x128xf32, #tpu.memory_space<vmem_shared>>) target_semaphore(%run_scoped3A : memref<!tpu.dma_semaphore, #tpu.memory_space<semaphore_mem>>)
      %dma_wait3A_90 = arith.constant 0 : i32
      %dma_wait3A_91 = tpu.memref_slice %arg15[%add3A_24, %dma_wait3A_90] : memref<10112x128xf32, #tpu.memory_space<vmem_shared>> -> memref<112x128xf32, #tpu.memory_space<vmem_shared>>
      %dma_wait3A_92 = arith.constant 0 : i32
      %dma_wait3A_93 = tpu.memref_slice %arg15[%add3A_24, %dma_wait3A_92] : memref<10112x128xf32, #tpu.memory_space<vmem_shared>> -> memref<112x128xf32, #tpu.memory_space<vmem_shared>>
      tpu.wait_dma2 semaphore(%run_scoped3A : memref<!tpu.dma_semaphore, #tpu.memory_space<semaphore_mem>>) src(%arg6 : memref<112x128xf32, #tpu.memory_space<vmem>>) dst(%dma_wait3A_93 : memref<112x128xf32, #tpu.memory_space<vmem_shared>>)
      tpu.yield
    }) : () -> ()
    %mul3A_25 = arith.constant 632 : i32
    %mul3A_26 = arith.muli %arg1, %mul3A_25 : i32
    %add3A_27 = arith.constant 560 : i32
    %add3A_28 = arith.addi %mul3A_26, %add3A_27 : i32
    "tpu.region"() ({
      %run_scoped3A = tpu.sem_alloc : memref<!tpu.dma_semaphore, #tpu.memory_space<semaphore_mem>>
      %dma_start3A_86 = arith.constant 0 : i32
      %dma_start3A_87 = arith.constant 0 : i32
      %dma_start3A_88 = tpu.memref_slice %arg6[%dma_start3A_86, %dma_start3A_87] : memref<112x128xf32, #tpu.memory_space<vmem>> -> memref<72x128xf32, #tpu.memory_space<vmem>>
      %dma_start3A_89 = arith.constant 0 : i32
      %dma_start3A_90 = tpu.memref_slice %arg15[%add3A_28, %dma_start3A_89] : memref<10112x128xf32, #tpu.memory_space<vmem_shared>> -> memref<72x128xf32, #tpu.memory_space<vmem_shared>>
      %dma_start3A_91 = arith.constant 0 : i32
      %dma_start3A_92 = tpu.memref_slice %arg15[%add3A_28, %dma_start3A_91] : memref<10112x128xf32, #tpu.memory_space<vmem_shared>> -> memref<72x128xf32, #tpu.memory_space<vmem_shared>>
      %dma_start3A_93 = arith.constant 0 : i32
      %dma_start3A_94 = arith.constant 0 : i32
      %dma_start3A_95 = tpu.memref_slice %arg6[%dma_start3A_93, %dma_start3A_94] : memref<112x128xf32, #tpu.memory_space<vmem>> -> memref<72x128xf32, #tpu.memory_space<vmem>>
      tpu.enqueue_dma source(%dma_start3A_95 : memref<72x128xf32, #tpu.memory_space<vmem>>) target(%dma_start3A_92 : memref<72x128xf32, #tpu.memory_space<vmem_shared>>) target_semaphore(%run_scoped3A : memref<!tpu.dma_semaphore, #tpu.memory_space<semaphore_mem>>)
      %dma_wait3A_96 = arith.constant 0 : i32
      %dma_wait3A_97 = arith.constant 0 : i32
      %dma_wait3A_98 = tpu.memref_slice %arg6[%dma_wait3A_96, %dma_wait3A_97] : memref<112x128xf32, #tpu.memory_space<vmem>> -> memref<72x128xf32, #tpu.memory_space<vmem>>
      %dma_wait3A_99 = arith.constant 0 : i32
      %dma_wait3A_100 = tpu.memref_slice %arg15[%add3A_28, %dma_wait3A_99] : memref<10112x128xf32, #tpu.memory_space<vmem_shared>> -> memref<72x128xf32, #tpu.memory_space<vmem_shared>>
      %dma_wait3A_101 = arith.constant 0 : i32
      %dma_wait3A_102 = tpu.memref_slice %arg15[%add3A_28, %dma_wait3A_101] : memref<10112x128xf32, #tpu.memory_space<vmem_shared>> -> memref<72x128xf32, #tpu.memory_space<vmem_shared>>
      %dma_wait3A_103 = arith.constant 0 : i32
      %dma_wait3A_104 = arith.constant 0 : i32
      %dma_wait3A_105 = tpu.memref_slice %arg6[%dma_wait3A_103, %dma_wait3A_104] : memref<112x128xf32, #tpu.memory_space<vmem>> -> memref<72x128xf32, #tpu.memory_space<vmem>>
      tpu.wait_dma2 semaphore(%run_scoped3A : memref<!tpu.dma_semaphore, #tpu.memory_space<semaphore_mem>>) src(%dma_wait3A_105 : memref<72x128xf32, #tpu.memory_space<vmem>>) dst(%dma_wait3A_102 : memref<72x128xf32, #tpu.memory_space<vmem_shared>>)
      tpu.yield
    }) : () -> ()
    %barrier3A = arith.constant 0 : index
    tpu.barrier barrier_id(%barrier3A)
    %mul3A_29 = arith.constant 90 : i32
    %mul3A_30 = arith.muli %add3A, %mul3A_29 : i32
    %mul3A_31 = arith.constant 112 : i32
    %mul3A_32 = arith.muli %mul3A_30, %mul3A_31 : i32
    %add3A_33 = arith.constant 0 : i32
    %add3A_34 = arith.addi %mul3A_32, %add3A_33 : i32
    "tpu.region"() ({
      %run_scoped3A = tpu.sem_alloc : memref<!tpu.dma_semaphore, #tpu.memory_space<semaphore_mem>>
      %dma_start3A_86 = tpu.memref_slice %arg3[%add3A_34] : memref<322560xi32, #tpu.memory_space<hbm>> -> memref<112xi32, #tpu.memory_space<hbm>>
      %dma_start3A_87 = tpu.memref_slice %arg3[%add3A_34] : memref<322560xi32, #tpu.memory_space<hbm>> -> memref<112xi32, #tpu.memory_space<hbm>>
      tpu.enqueue_dma source(%dma_start3A_87 : memref<112xi32, #tpu.memory_space<hbm>>) target(%arg9 : memref<112xi32, #tpu.memory_space<vmem>>) target_semaphore(%run_scoped3A : memref<!tpu.dma_semaphore, #tpu.memory_space<semaphore_mem>>)
      %dma_wait3A_88 = tpu.memref_slice %arg3[%add3A_34] : memref<322560xi32, #tpu.memory_space<hbm>> -> memref<112xi32, #tpu.memory_space<hbm>>
      %dma_wait3A_89 = tpu.memref_slice %arg3[%add3A_34] : memref<322560xi32, #tpu.memory_space<hbm>> -> memref<112xi32, #tpu.memory_space<hbm>>
      tpu.wait_dma2 semaphore(%run_scoped3A : memref<!tpu.dma_semaphore, #tpu.memory_space<semaphore_mem>>) src(%dma_wait3A_89 : memref<112xi32, #tpu.memory_space<hbm>>) dst(%arg9 : memref<112xi32, #tpu.memory_space<vmem>>)
      tpu.yield
    }) : () -> ()
    "tpu.region"() ({
      %run_scoped3A = tpu.sem_alloc : memref<!tpu.dma_semaphore, #tpu.memory_space<semaphore_mem>>
      %dma_start3A_86 = tpu.memref_slice %arg4[%add3A_34] : memref<322560xi32, #tpu.memory_space<hbm>> -> memref<112xi32, #tpu.memory_space<hbm>>
      %dma_start3A_87 = tpu.memref_slice %arg4[%add3A_34] : memref<322560xi32, #tpu.memory_space<hbm>> -> memref<112xi32, #tpu.memory_space<hbm>>
      tpu.enqueue_dma source(%dma_start3A_87 : memref<112xi32, #tpu.memory_space<hbm>>) target(%arg12 : memref<112xi32, #tpu.memory_space<vmem>>) target_semaphore(%run_scoped3A : memref<!tpu.dma_semaphore, #tpu.memory_space<semaphore_mem>>)
      %dma_wait3A_88 = tpu.memref_slice %arg4[%add3A_34] : memref<322560xi32, #tpu.memory_space<hbm>> -> memref<112xi32, #tpu.memory_space<hbm>>
      %dma_wait3A_89 = tpu.memref_slice %arg4[%add3A_34] : memref<322560xi32, #tpu.memory_space<hbm>> -> memref<112xi32, #tpu.memory_space<hbm>>
      tpu.wait_dma2 semaphore(%run_scoped3A : memref<!tpu.dma_semaphore, #tpu.memory_space<semaphore_mem>>) src(%dma_wait3A_89 : memref<112xi32, #tpu.memory_space<hbm>>) dst(%arg12 : memref<112xi32, #tpu.memory_space<vmem>>)
      tpu.yield
    }) : () -> ()
    %dma_start3A = arith.constant 0 : i32
    %dma_start3A_35 = arith.constant 0 : i32
    %dma_start3A_36 = tpu.memref_slice %arg2[%dma_start3A, %dma_start3A_35] : memref<10000x128xf32, #tpu.memory_space<hbm>> -> memref<10000x128xf32, #tpu.memory_space<hbm>>
    tpu.enqueue_indirect_dma source(%dma_start3A_36 : memref<10000x128xf32, #tpu.memory_space<hbm>>) target(%arg6 : memref<112x128xf32, #tpu.memory_space<vmem>>) offsets(%arg9 : memref<112xi32, #tpu.memory_space<vmem>>) semaphore(%arg16 : memref<!tpu.dma_semaphore, #tpu.memory_space<semaphore_mem>>)
    %add3A_37 = arith.constant 112 : i32
    %add3A_38 = arith.addi %mul3A_32, %add3A_37 : i32
    "tpu.region"() ({
      %run_scoped3A = tpu.sem_alloc : memref<!tpu.dma_semaphore, #tpu.memory_space<semaphore_mem>>
      %dma_start3A_86 = tpu.memref_slice %arg3[%add3A_38] : memref<322560xi32, #tpu.memory_space<hbm>> -> memref<112xi32, #tpu.memory_space<hbm>>
      %dma_start3A_87 = tpu.memref_slice %arg3[%add3A_38] : memref<322560xi32, #tpu.memory_space<hbm>> -> memref<112xi32, #tpu.memory_space<hbm>>
      tpu.enqueue_dma source(%dma_start3A_87 : memref<112xi32, #tpu.memory_space<hbm>>) target(%arg10 : memref<112xi32, #tpu.memory_space<vmem>>) target_semaphore(%run_scoped3A : memref<!tpu.dma_semaphore, #tpu.memory_space<semaphore_mem>>)
      %dma_wait3A_88 = tpu.memref_slice %arg3[%add3A_38] : memref<322560xi32, #tpu.memory_space<hbm>> -> memref<112xi32, #tpu.memory_space<hbm>>
      %dma_wait3A_89 = tpu.memref_slice %arg3[%add3A_38] : memref<322560xi32, #tpu.memory_space<hbm>> -> memref<112xi32, #tpu.memory_space<hbm>>
      tpu.wait_dma2 semaphore(%run_scoped3A : memref<!tpu.dma_semaphore, #tpu.memory_space<semaphore_mem>>) src(%dma_wait3A_89 : memref<112xi32, #tpu.memory_space<hbm>>) dst(%arg10 : memref<112xi32, #tpu.memory_space<vmem>>)
      tpu.yield
    }) : () -> ()
    "tpu.region"() ({
      %run_scoped3A = tpu.sem_alloc : memref<!tpu.dma_semaphore, #tpu.memory_space<semaphore_mem>>
      %dma_start3A_86 = tpu.memref_slice %arg4[%add3A_38] : memref<322560xi32, #tpu.memory_space<hbm>> -> memref<112xi32, #tpu.memory_space<hbm>>
      %dma_start3A_87 = tpu.memref_slice %arg4[%add3A_38] : memref<322560xi32, #tpu.memory_space<hbm>> -> memref<112xi32, #tpu.memory_space<hbm>>
      tpu.enqueue_dma source(%dma_start3A_87 : memref<112xi32, #tpu.memory_space<hbm>>) target(%arg13 : memref<112xi32, #tpu.memory_space<vmem>>) target_semaphore(%run_scoped3A : memref<!tpu.dma_semaphore, #tpu.memory_space<semaphore_mem>>)
      %dma_wait3A_88 = tpu.memref_slice %arg4[%add3A_38] : memref<322560xi32, #tpu.memory_space<hbm>> -> memref<112xi32, #tpu.memory_space<hbm>>
      %dma_wait3A_89 = tpu.memref_slice %arg4[%add3A_38] : memref<322560xi32, #tpu.memory_space<hbm>> -> memref<112xi32, #tpu.memory_space<hbm>>
      tpu.wait_dma2 semaphore(%run_scoped3A : memref<!tpu.dma_semaphore, #tpu.memory_space<semaphore_mem>>) src(%dma_wait3A_89 : memref<112xi32, #tpu.memory_space<hbm>>) dst(%arg13 : memref<112xi32, #tpu.memory_space<vmem>>)
      tpu.yield
    }) : () -> ()
    %dma_start3A_39 = arith.constant 0 : i32
    %dma_start3A_40 = arith.constant 0 : i32
    %dma_start3A_41 = tpu.memref_slice %arg2[%dma_start3A_39, %dma_start3A_40] : memref<10000x128xf32, #tpu.memory_space<hbm>> -> memref<10000x128xf32, #tpu.memory_space<hbm>>
    tpu.enqueue_indirect_dma source(%dma_start3A_41 : memref<10000x128xf32, #tpu.memory_space<hbm>>) target(%arg7 : memref<112x128xf32, #tpu.memory_space<vmem>>) offsets(%arg10 : memref<112xi32, #tpu.memory_space<vmem>>) semaphore(%arg17 : memref<!tpu.dma_semaphore, #tpu.memory_space<semaphore_mem>>)
    %add3A_42 = arith.constant 224 : i32
    %add3A_43 = arith.addi %mul3A_32, %add3A_42 : i32
    "tpu.region"() ({
      %run_scoped3A = tpu.sem_alloc : memref<!tpu.dma_semaphore, #tpu.memory_space<semaphore_mem>>
      %dma_start3A_86 = tpu.memref_slice %arg3[%add3A_43] : memref<322560xi32, #tpu.memory_space<hbm>> -> memref<112xi32, #tpu.memory_space<hbm>>
      %dma_start3A_87 = tpu.memref_slice %arg3[%add3A_43] : memref<322560xi32, #tpu.memory_space<hbm>> -> memref<112xi32, #tpu.memory_space<hbm>>
      tpu.enqueue_dma source(%dma_start3A_87 : memref<112xi32, #tpu.memory_space<hbm>>) target(%arg11 : memref<112xi32, #tpu.memory_space<vmem>>) target_semaphore(%run_scoped3A : memref<!tpu.dma_semaphore, #tpu.memory_space<semaphore_mem>>)
      %dma_wait3A_88 = tpu.memref_slice %arg3[%add3A_43] : memref<322560xi32, #tpu.memory_space<hbm>> -> memref<112xi32, #tpu.memory_space<hbm>>
      %dma_wait3A_89 = tpu.memref_slice %arg3[%add3A_43] : memref<322560xi32, #tpu.memory_space<hbm>> -> memref<112xi32, #tpu.memory_space<hbm>>
      tpu.wait_dma2 semaphore(%run_scoped3A : memref<!tpu.dma_semaphore, #tpu.memory_space<semaphore_mem>>) src(%dma_wait3A_89 : memref<112xi32, #tpu.memory_space<hbm>>) dst(%arg11 : memref<112xi32, #tpu.memory_space<vmem>>)
      tpu.yield
    }) : () -> ()
    "tpu.region"() ({
      %run_scoped3A = tpu.sem_alloc : memref<!tpu.dma_semaphore, #tpu.memory_space<semaphore_mem>>
      %dma_start3A_86 = tpu.memref_slice %arg4[%add3A_43] : memref<322560xi32, #tpu.memory_space<hbm>> -> memref<112xi32, #tpu.memory_space<hbm>>
      %dma_start3A_87 = tpu.memref_slice %arg4[%add3A_43] : memref<322560xi32, #tpu.memory_space<hbm>> -> memref<112xi32, #tpu.memory_space<hbm>>
      tpu.enqueue_dma source(%dma_start3A_87 : memref<112xi32, #tpu.memory_space<hbm>>) target(%arg14 : memref<112xi32, #tpu.memory_space<vmem>>) target_semaphore(%run_scoped3A : memref<!tpu.dma_semaphore, #tpu.memory_space<semaphore_mem>>)
      %dma_wait3A_88 = tpu.memref_slice %arg4[%add3A_43] : memref<322560xi32, #tpu.memory_space<hbm>> -> memref<112xi32, #tpu.memory_space<hbm>>
      %dma_wait3A_89 = tpu.memref_slice %arg4[%add3A_43] : memref<322560xi32, #tpu.memory_space<hbm>> -> memref<112xi32, #tpu.memory_space<hbm>>
      tpu.wait_dma2 semaphore(%run_scoped3A : memref<!tpu.dma_semaphore, #tpu.memory_space<semaphore_mem>>) src(%dma_wait3A_89 : memref<112xi32, #tpu.memory_space<hbm>>) dst(%arg14 : memref<112xi32, #tpu.memory_space<vmem>>)
      tpu.yield
    }) : () -> ()
    %dma_start3A_44 = arith.constant 0 : i32
    %dma_start3A_45 = arith.constant 0 : i32
    %dma_start3A_46 = tpu.memref_slice %arg2[%dma_start3A_44, %dma_start3A_45] : memref<10000x128xf32, #tpu.memory_space<hbm>> -> memref<10000x128xf32, #tpu.memory_space<hbm>>
    tpu.enqueue_indirect_dma source(%dma_start3A_46 : memref<10000x128xf32, #tpu.memory_space<hbm>>) target(%arg8 : memref<112x128xf32, #tpu.memory_space<vmem>>) offsets(%arg11 : memref<112xi32, #tpu.memory_space<vmem>>) semaphore(%arg18 : memref<!tpu.dma_semaphore, #tpu.memory_space<semaphore_mem>>)
    %scan3A_47 = arith.constant 0 : i32
    %scan3A_48 = arith.constant 29 : i32
    %scan3A_49 = arith.addi %scan3A_47, %scan3A_48 : i32
    %scan3A_50 = arith.constant 1 : i32
    scf.for %scan3A_86 = %scan3A_47 to %scan3A_49 step %scan3A_50  : i32 {
      %dma_wait3A_87 = arith.constant 0 : i32
      %dma_wait3A_88 = arith.constant 0 : i32
      %dma_wait3A_89 = tpu.memref_slice %arg2[%dma_wait3A_87, %dma_wait3A_88] : memref<10000x128xf32, #tpu.memory_space<hbm>> -> memref<10000x128xf32, #tpu.memory_space<hbm>>
      tpu.wait_indirect_dma semaphore(%arg16 : memref<!tpu.dma_semaphore, #tpu.memory_space<semaphore_mem>>) src(%dma_wait3A_89 : memref<10000x128xf32, #tpu.memory_space<hbm>>) dst(%arg6 : memref<112x128xf32, #tpu.memory_space<vmem>>)
      %dma_start3A_90 = arith.constant 0 : i32
      %dma_start3A_91 = arith.constant 0 : i32
      %dma_start3A_92 = tpu.memref_slice %arg15[%dma_start3A_90, %dma_start3A_91] : memref<10112x128xf32, #tpu.memory_space<vmem_shared>> -> memref<10112x128xf32, #tpu.memory_space<vmem_shared>>
      tpu.enqueue_indirect_dma source(%arg6 : memref<112x128xf32, #tpu.memory_space<vmem>>) target(%dma_start3A_92 : memref<10112x128xf32, #tpu.memory_space<vmem_shared>>) offsets(%arg12 : memref<112xi32, #tpu.memory_space<vmem>>) semaphore(%arg19 : memref<!tpu.dma_semaphore, #tpu.memory_space<semaphore_mem>>) {add = true}
      %dma_wait3A_93 = arith.constant 0 : i32
      %dma_wait3A_94 = arith.constant 0 : i32
      %dma_wait3A_95 = tpu.memref_slice %arg2[%dma_wait3A_93, %dma_wait3A_94] : memref<10000x128xf32, #tpu.memory_space<hbm>> -> memref<10000x128xf32, #tpu.memory_space<hbm>>
      tpu.wait_indirect_dma semaphore(%arg17 : memref<!tpu.dma_semaphore, #tpu.memory_space<semaphore_mem>>) src(%dma_wait3A_95 : memref<10000x128xf32, #tpu.memory_space<hbm>>) dst(%arg7 : memref<112x128xf32, #tpu.memory_space<vmem>>)
      %dma_start3A_96 = arith.constant 0 : i32
      %dma_start3A_97 = arith.constant 0 : i32
      %dma_start3A_98 = tpu.memref_slice %arg15[%dma_start3A_96, %dma_start3A_97] : memref<10112x128xf32, #tpu.memory_space<vmem_shared>> -> memref<10112x128xf32, #tpu.memory_space<vmem_shared>>
      tpu.enqueue_indirect_dma source(%arg7 : memref<112x128xf32, #tpu.memory_space<vmem>>) target(%dma_start3A_98 : memref<10112x128xf32, #tpu.memory_space<vmem_shared>>) offsets(%arg13 : memref<112xi32, #tpu.memory_space<vmem>>) semaphore(%arg20 : memref<!tpu.dma_semaphore, #tpu.memory_space<semaphore_mem>>) {add = true}
      %dma_wait3A_99 = arith.constant 0 : i32
      %dma_wait3A_100 = arith.constant 0 : i32
      %dma_wait3A_101 = tpu.memref_slice %arg2[%dma_wait3A_99, %dma_wait3A_100] : memref<10000x128xf32, #tpu.memory_space<hbm>> -> memref<10000x128xf32, #tpu.memory_space<hbm>>
      tpu.wait_indirect_dma semaphore(%arg18 : memref<!tpu.dma_semaphore, #tpu.memory_space<semaphore_mem>>) src(%dma_wait3A_101 : memref<10000x128xf32, #tpu.memory_space<hbm>>) dst(%arg8 : memref<112x128xf32, #tpu.memory_space<vmem>>)
      %dma_start3A_102 = arith.constant 0 : i32
      %dma_start3A_103 = arith.constant 0 : i32
      %dma_start3A_104 = tpu.memref_slice %arg15[%dma_start3A_102, %dma_start3A_103] : memref<10112x128xf32, #tpu.memory_space<vmem_shared>> -> memref<10112x128xf32, #tpu.memory_space<vmem_shared>>
      tpu.enqueue_indirect_dma source(%arg8 : memref<112x128xf32, #tpu.memory_space<vmem>>) target(%dma_start3A_104 : memref<10112x128xf32, #tpu.memory_space<vmem_shared>>) offsets(%arg14 : memref<112xi32, #tpu.memory_space<vmem>>) semaphore(%arg21 : memref<!tpu.dma_semaphore, #tpu.memory_space<semaphore_mem>>) {add = true}
      %dma_wait3A_105 = arith.constant 0 : i32
      %dma_wait3A_106 = arith.constant 0 : i32
      %dma_wait3A_107 = tpu.memref_slice %arg15[%dma_wait3A_105, %dma_wait3A_106] : memref<10112x128xf32, #tpu.memory_space<vmem_shared>> -> memref<10112x128xf32, #tpu.memory_space<vmem_shared>>
      tpu.wait_indirect_dma semaphore(%arg19 : memref<!tpu.dma_semaphore, #tpu.memory_space<semaphore_mem>>) src(%arg6 : memref<112x128xf32, #tpu.memory_space<vmem>>) dst(%dma_wait3A_107 : memref<10112x128xf32, #tpu.memory_space<vmem_shared>>)
      %add3A_108 = arith.constant 1 : i32
      %add3A_109 = arith.addi %scan3A_86, %add3A_108 : i32
      %mul3A_110 = arith.constant 3 : i32
      %mul3A_111 = arith.muli %add3A_109, %mul3A_110 : i32
      %add3A_112 = arith.constant 0 : i32
      %add3A_113 = arith.addi %mul3A_111, %add3A_112 : i32
      %mul3A_114 = arith.constant 112 : i32
      %mul3A_115 = arith.muli %add3A_113, %mul3A_114 : i32
      %add3A_116 = arith.addi %mul3A_32, %mul3A_115 : i32
      "tpu.region"() ({
        %run_scoped3A = tpu.sem_alloc : memref<!tpu.dma_semaphore, #tpu.memory_space<semaphore_mem>>
        %dma_start3A_150 = tpu.memref_slice %arg3[%add3A_116] : memref<322560xi32, #tpu.memory_space<hbm>> -> memref<112xi32, #tpu.memory_space<hbm>>
        %dma_start3A_151 = tpu.memref_slice %arg3[%add3A_116] : memref<322560xi32, #tpu.memory_space<hbm>> -> memref<112xi32, #tpu.memory_space<hbm>>
        tpu.enqueue_dma source(%dma_start3A_151 : memref<112xi32, #tpu.memory_space<hbm>>) target(%arg9 : memref<112xi32, #tpu.memory_space<vmem>>) target_semaphore(%run_scoped3A : memref<!tpu.dma_semaphore, #tpu.memory_space<semaphore_mem>>)
        %dma_wait3A_152 = tpu.memref_slice %arg3[%add3A_116] : memref<322560xi32, #tpu.memory_space<hbm>> -> memref<112xi32, #tpu.memory_space<hbm>>
        %dma_wait3A_153 = tpu.memref_slice %arg3[%add3A_116] : memref<322560xi32, #tpu.memory_space<hbm>> -> memref<112xi32, #tpu.memory_space<hbm>>
        tpu.wait_dma2 semaphore(%run_scoped3A : memref<!tpu.dma_semaphore, #tpu.memory_space<semaphore_mem>>) src(%dma_wait3A_153 : memref<112xi32, #tpu.memory_space<hbm>>) dst(%arg9 : memref<112xi32, #tpu.memory_space<vmem>>)
        tpu.yield
      }) : () -> ()
      "tpu.region"() ({
        %run_scoped3A = tpu.sem_alloc : memref<!tpu.dma_semaphore, #tpu.memory_space<semaphore_mem>>
        %dma_start3A_150 = tpu.memref_slice %arg4[%add3A_116] : memref<322560xi32, #tpu.memory_space<hbm>> -> memref<112xi32, #tpu.memory_space<hbm>>
        %dma_start3A_151 = tpu.memref_slice %arg4[%add3A_116] : memref<322560xi32, #tpu.memory_space<hbm>> -> memref<112xi32, #tpu.memory_space<hbm>>
        tpu.enqueue_dma source(%dma_start3A_151 : memref<112xi32, #tpu.memory_space<hbm>>) target(%arg12 : memref<112xi32, #tpu.memory_space<vmem>>) target_semaphore(%run_scoped3A : memref<!tpu.dma_semaphore, #tpu.memory_space<semaphore_mem>>)
        %dma_wait3A_152 = tpu.memref_slice %arg4[%add3A_116] : memref<322560xi32, #tpu.memory_space<hbm>> -> memref<112xi32, #tpu.memory_space<hbm>>
        %dma_wait3A_153 = tpu.memref_slice %arg4[%add3A_116] : memref<322560xi32, #tpu.memory_space<hbm>> -> memref<112xi32, #tpu.memory_space<hbm>>
        tpu.wait_dma2 semaphore(%run_scoped3A : memref<!tpu.dma_semaphore, #tpu.memory_space<semaphore_mem>>) src(%dma_wait3A_153 : memref<112xi32, #tpu.memory_space<hbm>>) dst(%arg12 : memref<112xi32, #tpu.memory_space<vmem>>)
        tpu.yield
      }) : () -> ()
      %dma_start3A_117 = arith.constant 0 : i32
      %dma_start3A_118 = arith.constant 0 : i32
      %dma_start3A_119 = tpu.memref_slice %arg2[%dma_start3A_117, %dma_start3A_118] : memref<10000x128xf32, #tpu.memory_space<hbm>> -> memref<10000x128xf32, #tpu.memory_space<hbm>>
      tpu.enqueue_indirect_dma source(%dma_start3A_119 : memref<10000x128xf32, #tpu.memory_space<hbm>>) target(%arg6 : memref<112x128xf32, #tpu.memory_space<vmem>>) offsets(%arg9 : memref<112xi32, #tpu.memory_space<vmem>>) semaphore(%arg16 : memref<!tpu.dma_semaphore, #tpu.memory_space<semaphore_mem>>)
      %dma_wait3A_120 = arith.constant 0 : i32
      %dma_wait3A_121 = arith.constant 0 : i32
      %dma_wait3A_122 = tpu.memref_slice %arg15[%dma_wait3A_120, %dma_wait3A_121] : memref<10112x128xf32, #tpu.memory_space<vmem_shared>> -> memref<10112x128xf32, #tpu.memory_space<vmem_shared>>
      tpu.wait_indirect_dma semaphore(%arg20 : memref<!tpu.dma_semaphore, #tpu.memory_space<semaphore_mem>>) src(%arg7 : memref<112x128xf32, #tpu.memory_space<vmem>>) dst(%dma_wait3A_122 : memref<10112x128xf32, #tpu.memory_space<vmem_shared>>)
      %add3A_123 = arith.constant 1 : i32
      %add3A_124 = arith.addi %scan3A_86, %add3A_123 : i32
      %mul3A_125 = arith.constant 3 : i32
      %mul3A_126 = arith.muli %add3A_124, %mul3A_125 : i32
      %add3A_127 = arith.constant 1 : i32
      %add3A_128 = arith.addi %mul3A_126, %add3A_127 : i32
      %mul3A_129 = arith.constant 112 : i32
      %mul3A_130 = arith.muli %add3A_128, %mul3A_129 : i32
      %add3A_131 = arith.addi %mul3A_32, %mul3A_130 : i32
      "tpu.region"() ({
        %run_scoped3A = tpu.sem_alloc : memref<!tpu.dma_semaphore, #tpu.memory_space<semaphore_mem>>
        %dma_start3A_150 = tpu.memref_slice %arg3[%add3A_131] : memref<322560xi32, #tpu.memory_space<hbm>> -> memref<112xi32, #tpu.memory_space<hbm>>
        %dma_start3A_151 = tpu.memref_slice %arg3[%add3A_131] : memref<322560xi32, #tpu.memory_space<hbm>> -> memref<112xi32, #tpu.memory_space<hbm>>
        tpu.enqueue_dma source(%dma_start3A_151 : memref<112xi32, #tpu.memory_space<hbm>>) target(%arg10 : memref<112xi32, #tpu.memory_space<vmem>>) target_semaphore(%run_scoped3A : memref<!tpu.dma_semaphore, #tpu.memory_space<semaphore_mem>>)
        %dma_wait3A_152 = tpu.memref_slice %arg3[%add3A_131] : memref<322560xi32, #tpu.memory_space<hbm>> -> memref<112xi32, #tpu.memory_space<hbm>>
        %dma_wait3A_153 = tpu.memref_slice %arg3[%add3A_131] : memref<322560xi32, #tpu.memory_space<hbm>> -> memref<112xi32, #tpu.memory_space<hbm>>
        tpu.wait_dma2 semaphore(%run_scoped3A : memref<!tpu.dma_semaphore, #tpu.memory_space<semaphore_mem>>) src(%dma_wait3A_153 : memref<112xi32, #tpu.memory_space<hbm>>) dst(%arg10 : memref<112xi32, #tpu.memory_space<vmem>>)
        tpu.yield
      }) : () -> ()
      "tpu.region"() ({
        %run_scoped3A = tpu.sem_alloc : memref<!tpu.dma_semaphore, #tpu.memory_space<semaphore_mem>>
        %dma_start3A_150 = tpu.memref_slice %arg4[%add3A_131] : memref<322560xi32, #tpu.memory_space<hbm>> -> memref<112xi32, #tpu.memory_space<hbm>>
        %dma_start3A_151 = tpu.memref_slice %arg4[%add3A_131] : memref<322560xi32, #tpu.memory_space<hbm>> -> memref<112xi32, #tpu.memory_space<hbm>>
        tpu.enqueue_dma source(%dma_start3A_151 : memref<112xi32, #tpu.memory_space<hbm>>) target(%arg13 : memref<112xi32, #tpu.memory_space<vmem>>) target_semaphore(%run_scoped3A : memref<!tpu.dma_semaphore, #tpu.memory_space<semaphore_mem>>)
        %dma_wait3A_152 = tpu.memref_slice %arg4[%add3A_131] : memref<322560xi32, #tpu.memory_space<hbm>> -> memref<112xi32, #tpu.memory_space<hbm>>
        %dma_wait3A_153 = tpu.memref_slice %arg4[%add3A_131] : memref<322560xi32, #tpu.memory_space<hbm>> -> memref<112xi32, #tpu.memory_space<hbm>>
        tpu.wait_dma2 semaphore(%run_scoped3A : memref<!tpu.dma_semaphore, #tpu.memory_space<semaphore_mem>>) src(%dma_wait3A_153 : memref<112xi32, #tpu.memory_space<hbm>>) dst(%arg13 : memref<112xi32, #tpu.memory_space<vmem>>)
        tpu.yield
      }) : () -> ()
      %dma_start3A_132 = arith.constant 0 : i32
      %dma_start3A_133 = arith.constant 0 : i32
      %dma_start3A_134 = tpu.memref_slice %arg2[%dma_start3A_132, %dma_start3A_133] : memref<10000x128xf32, #tpu.memory_space<hbm>> -> memref<10000x128xf32, #tpu.memory_space<hbm>>
      tpu.enqueue_indirect_dma source(%dma_start3A_134 : memref<10000x128xf32, #tpu.memory_space<hbm>>) target(%arg7 : memref<112x128xf32, #tpu.memory_space<vmem>>) offsets(%arg10 : memref<112xi32, #tpu.memory_space<vmem>>) semaphore(%arg17 : memref<!tpu.dma_semaphore, #tpu.memory_space<semaphore_mem>>)
      %dma_wait3A_135 = arith.constant 0 : i32
      %dma_wait3A_136 = arith.constant 0 : i32
      %dma_wait3A_137 = tpu.memref_slice %arg15[%dma_wait3A_135, %dma_wait3A_136] : memref<10112x128xf32, #tpu.memory_space<vmem_shared>> -> memref<10112x128xf32, #tpu.memory_space<vmem_shared>>
      tpu.wait_indirect_dma semaphore(%arg21 : memref<!tpu.dma_semaphore, #tpu.memory_space<semaphore_mem>>) src(%arg8 : memref<112x128xf32, #tpu.memory_space<vmem>>) dst(%dma_wait3A_137 : memref<10112x128xf32, #tpu.memory_space<vmem_shared>>)
      %add3A_138 = arith.constant 1 : i32
      %add3A_139 = arith.addi %scan3A_86, %add3A_138 : i32
      %mul3A_140 = arith.constant 3 : i32
      %mul3A_141 = arith.muli %add3A_139, %mul3A_140 : i32
      %add3A_142 = arith.constant 2 : i32
      %add3A_143 = arith.addi %mul3A_141, %add3A_142 : i32
      %mul3A_144 = arith.constant 112 : i32
      %mul3A_145 = arith.muli %add3A_143, %mul3A_144 : i32
      %add3A_146 = arith.addi %mul3A_32, %mul3A_145 : i32
      "tpu.region"() ({
        %run_scoped3A = tpu.sem_alloc : memref<!tpu.dma_semaphore, #tpu.memory_space<semaphore_mem>>
        %dma_start3A_150 = tpu.memref_slice %arg3[%add3A_146] : memref<322560xi32, #tpu.memory_space<hbm>> -> memref<112xi32, #tpu.memory_space<hbm>>
        %dma_start3A_151 = tpu.memref_slice %arg3[%add3A_146] : memref<322560xi32, #tpu.memory_space<hbm>> -> memref<112xi32, #tpu.memory_space<hbm>>
        tpu.enqueue_dma source(%dma_start3A_151 : memref<112xi32, #tpu.memory_space<hbm>>) target(%arg11 : memref<112xi32, #tpu.memory_space<vmem>>) target_semaphore(%run_scoped3A : memref<!tpu.dma_semaphore, #tpu.memory_space<semaphore_mem>>)
        %dma_wait3A_152 = tpu.memref_slice %arg3[%add3A_146] : memref<322560xi32, #tpu.memory_space<hbm>> -> memref<112xi32, #tpu.memory_space<hbm>>
        %dma_wait3A_153 = tpu.memref_slice %arg3[%add3A_146] : memref<322560xi32, #tpu.memory_space<hbm>> -> memref<112xi32, #tpu.memory_space<hbm>>
        tpu.wait_dma2 semaphore(%run_scoped3A : memref<!tpu.dma_semaphore, #tpu.memory_space<semaphore_mem>>) src(%dma_wait3A_153 : memref<112xi32, #tpu.memory_space<hbm>>) dst(%arg11 : memref<112xi32, #tpu.memory_space<vmem>>)
        tpu.yield
      }) : () -> ()
      "tpu.region"() ({
        %run_scoped3A = tpu.sem_alloc : memref<!tpu.dma_semaphore, #tpu.memory_space<semaphore_mem>>
        %dma_start3A_150 = tpu.memref_slice %arg4[%add3A_146] : memref<322560xi32, #tpu.memory_space<hbm>> -> memref<112xi32, #tpu.memory_space<hbm>>
        %dma_start3A_151 = tpu.memref_slice %arg4[%add3A_146] : memref<322560xi32, #tpu.memory_space<hbm>> -> memref<112xi32, #tpu.memory_space<hbm>>
        tpu.enqueue_dma source(%dma_start3A_151 : memref<112xi32, #tpu.memory_space<hbm>>) target(%arg14 : memref<112xi32, #tpu.memory_space<vmem>>) target_semaphore(%run_scoped3A : memref<!tpu.dma_semaphore, #tpu.memory_space<semaphore_mem>>)
        %dma_wait3A_152 = tpu.memref_slice %arg4[%add3A_146] : memref<322560xi32, #tpu.memory_space<hbm>> -> memref<112xi32, #tpu.memory_space<hbm>>
        %dma_wait3A_153 = tpu.memref_slice %arg4[%add3A_146] : memref<322560xi32, #tpu.memory_space<hbm>> -> memref<112xi32, #tpu.memory_space<hbm>>
        tpu.wait_dma2 semaphore(%run_scoped3A : memref<!tpu.dma_semaphore, #tpu.memory_space<semaphore_mem>>) src(%dma_wait3A_153 : memref<112xi32, #tpu.memory_space<hbm>>) dst(%arg14 : memref<112xi32, #tpu.memory_space<vmem>>)
        tpu.yield
      }) : () -> ()
      %dma_start3A_147 = arith.constant 0 : i32
      %dma_start3A_148 = arith.constant 0 : i32
      %dma_start3A_149 = tpu.memref_slice %arg2[%dma_start3A_147, %dma_start3A_148] : memref<10000x128xf32, #tpu.memory_space<hbm>> -> memref<10000x128xf32, #tpu.memory_space<hbm>>
      tpu.enqueue_indirect_dma source(%dma_start3A_149 : memref<10000x128xf32, #tpu.memory_space<hbm>>) target(%arg8 : memref<112x128xf32, #tpu.memory_space<vmem>>) offsets(%arg11 : memref<112xi32, #tpu.memory_space<vmem>>) semaphore(%arg18 : memref<!tpu.dma_semaphore, #tpu.memory_space<semaphore_mem>>)
    }
    %scan3A_51 = arith.constant 29 : i32
    %dma_wait3A = arith.constant 0 : i32
    %dma_wait3A_52 = arith.constant 0 : i32
    %dma_wait3A_53 = tpu.memref_slice %arg2[%dma_wait3A, %dma_wait3A_52] : memref<10000x128xf32, #tpu.memory_space<hbm>> -> memref<10000x128xf32, #tpu.memory_space<hbm>>
    tpu.wait_indirect_dma semaphore(%arg16 : memref<!tpu.dma_semaphore, #tpu.memory_space<semaphore_mem>>) src(%dma_wait3A_53 : memref<10000x128xf32, #tpu.memory_space<hbm>>) dst(%arg6 : memref<112x128xf32, #tpu.memory_space<vmem>>)
    %dma_start3A_54 = arith.constant 0 : i32
    %dma_start3A_55 = arith.constant 0 : i32
    %dma_start3A_56 = tpu.memref_slice %arg15[%dma_start3A_54, %dma_start3A_55] : memref<10112x128xf32, #tpu.memory_space<vmem_shared>> -> memref<10112x128xf32, #tpu.memory_space<vmem_shared>>
    tpu.enqueue_indirect_dma source(%arg6 : memref<112x128xf32, #tpu.memory_space<vmem>>) target(%dma_start3A_56 : memref<10112x128xf32, #tpu.memory_space<vmem_shared>>) offsets(%arg12 : memref<112xi32, #tpu.memory_space<vmem>>) semaphore(%arg19 : memref<!tpu.dma_semaphore, #tpu.memory_space<semaphore_mem>>) {add = true}
    %dma_wait3A_57 = arith.constant 0 : i32
    %dma_wait3A_58 = arith.constant 0 : i32
    %dma_wait3A_59 = tpu.memref_slice %arg2[%dma_wait3A_57, %dma_wait3A_58] : memref<10000x128xf32, #tpu.memory_space<hbm>> -> memref<10000x128xf32, #tpu.memory_space<hbm>>
    tpu.wait_indirect_dma semaphore(%arg17 : memref<!tpu.dma_semaphore, #tpu.memory_space<semaphore_mem>>) src(%dma_wait3A_59 : memref<10000x128xf32, #tpu.memory_space<hbm>>) dst(%arg7 : memref<112x128xf32, #tpu.memory_space<vmem>>)
    %dma_start3A_60 = arith.constant 0 : i32
    %dma_start3A_61 = arith.constant 0 : i32
    %dma_start3A_62 = tpu.memref_slice %arg15[%dma_start3A_60, %dma_start3A_61] : memref<10112x128xf32, #tpu.memory_space<vmem_shared>> -> memref<10112x128xf32, #tpu.memory_space<vmem_shared>>
    tpu.enqueue_indirect_dma source(%arg7 : memref<112x128xf32, #tpu.memory_space<vmem>>) target(%dma_start3A_62 : memref<10112x128xf32, #tpu.memory_space<vmem_shared>>) offsets(%arg13 : memref<112xi32, #tpu.memory_space<vmem>>) semaphore(%arg20 : memref<!tpu.dma_semaphore, #tpu.memory_space<semaphore_mem>>) {add = true}
    %dma_wait3A_63 = arith.constant 0 : i32
    %dma_wait3A_64 = arith.constant 0 : i32
    %dma_wait3A_65 = tpu.memref_slice %arg2[%dma_wait3A_63, %dma_wait3A_64] : memref<10000x128xf32, #tpu.memory_space<hbm>> -> memref<10000x128xf32, #tpu.memory_space<hbm>>
    tpu.wait_indirect_dma semaphore(%arg18 : memref<!tpu.dma_semaphore, #tpu.memory_space<semaphore_mem>>) src(%dma_wait3A_65 : memref<10000x128xf32, #tpu.memory_space<hbm>>) dst(%arg8 : memref<112x128xf32, #tpu.memory_space<vmem>>)
    %dma_start3A_66 = arith.constant 0 : i32
    %dma_start3A_67 = arith.constant 0 : i32
    %dma_start3A_68 = tpu.memref_slice %arg15[%dma_start3A_66, %dma_start3A_67] : memref<10112x128xf32, #tpu.memory_space<vmem_shared>> -> memref<10112x128xf32, #tpu.memory_space<vmem_shared>>
    tpu.enqueue_indirect_dma source(%arg8 : memref<112x128xf32, #tpu.memory_space<vmem>>) target(%dma_start3A_68 : memref<10112x128xf32, #tpu.memory_space<vmem_shared>>) offsets(%arg14 : memref<112xi32, #tpu.memory_space<vmem>>) semaphore(%arg21 : memref<!tpu.dma_semaphore, #tpu.memory_space<semaphore_mem>>) {add = true}
    %dma_wait3A_69 = arith.constant 0 : i32
    %dma_wait3A_70 = arith.constant 0 : i32
    %dma_wait3A_71 = tpu.memref_slice %arg15[%dma_wait3A_69, %dma_wait3A_70] : memref<10112x128xf32, #tpu.memory_space<vmem_shared>> -> memref<10112x128xf32, #tpu.memory_space<vmem_shared>>
    tpu.wait_indirect_dma semaphore(%arg19 : memref<!tpu.dma_semaphore, #tpu.memory_space<semaphore_mem>>) src(%arg6 : memref<112x128xf32, #tpu.memory_space<vmem>>) dst(%dma_wait3A_71 : memref<10112x128xf32, #tpu.memory_space<vmem_shared>>)
    %dma_wait3A_72 = arith.constant 0 : i32
    %dma_wait3A_73 = arith.constant 0 : i32
    %dma_wait3A_74 = tpu.memref_slice %arg15[%dma_wait3A_72, %dma_wait3A_73] : memref<10112x128xf32, #tpu.memory_space<vmem_shared>> -> memref<10112x128xf32, #tpu.memory_space<vmem_shared>>
    tpu.wait_indirect_dma semaphore(%arg20 : memref<!tpu.dma_semaphore, #tpu.memory_space<semaphore_mem>>) src(%arg7 : memref<112x128xf32, #tpu.memory_space<vmem>>) dst(%dma_wait3A_74 : memref<10112x128xf32, #tpu.memory_space<vmem_shared>>)
    %dma_wait3A_75 = arith.constant 0 : i32
    %dma_wait3A_76 = arith.constant 0 : i32
    %dma_wait3A_77 = tpu.memref_slice %arg15[%dma_wait3A_75, %dma_wait3A_76] : memref<10112x128xf32, #tpu.memory_space<vmem_shared>> -> memref<10112x128xf32, #tpu.memory_space<vmem_shared>>
    tpu.wait_indirect_dma semaphore(%arg21 : memref<!tpu.dma_semaphore, #tpu.memory_space<semaphore_mem>>) src(%arg8 : memref<112x128xf32, #tpu.memory_space<vmem>>) dst(%dma_wait3A_77 : memref<10112x128xf32, #tpu.memory_space<vmem_shared>>)
    %barrier3A_78 = arith.constant 0 : index
    tpu.barrier barrier_id(%barrier3A_78)
    %mul3A_79 = arith.constant 632 : i32
    %mul3A_80 = arith.muli %arg1, %mul3A_79 : i32
    %mul3A_81 = arith.constant 10112 : i32
    %mul3A_82 = arith.muli %arg0, %mul3A_81 : i32
    %mul3A_83 = arith.constant 632 : i32
    %mul3A_84 = arith.muli %arg1, %mul3A_83 : i32
    %add3A_85 = arith.addi %mul3A_82, %mul3A_84 : i32
    "tpu.region"() ({
      %run_scoped3A = tpu.sem_alloc : memref<!tpu.dma_semaphore, #tpu.memory_space<semaphore_mem>>
      %dma_start3A_86 = arith.constant 0 : i32
      %dma_start3A_87 = tpu.memref_slice %arg5[%add3A_85, %dma_start3A_86] : memref<20224x128xf32, #tpu.memory_space<hbm>> -> memref<632x128xf32, #tpu.memory_space<hbm>>
      %dma_start3A_88 = arith.constant 0 : i32
      %dma_start3A_89 = tpu.memref_slice %arg15[%mul3A_80, %dma_start3A_88] : memref<10112x128xf32, #tpu.memory_space<vmem_shared>> -> memref<632x128xf32, #tpu.memory_space<vmem_shared>>
      tpu.enqueue_dma source(%dma_start3A_89 : memref<632x128xf32, #tpu.memory_space<vmem_shared>>) target(%dma_start3A_87 : memref<632x128xf32, #tpu.memory_space<hbm>>) target_semaphore(%run_scoped3A : memref<!tpu.dma_semaphore, #tpu.memory_space<semaphore_mem>>)
      %dma_wait3A_90 = arith.constant 0 : i32
      %dma_wait3A_91 = tpu.memref_slice %arg5[%add3A_85, %dma_wait3A_90] : memref<20224x128xf32, #tpu.memory_space<hbm>> -> memref<632x128xf32, #tpu.memory_space<hbm>>
      %dma_wait3A_92 = arith.constant 0 : i32
      %dma_wait3A_93 = tpu.memref_slice %arg15[%mul3A_80, %dma_wait3A_92] : memref<10112x128xf32, #tpu.memory_space<vmem_shared>> -> memref<632x128xf32, #tpu.memory_space<vmem_shared>>
      tpu.wait_dma2 semaphore(%run_scoped3A : memref<!tpu.dma_semaphore, #tpu.memory_space<semaphore_mem>>) src(%dma_wait3A_93 : memref<632x128xf32, #tpu.memory_space<vmem_shared>>) dst(%dma_wait3A_91 : memref<632x128xf32, #tpu.memory_space<hbm>>)
      tpu.yield
    }) : () -> ()
    return
  }
}

module attributes {stable_mosaic.version = 14 : i64} {
  func.func @_k2_body(%arg0: i32, %arg1: memref<1000x128xf32, #tpu.memory_space<vmem>>, %arg2: memref<128x128xf32, #tpu.memory_space<vmem>>, %arg3: memref<1000x2xf32, #tpu.memory_space<vmem>>, %arg4: memref<1000x128xf32, #tpu.memory_space<vmem>>, %arg5: memref<1000x128xf32, #tpu.memory_space<vmem>>) attributes {dimension_semantics = [#tpu.dimension_semantics<arbitrary>], iteration_bounds = array<i64: 10>, scalar_prefetch = 0 : i64, scratch_operands = 0 : i64, tpu.core_type = #tpu.core_type<tc>, window_params = [{transform_indices = @transform_0, window_bounds = array<i64: 1000, 128>}, {pipeline_mode = #tpu.pipeline_mode<synchronous>, transform_indices = @transform_1, window_bounds = array<i64: 128, 128>}, {transform_indices = @transform_2, window_bounds = array<i64: 1000, 2>}, {transform_indices = @transform_3, window_bounds = array<i64: 1000, 128>}, {transform_indices = @transform_4, window_bounds = array<i64: 1000, 128>}]} {
    %get3A = arith.constant 0 : index
    %get3A_0 = arith.constant 0 : index
    %get3A_1 = vector.load %arg3[%get3A, %get3A_0] : memref<1000x2xf32, #tpu.memory_space<vmem>>, vector<1000x1xf32>
    %get3A_2 = arith.constant 0 : index
    %get3A_3 = arith.constant 1 : index
    %get3A_4 = vector.load %arg3[%get3A_2, %get3A_3] : memref<1000x2xf32, #tpu.memory_space<vmem>>, vector<1000x1xf32>
    %add3A = arith.addf %get3A_1, %get3A_4 : vector<1000x1xf32>
    %add3A_5 = arith.constant 1.000000e+00 : f32
    %add3A_6 = vector.broadcast %add3A_5 : f32 to vector<1000x1xf32>
    %add3A_7 = arith.addf %add3A, %add3A_6 : vector<1000x1xf32>
    %rsqrt3A = math.rsqrt %add3A_7 : vector<1000x1xf32>
    %broadcast_in_dim3A = vector.shape_cast %rsqrt3A : vector<1000x1xf32> to vector<1000x1xf32>
    %broadcast_in_dim3A_8 = vector.broadcast %broadcast_in_dim3A : vector<1000x1xf32> to vector<1000x128xf32>
    %get3A_9 = arith.constant 0 : index
    %get3A_10 = arith.constant 0 : index
    %get3A_11 = vector.load %arg1[%get3A_9, %get3A_10] : memref<1000x128xf32, #tpu.memory_space<vmem>>, vector<1000x128xf32>
    %get3A_12 = arith.constant 0 : index
    %get3A_13 = arith.constant 0 : index
    %get3A_14 = vector.load %arg2[%get3A_12, %get3A_13] : memref<128x128xf32, #tpu.memory_space<vmem>>, vector<128x128xf32>
    %dot_general3A = arith.constant dense<0.000000e+00> : vector<1000x128xf32>
    %dot_general3A_15 = tpu.matmul %get3A_11, %get3A_14, %dot_general3A {dimension_numbers = #tpu.dot_dimension_numbers<[1], [0], [0], [1], [0, 0, 1, 1], [], []>, transpose_lhs_hint = false} : vector<1000x128xf32>, vector<128x128xf32>, vector<1000x128xf32> -> vector<1000x128xf32>
    %mul3A = arith.mulf %dot_general3A_15, %broadcast_in_dim3A_8 : vector<1000x128xf32>
    %swap3A = arith.constant 0 : index
    %swap3A_16 = arith.constant 0 : index
    %swap3A_17 = vector.load %arg4[%swap3A, %swap3A_16] : memref<1000x128xf32, #tpu.memory_space<vmem>>, vector<1000x128xf32>
    tpu.vector_store %arg4[%swap3A, %swap3A_16], %mul3A {strides = array<i32>} : memref<1000x128xf32, #tpu.memory_space<vmem>>, vector<1000x128xf32>,
    %swap3A_18 = arith.constant 0 : index
    %swap3A_19 = arith.constant 0 : index
    %swap3A_20 = vector.load %arg5[%swap3A_18, %swap3A_19] : memref<1000x128xf32, #tpu.memory_space<vmem>>, vector<1000x128xf32>
    tpu.vector_store %arg5[%swap3A_18, %swap3A_19], %broadcast_in_dim3A_8 {strides = array<i32>} : memref<1000x128xf32, #tpu.memory_space<vmem>>, vector<1000x128xf32>,
    return
  }
  func.func @transform_0(%arg0: i32) -> (i32, i32) {
    %c0_i32 = arith.constant 0 : i32
    %c0_i32_0 = arith.constant 0 : i32
    return %arg0, %c0_i32 : i32, i32
  }
  func.func @transform_1(%arg0: i32) -> (i32, i32) {
    %c0_i32 = arith.constant 0 : i32
    %c0_i32_0 = arith.constant 0 : i32
    %c0_i32_1 = arith.constant 0 : i32
    return %c0_i32, %c0_i32_0 : i32, i32
  }
  func.func @transform_2(%arg0: i32) -> (i32, i32) {
    %c0_i32 = arith.constant 0 : i32
    %c0_i32_0 = arith.constant 0 : i32
    return %arg0, %c0_i32 : i32, i32
  }
  func.func @transform_3(%arg0: i32) -> (i32, i32) {
    %c0_i32 = arith.constant 0 : i32
    %c0_i32_0 = arith.constant 0 : i32
    return %arg0, %c0_i32 : i32, i32
  }
  func.func @transform_4(%arg0: i32) -> (i32, i32) {
    %c0_i32 = arith.constant 0 : i32
    %c0_i32_0 = arith.constant 0 : i32
    return %arg0, %c0_i32 : i32, i32
  }
}

module attributes {stable_mosaic.version = 14 : i64} {
  func.func @_k4_body(%arg0: i32, %arg1: memref<1000x128xf32, #tpu.memory_space<vmem>>, %arg2: memref<1000x128xf32, #tpu.memory_space<vmem>>, %arg3: memref<1000x128xf32, #tpu.memory_space<vmem>>, %arg4: memref<1000x128xf32, #tpu.memory_space<vmem>>, %arg5: memref<1x128xf32, #tpu.memory_space<vmem>>, %arg6: memref<128x128xf32, #tpu.memory_space<vmem>>, %arg7: memref<1000x128xf32, #tpu.memory_space<vmem>>) attributes {dimension_semantics = [#tpu.dimension_semantics<arbitrary>], iteration_bounds = array<i64: 10>, scalar_prefetch = 0 : i64, scratch_operands = 0 : i64, tpu.core_type = #tpu.core_type<tc>, window_params = [{transform_indices = @transform_0, window_bounds = array<i64: 1000, 128>}, {transform_indices = @transform_1, window_bounds = array<i64: 1000, 128>}, {transform_indices = @transform_2, window_bounds = array<i64: 1000, 128>}, {transform_indices = @transform_3, window_bounds = array<i64: 1000, 128>}, {pipeline_mode = #tpu.pipeline_mode<synchronous>, transform_indices = @transform_4, window_bounds = array<i64: 1, 128>}, {pipeline_mode = #tpu.pipeline_mode<synchronous>, transform_indices = @transform_5, window_bounds = array<i64: 128, 128>}, {transform_indices = @transform_6, window_bounds = array<i64: 1000, 128>}]} {
    %get3A = arith.constant 0 : index
    %get3A_0 = arith.constant 0 : index
    %get3A_1 = vector.load %arg1[%get3A, %get3A_0] : memref<1000x128xf32, #tpu.memory_space<vmem>>, vector<1000x128xf32>
    %get3A_2 = arith.constant 0 : index
    %get3A_3 = arith.constant 0 : index
    %get3A_4 = vector.load %arg2[%get3A_2, %get3A_3] : memref<1000x128xf32, #tpu.memory_space<vmem>>, vector<1000x128xf32>
    %add3A = arith.addf %get3A_1, %get3A_4 : vector<1000x128xf32>
    %get3A_5 = arith.constant 0 : index
    %get3A_6 = arith.constant 0 : index
    %get3A_7 = vector.load %arg3[%get3A_5, %get3A_6] : memref<1000x128xf32, #tpu.memory_space<vmem>>, vector<1000x128xf32>
    %add3A_8 = arith.addf %add3A, %get3A_7 : vector<1000x128xf32>
    %get3A_9 = arith.constant 0 : index
    %get3A_10 = arith.constant 0 : index
    %get3A_11 = vector.load %arg4[%get3A_9, %get3A_10] : memref<1000x128xf32, #tpu.memory_space<vmem>>, vector<1000x128xf32>
    %mul3A = arith.mulf %add3A_8, %get3A_11 : vector<1000x128xf32>
    %get3A_12 = arith.constant 0 : index
    %get3A_13 = arith.constant 0 : index
    %get3A_14 = vector.load %arg5[%get3A_12, %get3A_13] : memref<1x128xf32, #tpu.memory_space<vmem>>, vector<1x128xf32>
    %add3A_15 = vector.broadcast %get3A_14 : vector<1x128xf32> to vector<1000x128xf32>
    %add3A_16 = arith.addf %mul3A, %add3A_15 : vector<1000x128xf32>
    %max3A = arith.constant 0.000000e+00 : f32
    %max3A_17 = vector.broadcast %max3A : f32 to vector<1000x128xf32>
    %max3A_18 = arith.maximumf %add3A_16, %max3A_17 : vector<1000x128xf32>
    %get3A_19 = arith.constant 0 : index
    %get3A_20 = arith.constant 0 : index
    %get3A_21 = vector.load %arg6[%get3A_19, %get3A_20] : memref<128x128xf32, #tpu.memory_space<vmem>>, vector<128x128xf32>
    %dot_general3A = arith.constant dense<0.000000e+00> : vector<1000x128xf32>
    %dot_general3A_22 = tpu.matmul %max3A_18, %get3A_21, %dot_general3A {dimension_numbers = #tpu.dot_dimension_numbers<[1], [0], [0], [1], [0, 0, 1, 1], [], []>, transpose_lhs_hint = false} : vector<1000x128xf32>, vector<128x128xf32>, vector<1000x128xf32> -> vector<1000x128xf32>
    %get3A_23 = arith.constant 0 : index
    %get3A_24 = arith.constant 0 : index
    %get3A_25 = vector.load %arg4[%get3A_23, %get3A_24] : memref<1000x128xf32, #tpu.memory_space<vmem>>, vector<1000x128xf32>
    %mul3A_26 = arith.mulf %dot_general3A_22, %get3A_25 : vector<1000x128xf32>
    %swap3A = arith.constant 0 : index
    %swap3A_27 = arith.constant 0 : index
    %swap3A_28 = vector.load %arg7[%swap3A, %swap3A_27] : memref<1000x128xf32, #tpu.memory_space<vmem>>, vector<1000x128xf32>
    tpu.vector_store %arg7[%swap3A, %swap3A_27], %mul3A_26 {strides = array<i32>} : memref<1000x128xf32, #tpu.memory_space<vmem>>, vector<1000x128xf32>,
    return
  }
  func.func @transform_0(%arg0: i32) -> (i32, i32) {
    %c0_i32 = arith.constant 0 : i32
    %c0_i32_0 = arith.constant 0 : i32
    return %arg0, %c0_i32 : i32, i32
  }
  func.func @transform_1(%arg0: i32) -> (i32, i32) {
    %c0_i32 = arith.constant 0 : i32
    %c0_i32_0 = arith.constant 0 : i32
    return %arg0, %c0_i32 : i32, i32
  }
  func.func @transform_2(%arg0: i32) -> (i32, i32) {
    %c0_i32 = arith.constant 0 : i32
    %c0_i32_0 = arith.constant 0 : i32
    return %arg0, %c0_i32 : i32, i32
  }
  func.func @transform_3(%arg0: i32) -> (i32, i32) {
    %c0_i32 = arith.constant 0 : i32
    %c0_i32_0 = arith.constant 0 : i32
    return %arg0, %c0_i32 : i32, i32
  }
  func.func @transform_4(%arg0: i32) -> (i32, i32) {
    %c0_i32 = arith.constant 0 : i32
    %c0_i32_0 = arith.constant 0 : i32
    %c0_i32_1 = arith.constant 0 : i32
    return %c0_i32, %c0_i32_0 : i32, i32
  }
  func.func @transform_5(%arg0: i32) -> (i32, i32) {
    %c0_i32 = arith.constant 0 : i32
    %c0_i32_0 = arith.constant 0 : i32
    %c0_i32_1 = arith.constant 0 : i32
    return %c0_i32, %c0_i32_0 : i32, i32
  }
  func.func @transform_6(%arg0: i32) -> (i32, i32) {
    %c0_i32 = arith.constant 0 : i32
    %c0_i32_0 = arith.constant 0 : i32
    return %arg0, %c0_i32 : i32, i32
  }
}

module attributes {stable_mosaic.version = 14 : i64} {
  func.func @_k6_body(%arg0: i32, %arg1: memref<1000x128xf32, #tpu.memory_space<vmem>>, %arg2: memref<1000x128xf32, #tpu.memory_space<vmem>>, %arg3: memref<1000x128xf32, #tpu.memory_space<vmem>>, %arg4: memref<1000x128xf32, #tpu.memory_space<vmem>>, %arg5: memref<1x128xf32, #tpu.memory_space<vmem>>, %arg6: memref<1000x128xf32, #tpu.memory_space<vmem>>, %arg7: memref<1000x128xf32, #tpu.memory_space<vmem>>) attributes {dimension_semantics = [#tpu.dimension_semantics<arbitrary>], iteration_bounds = array<i64: 10>, scalar_prefetch = 0 : i64, scratch_operands = 0 : i64, tpu.core_type = #tpu.core_type<tc>, window_params = [{transform_indices = @transform_0, window_bounds = array<i64: 1000, 128>}, {transform_indices = @transform_1, window_bounds = array<i64: 1000, 128>}, {transform_indices = @transform_2, window_bounds = array<i64: 1000, 128>}, {transform_indices = @transform_3, window_bounds = array<i64: 1000, 128>}, {pipeline_mode = #tpu.pipeline_mode<synchronous>, transform_indices = @transform_4, window_bounds = array<i64: 1, 128>}, {transform_indices = @transform_5, window_bounds = array<i64: 1000, 128>}, {transform_indices = @transform_6, window_bounds = array<i64: 1000, 128>}]} {
    %get3A = arith.constant 0 : index
    %get3A_0 = arith.constant 0 : index
    %get3A_1 = vector.load %arg1[%get3A, %get3A_0] : memref<1000x128xf32, #tpu.memory_space<vmem>>, vector<1000x128xf32>
    %get3A_2 = arith.constant 0 : index
    %get3A_3 = arith.constant 0 : index
    %get3A_4 = vector.load %arg2[%get3A_2, %get3A_3] : memref<1000x128xf32, #tpu.memory_space<vmem>>, vector<1000x128xf32>
    %add3A = arith.addf %get3A_1, %get3A_4 : vector<1000x128xf32>
    %get3A_5 = arith.constant 0 : index
    %get3A_6 = arith.constant 0 : index
    %get3A_7 = vector.load %arg3[%get3A_5, %get3A_6] : memref<1000x128xf32, #tpu.memory_space<vmem>>, vector<1000x128xf32>
    %add3A_8 = arith.addf %add3A, %get3A_7 : vector<1000x128xf32>
    %get3A_9 = arith.constant 0 : index
    %get3A_10 = arith.constant 0 : index
    %get3A_11 = vector.load %arg4[%get3A_9, %get3A_10] : memref<1000x128xf32, #tpu.memory_space<vmem>>, vector<1000x128xf32>
    %mul3A = arith.mulf %add3A_8, %get3A_11 : vector<1000x128xf32>
    %get3A_12 = arith.constant 0 : index
    %get3A_13 = arith.constant 0 : index
    %get3A_14 = vector.load %arg5[%get3A_12, %get3A_13] : memref<1x128xf32, #tpu.memory_space<vmem>>, vector<1x128xf32>
    %add3A_15 = vector.broadcast %get3A_14 : vector<1x128xf32> to vector<1000x128xf32>
    %add3A_16 = arith.addf %mul3A, %add3A_15 : vector<1000x128xf32>
    %get3A_17 = arith.constant 0 : index
    %get3A_18 = arith.constant 0 : index
    %get3A_19 = vector.load %arg6[%get3A_17, %get3A_18] : memref<1000x128xf32, #tpu.memory_space<vmem>>, vector<1000x128xf32>
    %add3A_20 = arith.addf %add3A_16, %get3A_19 : vector<1000x128xf32>
    %swap3A = arith.constant 0 : index
    %swap3A_21 = arith.constant 0 : index
    %swap3A_22 = vector.load %arg7[%swap3A, %swap3A_21] : memref<1000x128xf32, #tpu.memory_space<vmem>>, vector<1000x128xf32>
    tpu.vector_store %arg7[%swap3A, %swap3A_21], %add3A_20 {strides = array<i32>} : memref<1000x128xf32, #tpu.memory_space<vmem>>, vector<1000x128xf32>,
    return
  }
  func.func @transform_0(%arg0: i32) -> (i32, i32) {
    %c0_i32 = arith.constant 0 : i32
    %c0_i32_0 = arith.constant 0 : i32
    return %arg0, %c0_i32 : i32, i32
  }
  func.func @transform_1(%arg0: i32) -> (i32, i32) {
    %c0_i32 = arith.constant 0 : i32
    %c0_i32_0 = arith.constant 0 : i32
    return %arg0, %c0_i32 : i32, i32
  }
  func.func @transform_2(%arg0: i32) -> (i32, i32) {
    %c0_i32 = arith.constant 0 : i32
    %c0_i32_0 = arith.constant 0 : i32
    return %arg0, %c0_i32 : i32, i32
  }
  func.func @transform_3(%arg0: i32) -> (i32, i32) {
    %c0_i32 = arith.constant 0 : i32
    %c0_i32_0 = arith.constant 0 : i32
    return %arg0, %c0_i32 : i32, i32
  }
  func.func @transform_4(%arg0: i32) -> (i32, i32) {
    %c0_i32 = arith.constant 0 : i32
    %c0_i32_0 = arith.constant 0 : i32
    %c0_i32_1 = arith.constant 0 : i32
    return %c0_i32, %c0_i32_0 : i32, i32
  }
  func.func @transform_5(%arg0: i32) -> (i32, i32) {
    %c0_i32 = arith.constant 0 : i32
    %c0_i32_0 = arith.constant 0 : i32
    return %arg0, %c0_i32 : i32, i32
  }
  func.func @transform_6(%arg0: i32) -> (i32, i32) {
    %c0_i32 = arith.constant 0 : i32
    %c0_i32_0 = arith.constant 0 : i32
    return %arg0, %c0_i32 : i32, i32
  }
}

</mosaic_0001>

<sc_bundles>
// kernel: kernel.11.cloned.1.call-start
scs
__scs_entry_jumppad:
0x0: {  	(pc) =	sbr.rel $0x88, $3  }
0x1: {  	(tag) =	ssettag $0x0;
	lr =	simm.s32 $0x1  }
0x2: {  	[smem:$0x3F9B] =	sst lr;
	_ =	strace $0xD0000000  }
0x3: {  	_ = 	snop  }
0x4: {  	_ = 	snop  }
0x5: {  	_ = 	snop  }
0x6: {  	_ = 	snop  }
0x7: {  	_ = 	snop  }
__scs_overlays_trampoline_lowered:
0x8: {  	[smem:$0x3FAA] =	sst s0  }
0x9: {  	[smem:$0x3FAB] =	sst s1  }
0xa: {  	[smem:$0x3FAC] =	sst s2  }
0xb: {  	[smem:$0x3FAD] =	sst s3  }
0xc: {  	[smem:$0x3FAE] =	sst s4  }
0xd: {  	[smem:$0x3FAF] =	sst s5  }
0xe: {  	[smem:$0x3FB0] =	sst s6  }
0xf: {  	[smem:$0x3FB1] =	sst s7  }
0x10: {  	[smem:$0x3FB2] =	sst s8  }
0x11: {  	[smem:$0x3FB3] =	sst s9;
	s0 =	simm.s32 @!p0 $0x0  }
0x12: {  	s1 =	sld [smem:$0x3F99];
	s0 =	simm.s32 @p0 $0x1  }
0x13: {  	[smem:$0x3FB4] =	sst s0;
	s0 =	simm.s32 @!p1 $0x0  }
0x14: {  	s2 =	sld [smem:$0x3F98];
	s0 =	simm.s32 @p1 $0x1  }
0x15: {  	[smem:$0x3FB5] =	sst s0;
	s0 =	simm.s32 @!p2 $0x0  }
0x16: {  	s3 =	sld [smem:$0x3FDB];
	s0 =	simm.s32 @p2 $0x1  }
0x17: {  	s4 =	simm.s32 $0x1BF5;
	[smem:$0x3FB7] =	sst s0  }
0x18: {  	s0 =	sld [smem:$0x3F9A];
	_ =	swait.ge [sflag:s4], $0x0  }
0x19: {  	s7 =	sld [smem:$0x3F9B]  }
0x1a: {  	s8 =	sadd.s32 $0xFFFFE003, lr  }
0x1b: {  	s9 =	sadd.s32 $0xFFFFFEF7, lr;
	s5 =	simm.s32 $0xFFFFFFFF;
	p2 =	slt.u32 s8, $0xFFFFF086  }
0x1c: {  	p1 =	slt.u32 s9, $0xF7A;
	s5 =	simm.s32 @!p2 $0x0  }
0x1d: {  	s5 =	simm.s32 @p1 $0x1;
	p0 =	seq.s32 s7, s2  }
0x1e: {  	s7 =	smul.u32 @!p0 $0xF7A, s2;
	p2 =	seq.s32 @!p0 s5, $0x0  }
0x1f: {  	s9 =	smul.u32 $0xF7A, s1;
	s8 =	simm.s32 @!p0 $0x1BF5;
	p2 =	por !p2, p0  }
0x20: {  	[sflag:s8] =	ssyncset.s32 @!p0 $0xFFFFF086;
	s6 =	sadd.s32 @!p0 s3, s7;
	s7 =	simm.s32 @!p0 $0x108  }
0x21: {  	s3 =	sadd.s32 s3, s9;
	s6 =	sadd.s32 @!p0 $0x88, s6;
	s7 =	simm.s32 @p2 $0x1082  }
0x22: {  	[simem:s7], [sflag:s8] =	dma.local @!p0 [hbm:s6], $0xF7A  }
0x23: {  	s9 =	sor.u32 $0xD0000000, s2;
	s6 =	simm.s32 $0x108;
	_ =	swait.ge @!p0 [sflag:s8], $0x0  }
0x24: {  	s3 =	sadd.s32 $0x88, s3;
	s6 =	simm.s32 @!p1 $0x1082;
	[sflag:s4] =	ssyncset.s32 $0xFFFFF086  }
0x25: {  	[simem:s6], [sflag:s4] =	dma.local [hbm:s3], $0xF7A  }
0x26: {  	[smem:$0x3F9B] =	sst s1;
	(tag) =	ssettag s2;
	_ =	strace s9  }
0x27: {  	s1 =	sld [smem:$0x3FAB]  }
0x28: {  	s2 =	sld [smem:$0x3FAC]  }
0x29: {  	s4 =	sld [smem:$0x3FAE]  }
0x2a: {  	p0 =	seq.s32 s5, $0x0;
	s5 =	sld [smem:$0x3FAF]  }
0x2b: {  	s6 =	sld [smem:$0x3FB0]  }
0x2c: {  	s7 =	sld [smem:$0x3FB1]  }
0x2d: {  	s3 =	simm.s32 $0x108;
	s8 =	sld [smem:$0x3FB2]  }
0x2e: {  	s3 =	simm.s32 @!p0 $0x1082;
	s9 =	sld [smem:$0x3FB3]  }
0x2f: {  	lr =	sadd.s32 s0, s3;
	s0 =	sld [smem:$0x3FAA]  }
0x30: {  	s3 =	sld [smem:$0x3FAD]  }
0x31: {  	[smem:$0x3FB6] =	sst s10  }
0x32: {  	s10 =	sld [smem:$0x3FB4];
	_ =	sdelay $0x3  }
0x33: {  	p0 =	seq.s32 s10, $0x1;
	s10 =	sld [smem:$0x3FB6];
	_ =	sdelay $0x3  }
0x34: {  	[smem:$0x3FB6] =	sst s10  }
0x35: {  	s10 =	sld [smem:$0x3FB5];
	_ =	sdelay $0x3  }
0x36: {  	p1 =	seq.s32 s10, $0x1;
	s10 =	sld [smem:$0x3FB6];
	_ =	sdelay $0x3  }
0x37: {  	[smem:$0x3FB6] =	sst s10  }
0x38: {  	s10 =	sld [smem:$0x3FB7]  }
0x39: {  	_ = 	snop;
	(pc) =	sbr.ind lr, $3  }
0x3a: {  	_ = 	snop  }
0x3b: {  	_ = 	snop  }
0x3c: {  	p2 =	seq.s32 s10, $0x1;
	s10 =	sld [smem:$0x3FB6]  }
0x3d: {  	_ =	shalt  }
0x3e: {  	_ =	shalt  }
0x3f: {  	_ =	shalt  }
0x40: {  	_ =	shalt  }
0x41: {  	_ =	shalt  }
0x42: {  	_ =	shalt  }
0x43: {  	_ =	shalt  }
0x44: {  	_ =	shalt  }
0x45: {  	_ =	shalt  }
0x46: {  	_ =	shalt  }
0x47: {  	_ =	shalt  }
0x48: {  	_ =	shalt  }
0x49: {  	_ =	shalt  }
0x4a: {  	_ =	shalt  }
0x4b: {  	_ =	shalt  }
0x4c: {  	_ =	shalt  }
0x4d: {  	_ =	shalt  }
0x4e: {  	_ =	shalt  }
0x4f: {  	_ =	shalt  }
0x50: {  	_ =	shalt  }
0x51: {  	_ =	shalt  }
0x52: {  	_ =	shalt  }
0x53: {  	_ =	shalt  }
0x54: {  	_ =	shalt  }
0x55: {  	_ =	shalt  }
0x56: {  	_ =	shalt  }
0x57: {  	_ =	shalt  }
0x58: {  	_ =	shalt  }
0x59: {  	_ =	shalt  }
0x5a: {  	_ =	shalt  }
0x5b: {  	_ =	shalt  }
0x5c: {  	_ =	shalt  }
0x5d: {  	_ =	shalt  }
0x5e: {  	_ =	shalt  }
0x5f: {  	_ =	shalt  }
0x60: {  	_ =	shalt  }
0x61: {  	_ =	shalt  }
0x62: {  	_ =	shalt  }
0x63: {  	_ =	shalt  }
0x64: {  	_ =	shalt  }
0x65: {  	_ =	shalt  }
0x66: {  	_ =	shalt  }
0x67: {  	_ =	shalt  }
0x68: {  	_ =	shalt  }
0x69: {  	_ =	shalt  }
0x6a: {  	_ =	shalt  }
0x6b: {  	_ =	shalt  }
0x6c: {  	_ =	shalt  }
0x6d: {  	_ =	shalt  }
0x6e: {  	_ =	shalt  }
0x6f: {  	_ =	shalt  }
0x70: {  	_ =	shalt  }
0x71: {  	_ =	shalt  }
0x72: {  	_ =	shalt  }
0x73: {  	_ =	shalt  }
0x74: {  	_ =	shalt  }
0x75: {  	_ =	shalt  }
0x76: {  	_ =	shalt  }
0x77: {  	_ =	shalt  }
0x78: {  	_ =	shalt  }
0x79: {  	_ =	shalt  }
0x7a: {  	_ =	shalt  }
0x7b: {  	_ =	shalt  }
0x7c: {  	_ =	shalt  }
0x7d: {  	_ =	shalt  }
0x7e: {  	_ =	shalt  }
0x7f: {  	_ =	shalt  }
0x80: {  	_ =	shalt  }
0x81: {  	_ =	shalt  }
0x82: {  	_ =	shalt  }
0x83: {  	_ =	shalt  }
0x84: {  	_ =	shalt  }
0x85: {  	_ =	shalt  }
0x86: {  	_ =	shalt  }
0x87: {  	_ =	shalt  }
.Lfunc_end0:
.L_simem_size_0:
called_computation.1_lowered:
.L_overlay_start_0:
0x88: {  	s2 =	sld [smem:$0x3FD9]  }
0x89: {  	s3 =	sld [smem:$0x3FFE];
	_ =	sdelay $0x1  }
0x8a: {  	s1 =	srdreg.scid  }
0x8b: {  	s0 =	sand.u32 $0x1, s1  }
0x8c: {  	s17 =	sshll.u32 s0, $0xA;
	s2 =	sadd.s32 s3, s2  }
0x8d: {  	s2 =	sadd.s32 s2, s17  }
0x8e: {  	[smem:$0x3FC2] =	sst s2  }
0x8f: {  	_ = 	snop  }
0x90: {  	s2 =	sld [smem:$0x3FD0];
	(tm) =	ssettm $0x1  }
0x91: {  	s18 =	sld [smem:$0x3FFB];
	_ =	sdelay $0x3  }
0x92: {  	_ =	strace s18  }
0x93: {  	s3 =	sld [smem:$0x3FFC];
	_ =	sdelay $0x3  }
0x94: {  	_ =	strace s3  }
0x95: {  	s3 =	sld [smem:$0x3FFD];
	_ =	sdelay $0x3  }
0x96: {  	_ =	strace s3  }
0x97: {  	_ =	strace $0x8FFFFFFF  }
0x98: {  	s19 =	sld [smem:$0x3FDB];
	_ =	sdelay $0x1  }
0x99: {  	s4 =	simm.s32 $_scs_section_size  }
0x9a: {  	s5 =	simm.s32 $_size__tile_overlayer_lowered;
	s6 =	simm.s32 $_tile_overlayer_lowered  }
0x9b: {  	s22 =	simm.s32 $0x1BFF;
	s21 =	sshll.u32 s6, $0x1;
	s3 =	sadd.s32 s4, s19  }
0x9c: {  	s7 =	simm.s32 $0x0;
	s20 =	sshll.u32 s5, $0x1;
	s5 =	sadd.s32 s21, s3  }
0x9d: {  	[timem:s7], [sflag:s22] =	dma.local [hbm:s5], s20  }
0x9e: {  	_ =	swait.ge [sflag:s22], s20  }
0x9f: {  	s4 =	ssub.s32 $0x0, s20;
	[sflag:s22] =	ssyncset.done $0x0  }
0xa0: {  	[sflag:s22] =	ssyncadd.s32 s4;
	_ =	sdelay $0x1  }
0xa1: {  	s23 =	simm.s32 $0x1B8B  }
0xa2: {  	_ =	swait.ge [sflag:s23], $0x1  }
0xa3: {  	[sflag:s23] =	ssyncset.done $0x0  }
0xa4: {  	s25 =	simm.s32 $0x1B8E;
	s24 =	sld [smem:$0x3FFE];
	[sflag:s23] =	ssyncadd.s32 $0xFFFFFFFF  }
0xa5: {  	s26 =	simm.s32 $execute0_lowered;
	[smem:$0x3FD2] =	sst s25  }
0xa6: {  	s5 =	sshll.u32 s26, $0x1;
	_ =	strace $0x80000049;
	[dreg:$0x1] =	wrdreg $0xFFFFFFFF  }
0xa7: {  	s28 =	simm.s32 $_size_execute0_lowered;
	s3 =	sadd.s32 s3, s5;
	[dreg:$0x0] =	wrdreg $0x0  }
0xa8: {  	s5 =	sshll.u32 s28, $0x1;
	[dreg:$0x2] =	wrdreg s3  }
0xa9: {  	[dreg:$0x3] =	wrdreg s5  }
0xaa: {  	[dreg:$0x4] =	wrdreg $0xC0  }
0xab: {  	_ =	task [dreg:s7], $0x5FFFF  }
0xac: {  	[dreg:$0x1] =	wrdreg $0xFFFFFFFF  }
0xad: {  	[dreg:$0x0] =	wrdreg $0x60  }
0xae: {  	[dreg:$0x2] =	wrdreg s2  }
0xaf: {  	[dreg:$0x3] =	wrdreg s24  }
0xb0: {  	[dreg:$0x4] =	wrdreg $0xAB000  }
0xb1: {  	[dreg:$0x5] =	wrdreg $0x9  }
0xb2: {  	_ =	task.clear_ibuf [dreg:s7], $0x6FFFF;
	_ =	strace $0x90000049  }
0xb3: {  	s29 =	simm.s32 $0x9;
	_ =	strace $0x8000004B  }
0xb4: {  	_ =	swait.ge [sflag:s29], $0x1  }
0xb5: {  	[sflag:s29] =	ssyncadd.s32 $0xFFFFFFFF  }
0xb6: {  	_ =	strace $0x9000004B  }
0xb7: {  	_ =	sfence  }
0xb8: {  	s30 =	sld [smem:$0x0];
	_ =	sdelay $0x2  }
0xb9: {  	s31 =	sshll.u32 s1, $0xD;
	s1 =	sshrl.u32 s1, $0x2  }
0xba: {  	s3 =	sand.u32 $0x4000, s31;
	s1 =	sadd.s32 s1, s30  }
0xbb: {  	s0 =	sor.u32 s3, s0;
	s1 =	sshll.u32 s1, $0x11  }
0xbc: {  	s0 =	sor.u32 s1, s0  }
0xbd: {  	s0 =	sadd.s32 $0x8F2B, s0  }
0xbe: {  	[sflag:s0] =	ssyncadd.remote.s32 $0x1  }
0xbf: {  	_ =	sfence.sel $0xFFFF  }
0xc0: {  	[dreg:$0x0] =	wrdreg $0xFFFFFFFF;
	(pc) =	sbr.abs _section_cstart, $3  }
0xc1: {  	[dreg:$0x1] =	wrdreg $0xFFFFFFFF  }
0xc2: {  	_ =	task.clear_ibuf [dreg:s7], $0x2FFFF;
	_ =	strace $0x9FFFFFFF  }
0xc3: {  	(tm) =	ssettm $0x7FFFFFFF  }
tec
execute0_lowered:
.L_overlay_start_1:
0x0: {  	(tag) =	ssettag $0x1  }
0x1: {  	s1 =	rddreg [dreg:$0x0]  }
0x2: {  	s0 =	rddreg [dreg:$0x1]  }
0x3: {  	s3 =	rddreg [dreg:$0x2]  }
0x4: {  	s2 =	srdreg.scid;
	s11 =	stileid.u32;
	s4 =	simm.s32 $0x0  }
0x5: {  	s28 =	simm.s32 $0xAA00;
	s29 =	simm.s32 $0x3800;
	s7 =	smul.u32 $0x2780, s11  }
0x6: {  	s30 =	simm.s32 $0xA900;
	s31 =	simm.s32 $0xAA80;
	s9 =	smul.u32 $0x4F000, s11  }
0x7: {  	s2 =	sand.u32 $0x1, s2;
	[smem:$0x7FF] =	sst s4;
	s13 =	smul.u32 $0x2760, s11  }
0x8: {  	s5 =	sadd.s32 $0xD400, s0;
	s6 =	sadd.s32 $0x3600, s0;
	s8 =	smul.u32 $0x27800, s2  }
0x9: {  	_ =	strace $0x8000004A;
	s25 =	sshll.u32 s2, $0x4;
	s26 =	ssub.s32 $0x2, s2  }
0xa: {  	s2 =	smul.u32 $0x27600, s2;
	s10 =	sshrl.u32 s26, $0x1;
	s9 =	sshrl.u32 s9, $0x2  }
0xb: {  	s7 =	sadd.s32 s7, s8;
	s8 =	sor.u32 s11, s25;
	s10 =	ssub.s32 s26, s10  }
0xc: {  	s2 =	sadd.s32 s13, s2;
	s13 =	simm.s32 $0x0;
	s0 =	sadd.s32 s7, s0  }
0xd: {  	s8 =	smul.u32 $0x2760, s8;
	s7 =	sadd.s32 s9, s3;
	s20 =	sadd.s32 $0x230, s2  }
0xe: {  	s22 =	sadd.s32 $0x1C0, s2;
	s9 =	sadd.s32 $0x3800, s7;
	s12 =	sadd.s32 $0x7000, s7  }
0xf: {  	s14 =	sadd.s32 $0xA800, s7;
	s15 =	sadd.s32 $0xE000, s7;
	[dreg:$0x8] =	wrdreg s9  }
0x10: {  	s16 =	sadd.s32 $0x11800, s7;
	s21 =	sshrl.u32 s20, $0x3;
	[dreg:$0x9] =	wrdreg s12  }
0x11: {  	s23 =	sshrl.u32 s22, $0x3;
	s20 =	smax.u32 s10, $0x1;
	[dreg:$0xa] =	wrdreg s14  }
0x12: {  	s22 =	simm.s32 $0x7;
	s10 =	simm.s32 $0x4;
	[dreg:$0xb] =	wrdreg s15  }
0x13: {  	s8 =	sshrl.u32 s8, $0x3;
	[dreg:$0xc] =	wrdreg s16;
	s11 =	sadd.s32 s21, s6  }
0x14: {  	s25 =	sadd.s32 s23, s6;
	s26 =	sadd.s32 s23, s5;
	[dreg:$0x4] =	wrdreg s11  }
0x15: {  	s23 =	simm.s32 $0xA800;
	s17 =	sadd.s32 s5, s8;
	[dreg:$0x6] =	wrdreg s25  }
0x16: {  	s18 =	sadd.s32 s6, s8;
	s19 =	sadd.s32 $0xE, s8;
	[dreg:$0x7] =	wrdreg s26  }
0x17: {  	s8 =	sadd.s32 $0x1C, s8;
	s25 =	simm.s32 $0x70;
	[dreg:$0xd] =	wrdreg s17  }
0x18: {  	s26 =	simm.s32 $0xA880;
	[dreg:$0xe] =	wrdreg s18;
	s12 =	sadd.s32 s5, s19  }
0x19: {  	s11 =	simm.s32 $0x5;
	s9 =	sadd.s32 s6, s19;
	[dreg:$0xf] =	wrdreg s12  }
0x1a: {  	s24 =	sadd.s32 s5, s8;
	s8 =	sadd.s32 s6, s8;
	[dreg:$0x10] =	wrdreg s9  }
0x1b: {  	s19 =	sadd.s32 $0x3E400, s0;
	s0 =	simm.s32 $0x7000;
	[dreg:$0x11] =	wrdreg s24  }
0x1c: {  	s9 =	sadd.s32 s21, s5;
	[dreg:$0x12] =	wrdreg s8;
	s21 =	sadd.s32 $0x150, s2  }
0x1d: {  	s24 =	simm.s32 $0xA980;
	s2 =	simm.s32 $0x1;
	s8 =	simm.s32 $0x2  }
0x1e: {  	v0 =	vimm.f32 $0.0e+00;
	s12 =	simm.s32 $0x6;
	[dreg:$0x5] =	wrdreg s9;
	s9 =	simm.s32 $0x3  }
.LBB2_1:
0x1f: {  	s14 =	sand.u32 $0xFE00, s4  }
0x20: {  	s15 =	sand.u32 $0x70, s4;
	s16 =	sshrl.u32 s14, $0x2  }
0x21: {  	s14 =	simm.s32 $0x40;
	s16 =	sor.u32 s15, s16;
	s15 =	simm.s32 $0x0  }
.LBB2_2:
0x22: {  	p0 =	sne.s32 s14, $0xDFC0  }
0x23: {  	[tilespmem:s16+$0x0] =	vst v0;
	s15 =	sadd.s32 $0x10, s15;
	s16 =	smov.u32 s14;
	s14 =	sadd.s32 $0x40, s14  }
.Ltmp0:
0x24: {  	(pc) =	sbr.rel @p0 .LBB2_2-.Ltmp0, $4  }
0x25: {  	_ = 	snop  }
0x26: {  	s16 =	sand.u32 $0xFE00, s16  }
0x27: {  	s17 =	sand.u32 $0x70, s15;
	s16 =	sshrl.u32 s16, $0x2  }
0x28: {  	s16 =	sor.u32 s17, s16  }
0x29: {  	[tilespmem:s16+$0x0] =	vst v0;
	s14 =	simm.s32 $0x0  }
0x2a: {  	[spmem:s7] =	stream.linear.scatter [tilespmem:s14], [sflag:$0x7], $0x3800, $0x38;
	[tilespmem:$0x1E700] =	vst v63  }
0x2b: {  	_ =	swait.ge [sflag:s22], $0x3800  }
0x2c: {  	[sflag:s22] =	ssyncset.done $0x0  }
0x2d: {  	s15 =	rddreg [dreg:$0x8];
	[sflag:s22] =	ssyncadd.s32 $0xFFFFC800  }
0x2e: {  	[spmem:s15] =	stream.linear.scatter [tilespmem:s14], [sflag:$0x7], $0x3800, $0x38;
	[tilespmem:$0x1E700] =	vst v63  }
0x2f: {  	_ =	swait.ge [sflag:s22], $0x3800  }
0x30: {  	[sflag:s22] =	ssyncset.done $0x0  }
0x31: {  	s16 =	rddreg [dreg:$0x9];
	[sflag:s22] =	ssyncadd.s32 $0xFFFFC800  }
0x32: {  	[spmem:s16] =	stream.linear.scatter [tilespmem:s14], [sflag:$0x7], $0x3800, $0x38;
	[tilespmem:$0x1E700] =	vst v63  }
0x33: {  	_ =	swait.ge [sflag:s22], $0x3800  }
0x34: {  	[sflag:s22] =	ssyncset.done $0x0  }
0x35: {  	s17 =	rddreg [dreg:$0xa];
	[sflag:s22] =	ssyncadd.s32 $0xFFFFC800  }
0x36: {  	[spmem:s17] =	stream.linear.scatter [tilespmem:s14], [sflag:$0x7], $0x3800, $0x38;
	[tilespmem:$0x1E700] =	vst v63  }
0x37: {  	_ =	swait.ge [sflag:s22], $0x3800  }
0x38: {  	[sflag:s22] =	ssyncset.done $0x0  }
0x39: {  	s18 =	rddreg [dreg:$0xb];
	[sflag:s22] =	ssyncadd.s32 $0xFFFFC800  }
0x3a: {  	[spmem:s18] =	stream.linear.scatter [tilespmem:s14], [sflag:$0x7], $0x3800, $0x38;
	[tilespmem:$0x1E700] =	vst v63  }
0x3b: {  	_ =	swait.ge [sflag:s22], $0x3800  }
0x3c: {  	[sflag:s22] =	ssyncset.done $0x0  }
0x3d: {  	s16 =	rddreg [dreg:$0xc];
	[sflag:s22] =	ssyncadd.s32 $0xFFFFC800  }
0x3e: {  	[spmem:s16] =	stream.linear.scatter [tilespmem:s14], [sflag:$0x7], $0x2400, $0x38;
	[tilespmem:$0x1E700] =	vst v63  }
0x3f: {  	_ =	swait.ge [sflag:s22], $0x2400  }
0x40: {  	[sflag:s22] =	ssyncset.done $0x0  }
0x41: {  	[sflag:s22] =	ssyncadd.s32 $0xFFFFDC00  }
0x42: {  	[bflag:$0x0] =	sbarrier.arrive $0xFFFF  }
0x43: {  	s17 =	rddreg [dreg:$0xd]  }
0x44: {  	[tilespmem:s23], [sflag:$0x7] =	stream.linear.gather [hbm4b:s17+s14], $0x70, $0x38;
	[tilespmem:$0x1E700] =	vst v63  }
0x45: {  	_ =	swait.ge [sflag:s22], $0x70  }
0x46: {  	[sflag:s22] =	ssyncset.done $0x0  }
0x47: {  	s18 =	rddreg [dreg:$0xe];
	[sflag:s22] =	ssyncadd.s32 $0xFFFFFF90  }
0x48: {  	[tilespmem:s24], [sflag:$0x7] =	stream.linear.gather [hbm4b:s18+s14], $0x70, $0x38;
	[tilespmem:$0x1E700] =	vst v63  }
0x49: {  	_ =	swait.ge [sflag:s22], $0x70  }
0x4a: {  	[sflag:s22] =	ssyncset.done $0x0  }
0x4b: {  	[sflag:s22] =	ssyncadd.s32 $0xFFFFFF90  }
0x4c: {  	[tilespmem:s14], [sflag:$0x1] =	stream.indirect.gather [hbm4b:s1+s25], $0x80, s23, s25, $0xb8;
	[tilespmem:$0x1E700] =	vst v63  }
0x4d: {  	s16 =	rddreg [dreg:$0xf]  }
0x4e: {  	[tilespmem:s26], [sflag:$0x7] =	stream.linear.gather [hbm4b:s16+s14], $0x70, $0x38;
	[tilespmem:$0x1E700] =	vst v63  }
0x4f: {  	_ =	swait.ge [sflag:s22], $0x70  }
0x50: {  	[sflag:s22] =	ssyncset.done $0x0  }
0x51: {  	s17 =	rddreg [dreg:$0x10];
	[sflag:s22] =	ssyncadd.s32 $0xFFFFFF90  }
0x52: {  	[tilespmem:s28], [sflag:$0x7] =	stream.linear.gather [hbm4b:s17+s14], $0x70, $0x38;
	[tilespmem:$0x1E700] =	vst v63  }
0x53: {  	_ =	swait.ge [sflag:s22], $0x70  }
0x54: {  	[sflag:s22] =	ssyncset.done $0x0  }
0x55: {  	[sflag:s22] =	ssyncadd.s32 $0xFFFFFF90  }
0x56: {  	[tilespmem:s29], [sflag:$0x2] =	stream.indirect.gather [hbm4b:s1+s25], $0x80, s26, s25, $0xb8;
	[tilespmem:$0x1E700] =	vst v63  }
0x57: {  	s18 =	rddreg [dreg:$0x11]  }
0x58: {  	[tilespmem:s30], [sflag:$0x7] =	stream.linear.gather [hbm4b:s18+s14], $0x70, $0x38;
	[tilespmem:$0x1E700] =	vst v63  }
0x59: {  	_ =	swait.ge [sflag:s22], $0x70  }
0x5a: {  	[sflag:s22] =	ssyncset.done $0x0  }
0x5b: {  	s16 =	rddreg [dreg:$0x12];
	[sflag:s22] =	ssyncadd.s32 $0xFFFFFF90  }
0x5c: {  	[tilespmem:s31], [sflag:$0x7] =	stream.linear.gather [hbm4b:s16+s14], $0x70, $0x38;
	[tilespmem:$0x1E700] =	vst v63  }
0x5d: {  	_ =	swait.ge [sflag:s22], $0x70  }
0x5e: {  	[sflag:s22] =	ssyncset.done $0x0  }
0x5f: {  	[sflag:s22] =	ssyncadd.s32 $0xFFFFFF90  }
0x60: {  	[tilespmem:s0], [sflag:$0x3] =	stream.indirect.gather [hbm4b:s1+s25], $0x80, s30, s25, $0xb8;
	[tilespmem:$0x1E700] =	vst v63  }
0x61: {  	_ =	swait.ge [sflag:s2], $0x3800  }
0x62: {  	[sflag:s2] =	ssyncset.done $0x0  }
0x63: {  	[sflag:s2] =	ssyncadd.s32 $0xFFFFC800  }
0x64: {  	[spmem:s3] =	stream.indirect.scatter.add.f32 [tilespmem:s4], [sflag:$0x4], $0x80, s24, s25, $0xb8;
	[tilespmem:$0x1E700] =	vst v63  }
0x65: {  	_ =	swait.ge [sflag:s8], $0x3800  }
0x66: {  	[sflag:s8] =	ssyncset.done $0x0  }
0x67: {  	[sflag:s8] =	ssyncadd.s32 $0xFFFFC800  }
0x68: {  	[spmem:s3] =	stream.indirect.scatter.add.f32 [tilespmem:s29], [sflag:$0x5], $0x80, s28, s25, $0xb8;
	[tilespmem:$0x1E700] =	vst v63  }
0x69: {  	_ =	swait.ge [sflag:s9], $0x3800  }
0x6a: {  	[sflag:s9] =	ssyncset.done $0x0  }
0x6b: {  	[sflag:s9] =	ssyncadd.s32 $0xFFFFC800  }
0x6c: {  	[spmem:s3] =	stream.indirect.scatter.add.f32 [tilespmem:s0], [sflag:$0x6], $0x80, s31, s25, $0xb8;
	[tilespmem:$0x1E700] =	vst v63  }
0x6d: {  	_ =	swait.ge [sflag:s10], $0x3800  }
0x6e: {  	s17 =	sshrl.u32 s21, $0x3;
	[sflag:s10] =	ssyncset.done $0x0  }
0x6f: {  	s18 =	sadd.s32 s5, s17;
	[sflag:s10] =	ssyncadd.s32 $0xFFFFC800  }
0x70: {  	[tilespmem:s23], [sflag:$0x7] =	stream.linear.gather [hbm4b:s18+s4], $0x70, $0x38;
	[tilespmem:$0x1E700] =	vst v63  }
0x71: {  	_ =	swait.ge [sflag:s22], $0x70  }
0x72: {  	[sflag:s22] =	ssyncset.done $0x0  }
0x73: {  	s14 =	sadd.s32 s6, s17;
	[sflag:s22] =	ssyncadd.s32 $0xFFFFFF90  }
0x74: {  	[tilespmem:s24], [sflag:$0x7] =	stream.linear.gather [hbm4b:s14+s4], $0x70, $0x38;
	[tilespmem:$0x1E700] =	vst v63  }
0x75: {  	_ =	swait.ge [sflag:s22], $0x70  }
0x76: {  	[sflag:s22] =	ssyncset.done $0x0  }
0x77: {  	[sflag:s22] =	ssyncadd.s32 $0xFFFFFF90  }
0x78: {  	[tilespmem:s4], [sflag:$0x1] =	stream.indirect.gather [hbm4b:s1+s25], $0x80, s23, s25, $0xb8;
	[tilespmem:$0x1E700] =	vst v63  }
0x79: {  	_ =	swait.ge [sflag:s11], $0x3800  }
0x7a: {  	s15 =	rddreg [dreg:$0x7];
	[sflag:s11] =	ssyncset.done $0x0  }
0x7b: {  	[sflag:s11] =	ssyncadd.s32 $0xFFFFC800;
	s14 =	sadd.s32 $0x0, s15  }
0x7c: {  	[tilespmem:s26], [sflag:$0x7] =	stream.linear.gather [hbm4b:s14+s4], $0x70, $0x38;
	[tilespmem:$0x1E700] =	vst v63  }
0x7d: {  	_ =	swait.ge [sflag:s22], $0x70  }
0x7e: {  	s16 =	rddreg [dreg:$0x6];
	[sflag:s22] =	ssyncset.done $0x0  }
0x7f: {  	[sflag:s22] =	ssyncadd.s32 $0xFFFFFF90;
	s14 =	sadd.s32 $0x0, s16  }
0x80: {  	[tilespmem:s28], [sflag:$0x7] =	stream.linear.gather [hbm4b:s14+s4], $0x70, $0x38;
	[tilespmem:$0x1E700] =	vst v63  }
0x81: {  	_ =	swait.ge [sflag:s22], $0x70  }
0x82: {  	[sflag:s22] =	ssyncset.done $0x0  }
0x83: {  	[sflag:s22] =	ssyncadd.s32 $0xFFFFFF90  }
0x84: {  	[tilespmem:s29], [sflag:$0x2] =	stream.indirect.gather [hbm4b:s1+s25], $0x80, s26, s25, $0xb8;
	[tilespmem:$0x1E700] =	vst v63  }
0x85: {  	_ =	swait.ge [sflag:s12], $0x3800  }
0x86: {  	s17 =	rddreg [dreg:$0x5];
	[sflag:s12] =	ssyncset.done $0x0  }
0x87: {  	[sflag:s12] =	ssyncadd.s32 $0xFFFFC800;
	s14 =	sadd.s32 $0x0, s17  }
0x88: {  	[tilespmem:s30], [sflag:$0x7] =	stream.linear.gather [hbm4b:s14+s4], $0x70, $0x38;
	[tilespmem:$0x1E700] =	vst v63  }
0x89: {  	_ =	swait.ge [sflag:s22], $0x70  }
0x8a: {  	s18 =	rddreg [dreg:$0x4];
	[sflag:s22] =	ssyncset.done $0x0  }
0x8b: {  	[sflag:s22] =	ssyncadd.s32 $0xFFFFFF90;
	s14 =	sadd.s32 $0x0, s18  }
0x8c: {  	[tilespmem:s31], [sflag:$0x7] =	stream.linear.gather [hbm4b:s14+s4], $0x70, $0x38;
	[tilespmem:$0x1E700] =	vst v63  }
0x8d: {  	_ =	swait.ge [sflag:s22], $0x70  }
0x8e: {  	[sflag:s22] =	ssyncset.done $0x0  }
0x8f: {  	s15 =	sadd.s32 $0x150, s21;
	s14 =	simm.s32 $0x2A;
	[sflag:s22] =	ssyncadd.s32 $0xFFFFFF90  }
.LBB2_4:
0x90: {  	[tilespmem:s0], [sflag:$0x3] =	stream.indirect.gather [hbm4b:s1+s25], $0x80, s30, s25, $0xb8;
	[tilespmem:$0x1E700] =	vst v63  }
0x91: {  	_ =	swait.ge [sflag:s2], $0x3800  }
0x92: {  	[sflag:s2] =	ssyncset.done $0x0  }
0x93: {  	[sflag:s2] =	ssyncadd.s32 $0xFFFFC800  }
0x94: {  	[spmem:s3] =	stream.indirect.scatter.add.f32 [tilespmem:s4], [sflag:$0x4], $0x80, s24, s25, $0xb8;
	[tilespmem:$0x1E700] =	vst v63  }
0x95: {  	_ =	swait.ge [sflag:s8], $0x3800  }
0x96: {  	[sflag:s8] =	ssyncset.done $0x0  }
0x97: {  	[sflag:s8] =	ssyncadd.s32 $0xFFFFC800  }
0x98: {  	[spmem:s3] =	stream.indirect.scatter.add.f32 [tilespmem:s29], [sflag:$0x5], $0x80, s28, s25, $0xb8;
	[tilespmem:$0x1E700] =	vst v63  }
0x99: {  	_ =	swait.ge [sflag:s9], $0x3800  }
0x9a: {  	[sflag:s9] =	ssyncset.done $0x0  }
0x9b: {  	[sflag:s9] =	ssyncadd.s32 $0xFFFFC800  }
0x9c: {  	[spmem:s3] =	stream.indirect.scatter.add.f32 [tilespmem:s0], [sflag:$0x6], $0x80, s31, s25, $0xb8;
	[tilespmem:$0x1E700] =	vst v63  }
0x9d: {  	_ =	swait.ge [sflag:s10], $0x3800  }
0x9e: {  	s17 =	sshrl.u32 s15, $0x3;
	[sflag:s10] =	ssyncset.done $0x0  }
0x9f: {  	s18 =	sadd.s32 s5, s17;
	[sflag:s10] =	ssyncadd.s32 $0xFFFFC800  }
0xa0: {  	[tilespmem:s23], [sflag:$0x7] =	stream.linear.gather [hbm4b:s18+s4], $0x70, $0x38;
	[tilespmem:$0x1E700] =	vst v63  }
0xa1: {  	_ =	swait.ge [sflag:s22], $0x70  }
0xa2: {  	[sflag:s22] =	ssyncset.done $0x0  }
0xa3: {  	s17 =	sadd.s32 s6, s17;
	[sflag:s22] =	ssyncadd.s32 $0xFFFFFF90  }
0xa4: {  	[tilespmem:s24], [sflag:$0x7] =	stream.linear.gather [hbm4b:s17+s4], $0x70, $0x38;
	[tilespmem:$0x1E700] =	vst v63  }
0xa5: {  	_ =	swait.ge [sflag:s22], $0x70  }
0xa6: {  	[sflag:s22] =	ssyncset.done $0x0  }
0xa7: {  	[sflag:s22] =	ssyncadd.s32 $0xFFFFFF90  }
0xa8: {  	[tilespmem:s4], [sflag:$0x1] =	stream.indirect.gather [hbm4b:s1+s25], $0x80, s23, s25, $0xb8;
	[tilespmem:$0x1E700] =	vst v63  }
0xa9: {  	_ =	swait.ge [sflag:s11], $0x3800  }
0xaa: {  	s16 =	smov.u32 s14;
	s18 =	rddreg [dreg:$0x7];
	[sflag:s11] =	ssyncset.done $0x0  }
0xab: {  	[sflag:s11] =	ssyncadd.s32 $0xFFFFC800;
	s17 =	sadd.s32 s16, s18  }
0xac: {  	[tilespmem:s26], [sflag:$0x7] =	stream.linear.gather [hbm4b:s17+s4], $0x70, $0x38;
	[tilespmem:$0x1E700] =	vst v63  }
0xad: {  	_ =	swait.ge [sflag:s22], $0x70  }
0xae: {  	s18 =	rddreg [dreg:$0x6];
	[sflag:s22] =	ssyncset.done $0x0  }
0xaf: {  	[sflag:s22] =	ssyncadd.s32 $0xFFFFFF90;
	s17 =	sadd.s32 s16, s18  }
0xb0: {  	[tilespmem:s28], [sflag:$0x7] =	stream.linear.gather [hbm4b:s17+s4], $0x70, $0x38;
	[tilespmem:$0x1E700] =	vst v63  }
0xb1: {  	_ =	swait.ge [sflag:s22], $0x70  }
0xb2: {  	[sflag:s22] =	ssyncset.done $0x0  }
0xb3: {  	[sflag:s22] =	ssyncadd.s32 $0xFFFFFF90  }
0xb4: {  	[tilespmem:s29], [sflag:$0x2] =	stream.indirect.gather [hbm4b:s1+s25], $0x80, s26, s25, $0xb8;
	[tilespmem:$0x1E700] =	vst v63  }
0xb5: {  	_ =	swait.ge [sflag:s12], $0x3800  }
0xb6: {  	s18 =	rddreg [dreg:$0x5];
	[sflag:s12] =	ssyncset.done $0x0  }
0xb7: {  	[sflag:s12] =	ssyncadd.s32 $0xFFFFC800;
	s17 =	sadd.s32 s16, s18  }
0xb8: {  	[tilespmem:s30], [sflag:$0x7] =	stream.linear.gather [hbm4b:s17+s4], $0x70, $0x38;
	[tilespmem:$0x1E700] =	vst v63  }
0xb9: {  	_ =	swait.ge [sflag:s22], $0x70  }
0xba: {  	p0 =	sne.s32 s14, $0x498;
	s18 =	rddreg [dreg:$0x4];
	[sflag:s22] =	ssyncset.done $0x0  }
.Ltmp1:
0xbb: {  	[sflag:s22] =	ssyncadd.s32 $0xFFFFFF90;
	s16 =	sadd.s32 s16, s18;
	(pc) =	sbr.rel @p0 .LBB2_4-.Ltmp1, $4  }
0xbc: {  	[tilespmem:s31], [sflag:$0x7] =	stream.linear.gather [hbm4b:s16+s4], $0x70, $0x38;
	[tilespmem:$0x1E700] =	vst v63  }
0xbd: {  	_ =	swait.ge [sflag:s22], $0x70  }
0xbe: {  	[sflag:s22] =	ssyncset.done $0x0  }
0xbf: {  	s14 =	sadd.s32 $0x2A, s14;
	s15 =	sadd.s32 $0x150, s15;
	[sflag:s22] =	ssyncadd.s32 $0xFFFFFF90  }
0xc0: {  	[tilespmem:s0], [sflag:$0x3] =	stream.indirect.gather [hbm4b:s1+s25], $0x80, s30, s25, $0xb8;
	[tilespmem:$0x1E700] =	vst v63  }
0xc1: {  	_ =	swait.ge [sflag:s2], $0x3800  }
0xc2: {  	[sflag:s2] =	ssyncset.done $0x0  }
0xc3: {  	[sflag:s2] =	ssyncadd.s32 $0xFFFFC800  }
0xc4: {  	[spmem:s3] =	stream.indirect.scatter.add.f32 [tilespmem:s4], [sflag:$0x4], $0x80, s24, s25, $0xb8;
	[tilespmem:$0x1E700] =	vst v63  }
0xc5: {  	_ =	swait.ge [sflag:s8], $0x3800  }
0xc6: {  	[sflag:s8] =	ssyncset.done $0x0  }
0xc7: {  	[sflag:s8] =	ssyncadd.s32 $0xFFFFC800  }
0xc8: {  	[spmem:s3] =	stream.indirect.scatter.add.f32 [tilespmem:s29], [sflag:$0x5], $0x80, s28, s25, $0xb8;
	[tilespmem:$0x1E700] =	vst v63  }
0xc9: {  	_ =	swait.ge [sflag:s9], $0x3800  }
0xca: {  	[sflag:s9] =	ssyncset.done $0x0  }
0xcb: {  	[sflag:s9] =	ssyncadd.s32 $0xFFFFC800  }
0xcc: {  	[spmem:s3] =	stream.indirect.scatter.add.f32 [tilespmem:s0], [sflag:$0x6], $0x80, s31, s25, $0xb8;
	[tilespmem:$0x1E700] =	vst v63  }
0xcd: {  	_ =	swait.ge [sflag:s10], $0x3800  }
0xce: {  	[sflag:s10] =	ssyncset.done $0x0  }
0xcf: {  	[sflag:s10] =	ssyncadd.s32 $0xFFFFC800  }
0xd0: {  	_ =	swait.ge [sflag:s11], $0x3800  }
0xd1: {  	[sflag:s11] =	ssyncset.done $0x0  }
0xd2: {  	[sflag:s11] =	ssyncadd.s32 $0xFFFFC800  }
0xd3: {  	s14 =	stileid.u32;
	_ =	swait.ge [sflag:s12], $0x3800  }
0xd4: {  	s15 =	sshrl.u32 s7, $0x3;
	s13 =	sadd.s32 $0x1, s13;
	[sflag:s12] =	ssyncset.done $0x0  }
0xd5: {  	s14 =	sshll.u32 s14, $0x6;
	p0 =	sne.s32 s13, s20;
	[sflag:s12] =	ssyncadd.s32 $0xFFFFC800  }
.Ltmp2:
0xd6: {  	s14 =	sor.u32 $0x1C07, s14;
	[bflag:$0x0] =	sbarrier.arrive $0xFFFF;
	(pc) =	sbr.rel @p0 .LBB2_1-.Ltmp2, $4  }
0xd7: {  	[hbm:s19], [sflag:s14] =	dma.local [spmem:s15], $0x2780  }
0xd8: {  	_ =	swait.ge [sflag:s22], $0x2780  }
0xd9: {  	[sflag:s22] =	ssyncset.done $0x0  }
0xda: {  	[sflag:s22] =	ssyncadd.s32 $0xFFFFD880  }
0xdb: {  	_ =	sfence.sel $0x180000  }
0xdc: {  	[bflag:$0x0] =	sbarrier.arrive $0xFFFF  }
0xdd: {  	_ =	strace $0x9000004A  }
0xde: {  	s0 =	stileid.u32;
	[bflag:$0x2] =	sbarrier.arrive $0xFFFF  }
0xdf: {  	p0 =	sne.s32 s0, $0x0;
	s0 =	rddreg [dreg:$0x3]  }
0xe0: {  	s0 =	sadd.s32 @!p0 $0x100000, s0  }
0xe1: {  	[sflag:s0] =	ssyncadd.tile.s32 @!p0 $0x1;
	_ =	shalt  }
.Lfunc_end2:
_tile_overlayer_lowered:
.L_overlay_start_2:
0xe2: {  	(tag) =	ssettag $0x2  }
0xe3: {  	s0 =	rddreg [dreg:$0x0];
	s2 =	stileid.u32  }
0xe4: {  	s1 =	rddreg [dreg:$0x1];
	p0 =	sne.s32 s2, $0x0  }
0xe5: {  	s3 =	rddreg [dreg:$0x2];
	[bflag:$0x3] =	sbarrier.arrive $0xFFFF;
	s2 =	simm.s32 @!p0 $0x1C07  }
0xe6: {  	[timem:s3], [sflag:s2] =	dma.local @!p0 [hbm:s0], s1  }
0xe7: {  	s0 =	simm.s32 @!p0 $0x7  }
0xe8: {  	_ =	swait.ge @!p0 [sflag:s0], s1  }
0xe9: {  	s1 =	ssub.s32 @!p0 $0x0, s1;
	[sflag:s0] =	ssyncset.done @!p0 $0x0  }
0xea: {  	[sflag:s0] =	ssyncadd.s32 @!p0 s1  }
0xeb: {  	[bflag:$0x3] =	sbarrier.arrive $0xFFFF  }
0xec: {  	_ =	shalt  }

// kernel: kernel.14.cloned.1.call-start
scs
__scs_entry_jumppad:
0x0: {  	(pc) =	sbr.rel $0x88, $3  }
0x1: {  	(tag) =	ssettag $0x0;
	lr =	simm.s32 $0x1  }
0x2: {  	[smem:$0x3F9B] =	sst lr;
	_ =	strace $0xD0000000  }
0x3: {  	_ = 	snop  }
0x4: {  	_ = 	snop  }
0x5: {  	_ = 	snop  }
0x6: {  	_ = 	snop  }
0x7: {  	_ = 	snop  }
__scs_overlays_trampoline_lowered:
0x8: {  	[smem:$0x3FAA] =	sst s0  }
0x9: {  	[smem:$0x3FAB] =	sst s1  }
0xa: {  	[smem:$0x3FAC] =	sst s2  }
0xb: {  	[smem:$0x3FAD] =	sst s3  }
0xc: {  	[smem:$0x3FAE] =	sst s4  }
0xd: {  	[smem:$0x3FAF] =	sst s5  }
0xe: {  	[smem:$0x3FB0] =	sst s6  }
0xf: {  	[smem:$0x3FB1] =	sst s7  }
0x10: {  	[smem:$0x3FB2] =	sst s8  }
0x11: {  	[smem:$0x3FB3] =	sst s9;
	s0 =	simm.s32 @!p0 $0x0  }
0x12: {  	s1 =	sld [smem:$0x3F99];
	s0 =	simm.s32 @p0 $0x1  }
0x13: {  	[smem:$0x3FB4] =	sst s0;
	s0 =	simm.s32 @!p1 $0x0  }
0x14: {  	s2 =	sld [smem:$0x3F98];
	s0 =	simm.s32 @p1 $0x1  }
0x15: {  	[smem:$0x3FB5] =	sst s0;
	s0 =	simm.s32 @!p2 $0x0  }
0x16: {  	s3 =	sld [smem:$0x3FDB];
	s0 =	simm.s32 @p2 $0x1  }
0x17: {  	s4 =	simm.s32 $0x1BF5;
	[smem:$0x3FB7] =	sst s0  }
0x18: {  	s0 =	sld [smem:$0x3F9A];
	_ =	swait.ge [sflag:s4], $0x0  }
0x19: {  	s7 =	sld [smem:$0x3F9B]  }
0x1a: {  	s8 =	sadd.s32 $0xFFFFE003, lr  }
0x1b: {  	s9 =	sadd.s32 $0xFFFFFEF7, lr;
	s5 =	simm.s32 $0xFFFFFFFF;
	p2 =	slt.u32 s8, $0xFFFFF086  }
0x1c: {  	p1 =	slt.u32 s9, $0xF7A;
	s5 =	simm.s32 @!p2 $0x0  }
0x1d: {  	s5 =	simm.s32 @p1 $0x1;
	p0 =	seq.s32 s7, s2  }
0x1e: {  	s7 =	smul.u32 @!p0 $0xF7A, s2;
	p2 =	seq.s32 @!p0 s5, $0x0  }
0x1f: {  	s9 =	smul.u32 $0xF7A, s1;
	s8 =	simm.s32 @!p0 $0x1BF5;
	p2 =	por !p2, p0  }
0x20: {  	[sflag:s8] =	ssyncset.s32 @!p0 $0xFFFFF086;
	s6 =	sadd.s32 @!p0 s3, s7;
	s7 =	simm.s32 @!p0 $0x108  }
0x21: {  	s3 =	sadd.s32 s3, s9;
	s6 =	sadd.s32 @!p0 $0x88, s6;
	s7 =	simm.s32 @p2 $0x1082  }
0x22: {  	[simem:s7], [sflag:s8] =	dma.local @!p0 [hbm:s6], $0xF7A  }
0x23: {  	s9 =	sor.u32 $0xD0000000, s2;
	s6 =	simm.s32 $0x108;
	_ =	swait.ge @!p0 [sflag:s8], $0x0  }
0x24: {  	s3 =	sadd.s32 $0x88, s3;
	s6 =	simm.s32 @!p1 $0x1082;
	[sflag:s4] =	ssyncset.s32 $0xFFFFF086  }
0x25: {  	[simem:s6], [sflag:s4] =	dma.local [hbm:s3], $0xF7A  }
0x26: {  	[smem:$0x3F9B] =	sst s1;
	(tag) =	ssettag s2;
	_ =	strace s9  }
0x27: {  	s1 =	sld [smem:$0x3FAB]  }
0x28: {  	s2 =	sld [smem:$0x3FAC]  }
0x29: {  	s4 =	sld [smem:$0x3FAE]  }
0x2a: {  	p0 =	seq.s32 s5, $0x0;
	s5 =	sld [smem:$0x3FAF]  }
0x2b: {  	s6 =	sld [smem:$0x3FB0]  }
0x2c: {  	s7 =	sld [smem:$0x3FB1]  }
0x2d: {  	s3 =	simm.s32 $0x108;
	s8 =	sld [smem:$0x3FB2]  }
0x2e: {  	s3 =	simm.s32 @!p0 $0x1082;
	s9 =	sld [smem:$0x3FB3]  }
0x2f: {  	lr =	sadd.s32 s0, s3;
	s0 =	sld [smem:$0x3FAA]  }
0x30: {  	s3 =	sld [smem:$0x3FAD]  }
0x31: {  	[smem:$0x3FB6] =	sst s10  }
0x32: {  	s10 =	sld [smem:$0x3FB4];
	_ =	sdelay $0x3  }
0x33: {  	p0 =	seq.s32 s10, $0x1;
	s10 =	sld [smem:$0x3FB6];
	_ =	sdelay $0x3  }
0x34: {  	[smem:$0x3FB6] =	sst s10  }
0x35: {  	s10 =	sld [smem:$0x3FB5];
	_ =	sdelay $0x3  }
0x36: {  	p1 =	seq.s32 s10, $0x1;
	s10 =	sld [smem:$0x3FB6];
	_ =	sdelay $0x3  }
0x37: {  	[smem:$0x3FB6] =	sst s10  }
0x38: {  	s10 =	sld [smem:$0x3FB7]  }
0x39: {  	_ = 	snop;
	(pc) =	sbr.ind lr, $3  }
0x3a: {  	_ = 	snop  }
0x3b: {  	_ = 	snop  }
0x3c: {  	p2 =	seq.s32 s10, $0x1;
	s10 =	sld [smem:$0x3FB6]  }
0x3d: {  	_ =	shalt  }
0x3e: {  	_ =	shalt  }
0x3f: {  	_ =	shalt  }
0x40: {  	_ =	shalt  }
0x41: {  	_ =	shalt  }
0x42: {  	_ =	shalt  }
0x43: {  	_ =	shalt  }
0x44: {  	_ =	shalt  }
0x45: {  	_ =	shalt  }
0x46: {  	_ =	shalt  }
0x47: {  	_ =	shalt  }
0x48: {  	_ =	shalt  }
0x49: {  	_ =	shalt  }
0x4a: {  	_ =	shalt  }
0x4b: {  	_ =	shalt  }
0x4c: {  	_ =	shalt  }
0x4d: {  	_ =	shalt  }
0x4e: {  	_ =	shalt  }
0x4f: {  	_ =	shalt  }
0x50: {  	_ =	shalt  }
0x51: {  	_ =	shalt  }
0x52: {  	_ =	shalt  }
0x53: {  	_ =	shalt  }
0x54: {  	_ =	shalt  }
0x55: {  	_ =	shalt  }
0x56: {  	_ =	shalt  }
0x57: {  	_ =	shalt  }
0x58: {  	_ =	shalt  }
0x59: {  	_ =	shalt  }
0x5a: {  	_ =	shalt  }
0x5b: {  	_ =	shalt  }
0x5c: {  	_ =	shalt  }
0x5d: {  	_ =	shalt  }
0x5e: {  	_ =	shalt  }
0x5f: {  	_ =	shalt  }
0x60: {  	_ =	shalt  }
0x61: {  	_ =	shalt  }
0x62: {  	_ =	shalt  }
0x63: {  	_ =	shalt  }
0x64: {  	_ =	shalt  }
0x65: {  	_ =	shalt  }
0x66: {  	_ =	shalt  }
0x67: {  	_ =	shalt  }
0x68: {  	_ =	shalt  }
0x69: {  	_ =	shalt  }
0x6a: {  	_ =	shalt  }
0x6b: {  	_ =	shalt  }
0x6c: {  	_ =	shalt  }
0x6d: {  	_ =	shalt  }
0x6e: {  	_ =	shalt  }
0x6f: {  	_ =	shalt  }
0x70: {  	_ =	shalt  }
0x71: {  	_ =	shalt  }
0x72: {  	_ =	shalt  }
0x73: {  	_ =	shalt  }
0x74: {  	_ =	shalt  }
0x75: {  	_ =	shalt  }
0x76: {  	_ =	shalt  }
0x77: {  	_ =	shalt  }
0x78: {  	_ =	shalt  }
0x79: {  	_ =	shalt  }
0x7a: {  	_ =	shalt  }
0x7b: {  	_ =	shalt  }
0x7c: {  	_ =	shalt  }
0x7d: {  	_ =	shalt  }
0x7e: {  	_ =	shalt  }
0x7f: {  	_ =	shalt  }
0x80: {  	_ =	shalt  }
0x81: {  	_ =	shalt  }
0x82: {  	_ =	shalt  }
0x83: {  	_ =	shalt  }
0x84: {  	_ =	shalt  }
0x85: {  	_ =	shalt  }
0x86: {  	_ =	shalt  }
0x87: {  	_ =	shalt  }
.Lfunc_end0:
.L_simem_size_0:
called_computation.2_lowered:
.L_overlay_start_0:
0x88: {  	s2 =	sld [smem:$0x3FD9]  }
0x89: {  	s3 =	sld [smem:$0x3FFE];
	_ =	sdelay $0x1  }
0x8a: {  	s1 =	srdreg.scid  }
0x8b: {  	s0 =	sand.u32 $0x1, s1  }
0x8c: {  	s17 =	sshll.u32 s0, $0xA;
	s2 =	sadd.s32 s3, s2  }
0x8d: {  	s2 =	sadd.s32 s2, s17  }
0x8e: {  	[smem:$0x3FC2] =	sst s2  }
0x8f: {  	_ = 	snop  }
0x90: {  	s2 =	sld [smem:$0x3FD0];
	(tm) =	ssettm $0x1  }
0x91: {  	s18 =	sld [smem:$0x3FFB];
	_ =	sdelay $0x3  }
0x92: {  	_ =	strace s18  }
0x93: {  	s3 =	sld [smem:$0x3FFC];
	_ =	sdelay $0x3  }
0x94: {  	_ =	strace s3  }
0x95: {  	s3 =	sld [smem:$0x3FFD];
	_ =	sdelay $0x3  }
0x96: {  	_ =	strace s3  }
0x97: {  	_ =	strace $0x8FFFFFFF  }
0x98: {  	s19 =	sld [smem:$0x3FDB];
	_ =	sdelay $0x1  }
0x99: {  	s4 =	simm.s32 $_scs_section_size  }
0x9a: {  	s5 =	simm.s32 $_size__tile_overlayer_lowered;
	s6 =	simm.s32 $_tile_overlayer_lowered  }
0x9b: {  	s22 =	simm.s32 $0x1BFF;
	s21 =	sshll.u32 s6, $0x1;
	s3 =	sadd.s32 s4, s19  }
0x9c: {  	s7 =	simm.s32 $0x0;
	s20 =	sshll.u32 s5, $0x1;
	s5 =	sadd.s32 s21, s3  }
0x9d: {  	[timem:s7], [sflag:s22] =	dma.local [hbm:s5], s20  }
0x9e: {  	_ =	swait.ge [sflag:s22], s20  }
0x9f: {  	s4 =	ssub.s32 $0x0, s20;
	[sflag:s22] =	ssyncset.done $0x0  }
0xa0: {  	[sflag:s22] =	ssyncadd.s32 s4;
	_ =	sdelay $0x1  }
0xa1: {  	s23 =	simm.s32 $0x1B8B  }
0xa2: {  	_ =	swait.ge [sflag:s23], $0x1  }
0xa3: {  	[sflag:s23] =	ssyncset.done $0x0  }
0xa4: {  	s25 =	simm.s32 $0x1B8E;
	s24 =	sld [smem:$0x3FFE];
	[sflag:s23] =	ssyncadd.s32 $0xFFFFFFFF  }
0xa5: {  	s26 =	simm.s32 $execute0_lowered;
	[smem:$0x3FD2] =	sst s25  }
0xa6: {  	s5 =	sshll.u32 s26, $0x1;
	_ =	strace $0x8000004C;
	[dreg:$0x1] =	wrdreg $0xFFFFFFFF  }
0xa7: {  	s28 =	simm.s32 $_size_execute0_lowered;
	s3 =	sadd.s32 s3, s5;
	[dreg:$0x0] =	wrdreg $0x0  }
0xa8: {  	s5 =	sshll.u32 s28, $0x1;
	[dreg:$0x2] =	wrdreg s3  }
0xa9: {  	[dreg:$0x3] =	wrdreg s5  }
0xaa: {  	[dreg:$0x4] =	wrdreg $0xC0  }
0xab: {  	_ =	task [dreg:s7], $0x5FFFF  }
0xac: {  	[dreg:$0x1] =	wrdreg $0xFFFFFFFF  }
0xad: {  	[dreg:$0x0] =	wrdreg $0x60  }
0xae: {  	[dreg:$0x2] =	wrdreg s2  }
0xaf: {  	[dreg:$0x3] =	wrdreg s24  }
0xb0: {  	[dreg:$0x4] =	wrdreg $0xAB000  }
0xb1: {  	[dreg:$0x5] =	wrdreg $0x9  }
0xb2: {  	_ =	task.clear_ibuf [dreg:s7], $0x6FFFF;
	_ =	strace $0x9000004C  }
0xb3: {  	s29 =	simm.s32 $0x9;
	_ =	strace $0x8000004E  }
0xb4: {  	_ =	swait.ge [sflag:s29], $0x1  }
0xb5: {  	[sflag:s29] =	ssyncadd.s32 $0xFFFFFFFF  }
0xb6: {  	_ =	strace $0x9000004E  }
0xb7: {  	_ =	sfence  }
0xb8: {  	s30 =	sld [smem:$0x0];
	_ =	sdelay $0x2  }
0xb9: {  	s31 =	sshll.u32 s1, $0xD;
	s1 =	sshrl.u32 s1, $0x2  }
0xba: {  	s3 =	sand.u32 $0x4000, s31;
	s1 =	sadd.s32 s1, s30  }
0xbb: {  	s0 =	sor.u32 s3, s0;
	s1 =	sshll.u32 s1, $0x11  }
0xbc: {  	s0 =	sor.u32 s1, s0  }
0xbd: {  	s0 =	sadd.s32 $0x8F2B, s0  }
0xbe: {  	[sflag:s0] =	ssyncadd.remote.s32 $0x1  }
0xbf: {  	_ =	sfence.sel $0xFFFF  }
0xc0: {  	[dreg:$0x0] =	wrdreg $0xFFFFFFFF;
	(pc) =	sbr.abs _section_cstart, $3  }
0xc1: {  	[dreg:$0x1] =	wrdreg $0xFFFFFFFF  }
0xc2: {  	_ =	task.clear_ibuf [dreg:s7], $0x2FFFF;
	_ =	strace $0x9FFFFFFF  }
0xc3: {  	(tm) =	ssettm $0x7FFFFFFF  }
tec
execute0_lowered:
.L_overlay_start_1:
0x0: {  	(tag) =	ssettag $0x1  }
0x1: {  	s1 =	rddreg [dreg:$0x0]  }
0x2: {  	s0 =	rddreg [dreg:$0x1]  }
0x3: {  	s3 =	rddreg [dreg:$0x2]  }
0x4: {  	s2 =	srdreg.scid;
	s11 =	stileid.u32;
	s4 =	simm.s32 $0x0  }
0x5: {  	s28 =	simm.s32 $0xAA00;
	s29 =	simm.s32 $0x3800;
	s7 =	smul.u32 $0x2780, s11  }
0x6: {  	s30 =	simm.s32 $0xA900;
	s31 =	simm.s32 $0xAA80;
	s9 =	smul.u32 $0x4F000, s11  }
0x7: {  	s2 =	sand.u32 $0x1, s2;
	[smem:$0x7FF] =	sst s4;
	s13 =	smul.u32 $0x2760, s11  }
0x8: {  	s5 =	sadd.s32 $0xD400, s0;
	s6 =	sadd.s32 $0x3600, s0;
	s8 =	smul.u32 $0x27800, s2  }
0x9: {  	_ =	strace $0x8000004D;
	s25 =	sshll.u32 s2, $0x4;
	s26 =	ssub.s32 $0x2, s2  }
0xa: {  	s2 =	smul.u32 $0x27600, s2;
	s10 =	sshrl.u32 s26, $0x1;
	s9 =	sshrl.u32 s9, $0x2  }
0xb: {  	s7 =	sadd.s32 s7, s8;
	s8 =	sor.u32 s11, s25;
	s10 =	ssub.s32 s26, s10  }
0xc: {  	s2 =	sadd.s32 s13, s2;
	s13 =	simm.s32 $0x0;
	s0 =	sadd.s32 s7, s0  }
0xd: {  	s8 =	smul.u32 $0x2760, s8;
	s7 =	sadd.s32 s9, s3;
	s20 =	sadd.s32 $0x230, s2  }
0xe: {  	s22 =	sadd.s32 $0x1C0, s2;
	s9 =	sadd.s32 $0x3800, s7;
	s12 =	sadd.s32 $0x7000, s7  }
0xf: {  	s14 =	sadd.s32 $0xA800, s7;
	s15 =	sadd.s32 $0xE000, s7;
	[dreg:$0x8] =	wrdreg s9  }
0x10: {  	s16 =	sadd.s32 $0x11800, s7;
	s21 =	sshrl.u32 s20, $0x3;
	[dreg:$0x9] =	wrdreg s12  }
0x11: {  	s23 =	sshrl.u32 s22, $0x3;
	s20 =	smax.u32 s10, $0x1;
	[dreg:$0xa] =	wrdreg s14  }
0x12: {  	s22 =	simm.s32 $0x7;
	s10 =	simm.s32 $0x4;
	[dreg:$0xb] =	wrdreg s15  }
0x13: {  	s8 =	sshrl.u32 s8, $0x3;
	[dreg:$0xc] =	wrdreg s16;
	s11 =	sadd.s32 s21, s6  }
0x14: {  	s25 =	sadd.s32 s23, s6;
	s26 =	sadd.s32 s23, s5;
	[dreg:$0x4] =	wrdreg s11  }
0x15: {  	s23 =	simm.s32 $0xA800;
	s17 =	sadd.s32 s5, s8;
	[dreg:$0x6] =	wrdreg s25  }
0x16: {  	s18 =	sadd.s32 s6, s8;
	s19 =	sadd.s32 $0xE, s8;
	[dreg:$0x7] =	wrdreg s26  }
0x17: {  	s8 =	sadd.s32 $0x1C, s8;
	s25 =	simm.s32 $0x70;
	[dreg:$0xd] =	wrdreg s17  }
0x18: {  	s26 =	simm.s32 $0xA880;
	[dreg:$0xe] =	wrdreg s18;
	s12 =	sadd.s32 s5, s19  }
0x19: {  	s11 =	simm.s32 $0x5;
	s9 =	sadd.s32 s6, s19;
	[dreg:$0xf] =	wrdreg s12  }
0x1a: {  	s24 =	sadd.s32 s5, s8;
	s8 =	sadd.s32 s6, s8;
	[dreg:$0x10] =	wrdreg s9  }
0x1b: {  	s19 =	sadd.s32 $0x3E400, s0;
	s0 =	simm.s32 $0x7000;
	[dreg:$0x11] =	wrdreg s24  }
0x1c: {  	s9 =	sadd.s32 s21, s5;
	[dreg:$0x12] =	wrdreg s8;
	s21 =	sadd.s32 $0x150, s2  }
0x1d: {  	s24 =	simm.s32 $0xA980;
	s2 =	simm.s32 $0x1;
	s8 =	simm.s32 $0x2  }
0x1e: {  	v0 =	vimm.f32 $0.0e+00;
	s12 =	simm.s32 $0x6;
	[dreg:$0x5] =	wrdreg s9;
	s9 =	simm.s32 $0x3  }
.LBB2_1:
0x1f: {  	s14 =	sand.u32 $0xFE00, s4  }
0x20: {  	s15 =	sand.u32 $0x70, s4;
	s16 =	sshrl.u32 s14, $0x2  }
0x21: {  	s14 =	simm.s32 $0x40;
	s16 =	sor.u32 s15, s16;
	s15 =	simm.s32 $0x0  }
.LBB2_2:
0x22: {  	p0 =	sne.s32 s14, $0xDFC0  }
0x23: {  	[tilespmem:s16+$0x0] =	vst v0;
	s15 =	sadd.s32 $0x10, s15;
	s16 =	smov.u32 s14;
	s14 =	sadd.s32 $0x40, s14  }
.Ltmp0:
0x24: {  	(pc) =	sbr.rel @p0 .LBB2_2-.Ltmp0, $4  }
0x25: {  	_ = 	snop  }
0x26: {  	s16 =	sand.u32 $0xFE00, s16  }
0x27: {  	s17 =	sand.u32 $0x70, s15;
	s16 =	sshrl.u32 s16, $0x2  }
0x28: {  	s16 =	sor.u32 s17, s16  }
0x29: {  	[tilespmem:s16+$0x0] =	vst v0;
	s14 =	simm.s32 $0x0  }
0x2a: {  	[spmem:s7] =	stream.linear.scatter [tilespmem:s14], [sflag:$0x7], $0x3800, $0x38;
	[tilespmem:$0x1E700] =	vst v63  }
0x2b: {  	_ =	swait.ge [sflag:s22], $0x3800  }
0x2c: {  	[sflag:s22] =	ssyncset.done $0x0  }
0x2d: {  	s15 =	rddreg [dreg:$0x8];
	[sflag:s22] =	ssyncadd.s32 $0xFFFFC800  }
0x2e: {  	[spmem:s15] =	stream.linear.scatter [tilespmem:s14], [sflag:$0x7], $0x3800, $0x38;
	[tilespmem:$0x1E700] =	vst v63  }
0x2f: {  	_ =	swait.ge [sflag:s22], $0x3800  }
0x30: {  	[sflag:s22] =	ssyncset.done $0x0  }
0x31: {  	s16 =	rddreg [dreg:$0x9];
	[sflag:s22] =	ssyncadd.s32 $0xFFFFC800  }
0x32: {  	[spmem:s16] =	stream.linear.scatter [tilespmem:s14], [sflag:$0x7], $0x3800, $0x38;
	[tilespmem:$0x1E700] =	vst v63  }
0x33: {  	_ =	swait.ge [sflag:s22], $0x3800  }
0x34: {  	[sflag:s22] =	ssyncset.done $0x0  }
0x35: {  	s17 =	rddreg [dreg:$0xa];
	[sflag:s22] =	ssyncadd.s32 $0xFFFFC800  }
0x36: {  	[spmem:s17] =	stream.linear.scatter [tilespmem:s14], [sflag:$0x7], $0x3800, $0x38;
	[tilespmem:$0x1E700] =	vst v63  }
0x37: {  	_ =	swait.ge [sflag:s22], $0x3800  }
0x38: {  	[sflag:s22] =	ssyncset.done $0x0  }
0x39: {  	s18 =	rddreg [dreg:$0xb];
	[sflag:s22] =	ssyncadd.s32 $0xFFFFC800  }
0x3a: {  	[spmem:s18] =	stream.linear.scatter [tilespmem:s14], [sflag:$0x7], $0x3800, $0x38;
	[tilespmem:$0x1E700] =	vst v63  }
0x3b: {  	_ =	swait.ge [sflag:s22], $0x3800  }
0x3c: {  	[sflag:s22] =	ssyncset.done $0x0  }
0x3d: {  	s16 =	rddreg [dreg:$0xc];
	[sflag:s22] =	ssyncadd.s32 $0xFFFFC800  }
0x3e: {  	[spmem:s16] =	stream.linear.scatter [tilespmem:s14], [sflag:$0x7], $0x2400, $0x38;
	[tilespmem:$0x1E700] =	vst v63  }
0x3f: {  	_ =	swait.ge [sflag:s22], $0x2400  }
0x40: {  	[sflag:s22] =	ssyncset.done $0x0  }
0x41: {  	[sflag:s22] =	ssyncadd.s32 $0xFFFFDC00  }
0x42: {  	[bflag:$0x0] =	sbarrier.arrive $0xFFFF  }
0x43: {  	s17 =	rddreg [dreg:$0xd]  }
0x44: {  	[tilespmem:s23], [sflag:$0x7] =	stream.linear.gather [hbm4b:s17+s14], $0x70, $0x38;
	[tilespmem:$0x1E700] =	vst v63  }
0x45: {  	_ =	swait.ge [sflag:s22], $0x70  }
0x46: {  	[sflag:s22] =	ssyncset.done $0x0  }
0x47: {  	s18 =	rddreg [dreg:$0xe];
	[sflag:s22] =	ssyncadd.s32 $0xFFFFFF90  }
0x48: {  	[tilespmem:s24], [sflag:$0x7] =	stream.linear.gather [hbm4b:s18+s14], $0x70, $0x38;
	[tilespmem:$0x1E700] =	vst v63  }
0x49: {  	_ =	swait.ge [sflag:s22], $0x70  }
0x4a: {  	[sflag:s22] =	ssyncset.done $0x0  }
0x4b: {  	[sflag:s22] =	ssyncadd.s32 $0xFFFFFF90  }
0x4c: {  	[tilespmem:s14], [sflag:$0x1] =	stream.indirect.gather [hbm4b:s1+s25], $0x80, s23, s25, $0xb8;
	[tilespmem:$0x1E700] =	vst v63  }
0x4d: {  	s16 =	rddreg [dreg:$0xf]  }
0x4e: {  	[tilespmem:s26], [sflag:$0x7] =	stream.linear.gather [hbm4b:s16+s14], $0x70, $0x38;
	[tilespmem:$0x1E700] =	vst v63  }
0x4f: {  	_ =	swait.ge [sflag:s22], $0x70  }
0x50: {  	[sflag:s22] =	ssyncset.done $0x0  }
0x51: {  	s17 =	rddreg [dreg:$0x10];
	[sflag:s22] =	ssyncadd.s32 $0xFFFFFF90  }
0x52: {  	[tilespmem:s28], [sflag:$0x7] =	stream.linear.gather [hbm4b:s17+s14], $0x70, $0x38;
	[tilespmem:$0x1E700] =	vst v63  }
0x53: {  	_ =	swait.ge [sflag:s22], $0x70  }
0x54: {  	[sflag:s22] =	ssyncset.done $0x0  }
0x55: {  	[sflag:s22] =	ssyncadd.s32 $0xFFFFFF90  }
0x56: {  	[tilespmem:s29], [sflag:$0x2] =	stream.indirect.gather [hbm4b:s1+s25], $0x80, s26, s25, $0xb8;
	[tilespmem:$0x1E700] =	vst v63  }
0x57: {  	s18 =	rddreg [dreg:$0x11]  }
0x58: {  	[tilespmem:s30], [sflag:$0x7] =	stream.linear.gather [hbm4b:s18+s14], $0x70, $0x38;
	[tilespmem:$0x1E700] =	vst v63  }
0x59: {  	_ =	swait.ge [sflag:s22], $0x70  }
0x5a: {  	[sflag:s22] =	ssyncset.done $0x0  }
0x5b: {  	s16 =	rddreg [dreg:$0x12];
	[sflag:s22] =	ssyncadd.s32 $0xFFFFFF90  }
0x5c: {  	[tilespmem:s31], [sflag:$0x7] =	stream.linear.gather [hbm4b:s16+s14], $0x70, $0x38;
	[tilespmem:$0x1E700] =	vst v63  }
0x5d: {  	_ =	swait.ge [sflag:s22], $0x70  }
0x5e: {  	[sflag:s22] =	ssyncset.done $0x0  }
0x5f: {  	[sflag:s22] =	ssyncadd.s32 $0xFFFFFF90  }
0x60: {  	[tilespmem:s0], [sflag:$0x3] =	stream.indirect.gather [hbm4b:s1+s25], $0x80, s30, s25, $0xb8;
	[tilespmem:$0x1E700] =	vst v63  }
0x61: {  	_ =	swait.ge [sflag:s2], $0x3800  }
0x62: {  	[sflag:s2] =	ssyncset.done $0x0  }
0x63: {  	[sflag:s2] =	ssyncadd.s32 $0xFFFFC800  }
0x64: {  	[spmem:s3] =	stream.indirect.scatter.add.f32 [tilespmem:s4], [sflag:$0x4], $0x80, s24, s25, $0xb8;
	[tilespmem:$0x1E700] =	vst v63  }
0x65: {  	_ =	swait.ge [sflag:s8], $0x3800  }
0x66: {  	[sflag:s8] =	ssyncset.done $0x0  }
0x67: {  	[sflag:s8] =	ssyncadd.s32 $0xFFFFC800  }
0x68: {  	[spmem:s3] =	stream.indirect.scatter.add.f32 [tilespmem:s29], [sflag:$0x5], $0x80, s28, s25, $0xb8;
	[tilespmem:$0x1E700] =	vst v63  }
0x69: {  	_ =	swait.ge [sflag:s9], $0x3800  }
0x6a: {  	[sflag:s9] =	ssyncset.done $0x0  }
0x6b: {  	[sflag:s9] =	ssyncadd.s32 $0xFFFFC800  }
0x6c: {  	[spmem:s3] =	stream.indirect.scatter.add.f32 [tilespmem:s0], [sflag:$0x6], $0x80, s31, s25, $0xb8;
	[tilespmem:$0x1E700] =	vst v63  }
0x6d: {  	_ =	swait.ge [sflag:s10], $0x3800  }
0x6e: {  	s17 =	sshrl.u32 s21, $0x3;
	[sflag:s10] =	ssyncset.done $0x0  }
0x6f: {  	s18 =	sadd.s32 s5, s17;
	[sflag:s10] =	ssyncadd.s32 $0xFFFFC800  }
0x70: {  	[tilespmem:s23], [sflag:$0x7] =	stream.linear.gather [hbm4b:s18+s4], $0x70, $0x38;
	[tilespmem:$0x1E700] =	vst v63  }
0x71: {  	_ =	swait.ge [sflag:s22], $0x70  }
0x72: {  	[sflag:s22] =	ssyncset.done $0x0  }
0x73: {  	s14 =	sadd.s32 s6, s17;
	[sflag:s22] =	ssyncadd.s32 $0xFFFFFF90  }
0x74: {  	[tilespmem:s24], [sflag:$0x7] =	stream.linear.gather [hbm4b:s14+s4], $0x70, $0x38;
	[tilespmem:$0x1E700] =	vst v63  }
0x75: {  	_ =	swait.ge [sflag:s22], $0x70  }
0x76: {  	[sflag:s22] =	ssyncset.done $0x0  }
0x77: {  	[sflag:s22] =	ssyncadd.s32 $0xFFFFFF90  }
0x78: {  	[tilespmem:s4], [sflag:$0x1] =	stream.indirect.gather [hbm4b:s1+s25], $0x80, s23, s25, $0xb8;
	[tilespmem:$0x1E700] =	vst v63  }
0x79: {  	_ =	swait.ge [sflag:s11], $0x3800  }
0x7a: {  	s15 =	rddreg [dreg:$0x7];
	[sflag:s11] =	ssyncset.done $0x0  }
0x7b: {  	[sflag:s11] =	ssyncadd.s32 $0xFFFFC800;
	s14 =	sadd.s32 $0x0, s15  }
0x7c: {  	[tilespmem:s26], [sflag:$0x7] =	stream.linear.gather [hbm4b:s14+s4], $0x70, $0x38;
	[tilespmem:$0x1E700] =	vst v63  }
0x7d: {  	_ =	swait.ge [sflag:s22], $0x70  }
0x7e: {  	s16 =	rddreg [dreg:$0x6];
	[sflag:s22] =	ssyncset.done $0x0  }
0x7f: {  	[sflag:s22] =	ssyncadd.s32 $0xFFFFFF90;
	s14 =	sadd.s32 $0x0, s16  }
0x80: {  	[tilespmem:s28], [sflag:$0x7] =	stream.linear.gather [hbm4b:s14+s4], $0x70, $0x38;
	[tilespmem:$0x1E700] =	vst v63  }
0x81: {  	_ =	swait.ge [sflag:s22], $0x70  }
0x82: {  	[sflag:s22] =	ssyncset.done $0x0  }
0x83: {  	[sflag:s22] =	ssyncadd.s32 $0xFFFFFF90  }
0x84: {  	[tilespmem:s29], [sflag:$0x2] =	stream.indirect.gather [hbm4b:s1+s25], $0x80, s26, s25, $0xb8;
	[tilespmem:$0x1E700] =	vst v63  }
0x85: {  	_ =	swait.ge [sflag:s12], $0x3800  }
0x86: {  	s17 =	rddreg [dreg:$0x5];
	[sflag:s12] =	ssyncset.done $0x0  }
0x87: {  	[sflag:s12] =	ssyncadd.s32 $0xFFFFC800;
	s14 =	sadd.s32 $0x0, s17  }
0x88: {  	[tilespmem:s30], [sflag:$0x7] =	stream.linear.gather [hbm4b:s14+s4], $0x70, $0x38;
	[tilespmem:$0x1E700] =	vst v63  }
0x89: {  	_ =	swait.ge [sflag:s22], $0x70  }
0x8a: {  	s18 =	rddreg [dreg:$0x4];
	[sflag:s22] =	ssyncset.done $0x0  }
0x8b: {  	[sflag:s22] =	ssyncadd.s32 $0xFFFFFF90;
	s14 =	sadd.s32 $0x0, s18  }
0x8c: {  	[tilespmem:s31], [sflag:$0x7] =	stream.linear.gather [hbm4b:s14+s4], $0x70, $0x38;
	[tilespmem:$0x1E700] =	vst v63  }
0x8d: {  	_ =	swait.ge [sflag:s22], $0x70  }
0x8e: {  	[sflag:s22] =	ssyncset.done $0x0  }
0x8f: {  	s15 =	sadd.s32 $0x150, s21;
	s14 =	simm.s32 $0x2A;
	[sflag:s22] =	ssyncadd.s32 $0xFFFFFF90  }
.LBB2_4:
0x90: {  	[tilespmem:s0], [sflag:$0x3] =	stream.indirect.gather [hbm4b:s1+s25], $0x80, s30, s25, $0xb8;
	[tilespmem:$0x1E700] =	vst v63  }
0x91: {  	_ =	swait.ge [sflag:s2], $0x3800  }
0x92: {  	[sflag:s2] =	ssyncset.done $0x0  }
0x93: {  	[sflag:s2] =	ssyncadd.s32 $0xFFFFC800  }
0x94: {  	[spmem:s3] =	stream.indirect.scatter.add.f32 [tilespmem:s4], [sflag:$0x4], $0x80, s24, s25, $0xb8;
	[tilespmem:$0x1E700] =	vst v63  }
0x95: {  	_ =	swait.ge [sflag:s8], $0x3800  }
0x96: {  	[sflag:s8] =	ssyncset.done $0x0  }
0x97: {  	[sflag:s8] =	ssyncadd.s32 $0xFFFFC800  }
0x98: {  	[spmem:s3] =	stream.indirect.scatter.add.f32 [tilespmem:s29], [sflag:$0x5], $0x80, s28, s25, $0xb8;
	[tilespmem:$0x1E700] =	vst v63  }
0x99: {  	_ =	swait.ge [sflag:s9], $0x3800  }
0x9a: {  	[sflag:s9] =	ssyncset.done $0x0  }
0x9b: {  	[sflag:s9] =	ssyncadd.s32 $0xFFFFC800  }
0x9c: {  	[spmem:s3] =	stream.indirect.scatter.add.f32 [tilespmem:s0], [sflag:$0x6], $0x80, s31, s25, $0xb8;
	[tilespmem:$0x1E700] =	vst v63  }
0x9d: {  	_ =	swait.ge [sflag:s10], $0x3800  }
0x9e: {  	s17 =	sshrl.u32 s15, $0x3;
	[sflag:s10] =	ssyncset.done $0x0  }
0x9f: {  	s18 =	sadd.s32 s5, s17;
	[sflag:s10] =	ssyncadd.s32 $0xFFFFC800  }
0xa0: {  	[tilespmem:s23], [sflag:$0x7] =	stream.linear.gather [hbm4b:s18+s4], $0x70, $0x38;
	[tilespmem:$0x1E700] =	vst v63  }
0xa1: {  	_ =	swait.ge [sflag:s22], $0x70  }
0xa2: {  	[sflag:s22] =	ssyncset.done $0x0  }
0xa3: {  	s17 =	sadd.s32 s6, s17;
	[sflag:s22] =	ssyncadd.s32 $0xFFFFFF90  }
0xa4: {  	[tilespmem:s24], [sflag:$0x7] =	stream.linear.gather [hbm4b:s17+s4], $0x70, $0x38;
	[tilespmem:$0x1E700] =	vst v63  }
0xa5: {  	_ =	swait.ge [sflag:s22], $0x70  }
0xa6: {  	[sflag:s22] =	ssyncset.done $0x0  }
0xa7: {  	[sflag:s22] =	ssyncadd.s32 $0xFFFFFF90  }
0xa8: {  	[tilespmem:s4], [sflag:$0x1] =	stream.indirect.gather [hbm4b:s1+s25], $0x80, s23, s25, $0xb8;
	[tilespmem:$0x1E700] =	vst v63  }
0xa9: {  	_ =	swait.ge [sflag:s11], $0x3800  }
0xaa: {  	s16 =	smov.u32 s14;
	s18 =	rddreg [dreg:$0x7];
	[sflag:s11] =	ssyncset.done $0x0  }
0xab: {  	[sflag:s11] =	ssyncadd.s32 $0xFFFFC800;
	s17 =	sadd.s32 s16, s18  }
0xac: {  	[tilespmem:s26], [sflag:$0x7] =	stream.linear.gather [hbm4b:s17+s4], $0x70, $0x38;
	[tilespmem:$0x1E700] =	vst v63  }
0xad: {  	_ =	swait.ge [sflag:s22], $0x70  }
0xae: {  	s18 =	rddreg [dreg:$0x6];
	[sflag:s22] =	ssyncset.done $0x0  }
0xaf: {  	[sflag:s22] =	ssyncadd.s32 $0xFFFFFF90;
	s17 =	sadd.s32 s16, s18  }
0xb0: {  	[tilespmem:s28], [sflag:$0x7] =	stream.linear.gather [hbm4b:s17+s4], $0x70, $0x38;
	[tilespmem:$0x1E700] =	vst v63  }
0xb1: {  	_ =	swait.ge [sflag:s22], $0x70  }
0xb2: {  	[sflag:s22] =	ssyncset.done $0x0  }
0xb3: {  	[sflag:s22] =	ssyncadd.s32 $0xFFFFFF90  }
0xb4: {  	[tilespmem:s29], [sflag:$0x2] =	stream.indirect.gather [hbm4b:s1+s25], $0x80, s26, s25, $0xb8;
	[tilespmem:$0x1E700] =	vst v63  }
0xb5: {  	_ =	swait.ge [sflag:s12], $0x3800  }
0xb6: {  	s18 =	rddreg [dreg:$0x5];
	[sflag:s12] =	ssyncset.done $0x0  }
0xb7: {  	[sflag:s12] =	ssyncadd.s32 $0xFFFFC800;
	s17 =	sadd.s32 s16, s18  }
0xb8: {  	[tilespmem:s30], [sflag:$0x7] =	stream.linear.gather [hbm4b:s17+s4], $0x70, $0x38;
	[tilespmem:$0x1E700] =	vst v63  }
0xb9: {  	_ =	swait.ge [sflag:s22], $0x70  }
0xba: {  	p0 =	sne.s32 s14, $0x498;
	s18 =	rddreg [dreg:$0x4];
	[sflag:s22] =	ssyncset.done $0x0  }
.Ltmp1:
0xbb: {  	[sflag:s22] =	ssyncadd.s32 $0xFFFFFF90;
	s16 =	sadd.s32 s16, s18;
	(pc) =	sbr.rel @p0 .LBB2_4-.Ltmp1, $4  }
0xbc: {  	[tilespmem:s31], [sflag:$0x7] =	stream.linear.gather [hbm4b:s16+s4], $0x70, $0x38;
	[tilespmem:$0x1E700] =	vst v63  }
0xbd: {  	_ =	swait.ge [sflag:s22], $0x70  }
0xbe: {  	[sflag:s22] =	ssyncset.done $0x0  }
0xbf: {  	s14 =	sadd.s32 $0x2A, s14;
	s15 =	sadd.s32 $0x150, s15;
	[sflag:s22] =	ssyncadd.s32 $0xFFFFFF90  }
0xc0: {  	[tilespmem:s0], [sflag:$0x3] =	stream.indirect.gather [hbm4b:s1+s25], $0x80, s30, s25, $0xb8;
	[tilespmem:$0x1E700] =	vst v63  }
0xc1: {  	_ =	swait.ge [sflag:s2], $0x3800  }
0xc2: {  	[sflag:s2] =	ssyncset.done $0x0  }
0xc3: {  	[sflag:s2] =	ssyncadd.s32 $0xFFFFC800  }
0xc4: {  	[spmem:s3] =	stream.indirect.scatter.add.f32 [tilespmem:s4], [sflag:$0x4], $0x80, s24, s25, $0xb8;
	[tilespmem:$0x1E700] =	vst v63  }
0xc5: {  	_ =	swait.ge [sflag:s8], $0x3800  }
0xc6: {  	[sflag:s8] =	ssyncset.done $0x0  }
0xc7: {  	[sflag:s8] =	ssyncadd.s32 $0xFFFFC800  }
0xc8: {  	[spmem:s3] =	stream.indirect.scatter.add.f32 [tilespmem:s29], [sflag:$0x5], $0x80, s28, s25, $0xb8;
	[tilespmem:$0x1E700] =	vst v63  }
0xc9: {  	_ =	swait.ge [sflag:s9], $0x3800  }
0xca: {  	[sflag:s9] =	ssyncset.done $0x0  }
0xcb: {  	[sflag:s9] =	ssyncadd.s32 $0xFFFFC800  }
0xcc: {  	[spmem:s3] =	stream.indirect.scatter.add.f32 [tilespmem:s0], [sflag:$0x6], $0x80, s31, s25, $0xb8;
	[tilespmem:$0x1E700] =	vst v63  }
0xcd: {  	_ =	swait.ge [sflag:s10], $0x3800  }
0xce: {  	[sflag:s10] =	ssyncset.done $0x0  }
0xcf: {  	[sflag:s10] =	ssyncadd.s32 $0xFFFFC800  }
0xd0: {  	_ =	swait.ge [sflag:s11], $0x3800  }
0xd1: {  	[sflag:s11] =	ssyncset.done $0x0  }
0xd2: {  	[sflag:s11] =	ssyncadd.s32 $0xFFFFC800  }
0xd3: {  	s14 =	stileid.u32;
	_ =	swait.ge [sflag:s12], $0x3800  }
0xd4: {  	s15 =	sshrl.u32 s7, $0x3;
	s13 =	sadd.s32 $0x1, s13;
	[sflag:s12] =	ssyncset.done $0x0  }
0xd5: {  	s14 =	sshll.u32 s14, $0x6;
	p0 =	sne.s32 s13, s20;
	[sflag:s12] =	ssyncadd.s32 $0xFFFFC800  }
.Ltmp2:
0xd6: {  	s14 =	sor.u32 $0x1C07, s14;
	[bflag:$0x0] =	sbarrier.arrive $0xFFFF;
	(pc) =	sbr.rel @p0 .LBB2_1-.Ltmp2, $4  }
0xd7: {  	[hbm:s19], [sflag:s14] =	dma.local [spmem:s15], $0x2780  }
0xd8: {  	_ =	swait.ge [sflag:s22], $0x2780  }
0xd9: {  	[sflag:s22] =	ssyncset.done $0x0  }
0xda: {  	[sflag:s22] =	ssyncadd.s32 $0xFFFFD880  }
0xdb: {  	_ =	sfence.sel $0x180000  }
0xdc: {  	[bflag:$0x0] =	sbarrier.arrive $0xFFFF  }
0xdd: {  	_ =	strace $0x9000004D  }
0xde: {  	s0 =	stileid.u32;
	[bflag:$0x2] =	sbarrier.arrive $0xFFFF  }
0xdf: {  	p0 =	sne.s32 s0, $0x0;
	s0 =	rddreg [dreg:$0x3]  }
0xe0: {  	s0 =	sadd.s32 @!p0 $0x100000, s0  }
0xe1: {  	[sflag:s0] =	ssyncadd.tile.s32 @!p0 $0x1;
	_ =	shalt  }
.Lfunc_end2:
_tile_overlayer_lowered:
.L_overlay_start_2:
0xe2: {  	(tag) =	ssettag $0x2  }
0xe3: {  	s0 =	rddreg [dreg:$0x0];
	s2 =	stileid.u32  }
0xe4: {  	s1 =	rddreg [dreg:$0x1];
	p0 =	sne.s32 s2, $0x0  }
0xe5: {  	s3 =	rddreg [dreg:$0x2];
	[bflag:$0x3] =	sbarrier.arrive $0xFFFF;
	s2 =	simm.s32 @!p0 $0x1C07  }
0xe6: {  	[timem:s3], [sflag:s2] =	dma.local @!p0 [hbm:s0], s1  }
0xe7: {  	s0 =	simm.s32 @!p0 $0x7  }
0xe8: {  	_ =	swait.ge @!p0 [sflag:s0], s1  }
0xe9: {  	s1 =	ssub.s32 @!p0 $0x0, s1;
	[sflag:s0] =	ssyncset.done @!p0 $0x0  }
0xea: {  	[sflag:s0] =	ssyncadd.s32 @!p0 s1  }
0xeb: {  	[bflag:$0x3] =	sbarrier.arrive $0xFFFF  }
0xec: {  	_ =	shalt  }

// kernel: kernel.8.cloned.1.call-start
scs
__scs_entry_jumppad:
0x0: {  	(pc) =	sbr.rel $0x88, $3  }
0x1: {  	(tag) =	ssettag $0x0;
	lr =	simm.s32 $0x1  }
0x2: {  	[smem:$0x3F9B] =	sst lr;
	_ =	strace $0xD0000000  }
0x3: {  	_ = 	snop  }
0x4: {  	_ = 	snop  }
0x5: {  	_ = 	snop  }
0x6: {  	_ = 	snop  }
0x7: {  	_ = 	snop  }
__scs_overlays_trampoline_lowered:
0x8: {  	[smem:$0x3FAA] =	sst s0  }
0x9: {  	[smem:$0x3FAB] =	sst s1  }
0xa: {  	[smem:$0x3FAC] =	sst s2  }
0xb: {  	[smem:$0x3FAD] =	sst s3  }
0xc: {  	[smem:$0x3FAE] =	sst s4  }
0xd: {  	[smem:$0x3FAF] =	sst s5  }
0xe: {  	[smem:$0x3FB0] =	sst s6  }
0xf: {  	[smem:$0x3FB1] =	sst s7  }
0x10: {  	[smem:$0x3FB2] =	sst s8  }
0x11: {  	[smem:$0x3FB3] =	sst s9;
	s0 =	simm.s32 @!p0 $0x0  }
0x12: {  	s1 =	sld [smem:$0x3F99];
	s0 =	simm.s32 @p0 $0x1  }
0x13: {  	[smem:$0x3FB4] =	sst s0;
	s0 =	simm.s32 @!p1 $0x0  }
0x14: {  	s2 =	sld [smem:$0x3F98];
	s0 =	simm.s32 @p1 $0x1  }
0x15: {  	[smem:$0x3FB5] =	sst s0;
	s0 =	simm.s32 @!p2 $0x0  }
0x16: {  	s3 =	sld [smem:$0x3FDB];
	s0 =	simm.s32 @p2 $0x1  }
0x17: {  	s4 =	simm.s32 $0x1BF5;
	[smem:$0x3FB7] =	sst s0  }
0x18: {  	s0 =	sld [smem:$0x3F9A];
	_ =	swait.ge [sflag:s4], $0x0  }
0x19: {  	s7 =	sld [smem:$0x3F9B]  }
0x1a: {  	s8 =	sadd.s32 $0xFFFFE003, lr  }
0x1b: {  	s9 =	sadd.s32 $0xFFFFFEF7, lr;
	s5 =	simm.s32 $0xFFFFFFFF;
	p2 =	slt.u32 s8, $0xFFFFF086  }
0x1c: {  	p1 =	slt.u32 s9, $0xF7A;
	s5 =	simm.s32 @!p2 $0x0  }
0x1d: {  	s5 =	simm.s32 @p1 $0x1;
	p0 =	seq.s32 s7, s2  }
0x1e: {  	s7 =	smul.u32 @!p0 $0xF7A, s2;
	p2 =	seq.s32 @!p0 s5, $0x0  }
0x1f: {  	s9 =	smul.u32 $0xF7A, s1;
	s8 =	simm.s32 @!p0 $0x1BF5;
	p2 =	por !p2, p0  }
0x20: {  	[sflag:s8] =	ssyncset.s32 @!p0 $0xFFFFF086;
	s6 =	sadd.s32 @!p0 s3, s7;
	s7 =	simm.s32 @!p0 $0x108  }
0x21: {  	s3 =	sadd.s32 s3, s9;
	s6 =	sadd.s32 @!p0 $0x88, s6;
	s7 =	simm.s32 @p2 $0x1082  }
0x22: {  	[simem:s7], [sflag:s8] =	dma.local @!p0 [hbm:s6], $0xF7A  }
0x23: {  	s9 =	sor.u32 $0xD0000000, s2;
	s6 =	simm.s32 $0x108;
	_ =	swait.ge @!p0 [sflag:s8], $0x0  }
0x24: {  	s3 =	sadd.s32 $0x88, s3;
	s6 =	simm.s32 @!p1 $0x1082;
	[sflag:s4] =	ssyncset.s32 $0xFFFFF086  }
0x25: {  	[simem:s6], [sflag:s4] =	dma.local [hbm:s3], $0xF7A  }
0x26: {  	[smem:$0x3F9B] =	sst s1;
	(tag) =	ssettag s2;
	_ =	strace s9  }
0x27: {  	s1 =	sld [smem:$0x3FAB]  }
0x28: {  	s2 =	sld [smem:$0x3FAC]  }
0x29: {  	s4 =	sld [smem:$0x3FAE]  }
0x2a: {  	p0 =	seq.s32 s5, $0x0;
	s5 =	sld [smem:$0x3FAF]  }
0x2b: {  	s6 =	sld [smem:$0x3FB0]  }
0x2c: {  	s7 =	sld [smem:$0x3FB1]  }
0x2d: {  	s3 =	simm.s32 $0x108;
	s8 =	sld [smem:$0x3FB2]  }
0x2e: {  	s3 =	simm.s32 @!p0 $0x1082;
	s9 =	sld [smem:$0x3FB3]  }
0x2f: {  	lr =	sadd.s32 s0, s3;
	s0 =	sld [smem:$0x3FAA]  }
0x30: {  	s3 =	sld [smem:$0x3FAD]  }
0x31: {  	[smem:$0x3FB6] =	sst s10  }
0x32: {  	s10 =	sld [smem:$0x3FB4];
	_ =	sdelay $0x3  }
0x33: {  	p0 =	seq.s32 s10, $0x1;
	s10 =	sld [smem:$0x3FB6];
	_ =	sdelay $0x3  }
0x34: {  	[smem:$0x3FB6] =	sst s10  }
0x35: {  	s10 =	sld [smem:$0x3FB5];
	_ =	sdelay $0x3  }
0x36: {  	p1 =	seq.s32 s10, $0x1;
	s10 =	sld [smem:$0x3FB6];
	_ =	sdelay $0x3  }
0x37: {  	[smem:$0x3FB6] =	sst s10  }
0x38: {  	s10 =	sld [smem:$0x3FB7]  }
0x39: {  	_ = 	snop;
	(pc) =	sbr.ind lr, $3  }
0x3a: {  	_ = 	snop  }
0x3b: {  	_ = 	snop  }
0x3c: {  	p2 =	seq.s32 s10, $0x1;
	s10 =	sld [smem:$0x3FB6]  }
0x3d: {  	_ =	shalt  }
0x3e: {  	_ =	shalt  }
0x3f: {  	_ =	shalt  }
0x40: {  	_ =	shalt  }
0x41: {  	_ =	shalt  }
0x42: {  	_ =	shalt  }
0x43: {  	_ =	shalt  }
0x44: {  	_ =	shalt  }
0x45: {  	_ =	shalt  }
0x46: {  	_ =	shalt  }
0x47: {  	_ =	shalt  }
0x48: {  	_ =	shalt  }
0x49: {  	_ =	shalt  }
0x4a: {  	_ =	shalt  }
0x4b: {  	_ =	shalt  }
0x4c: {  	_ =	shalt  }
0x4d: {  	_ =	shalt  }
0x4e: {  	_ =	shalt  }
0x4f: {  	_ =	shalt  }
0x50: {  	_ =	shalt  }
0x51: {  	_ =	shalt  }
0x52: {  	_ =	shalt  }
0x53: {  	_ =	shalt  }
0x54: {  	_ =	shalt  }
0x55: {  	_ =	shalt  }
0x56: {  	_ =	shalt  }
0x57: {  	_ =	shalt  }
0x58: {  	_ =	shalt  }
0x59: {  	_ =	shalt  }
0x5a: {  	_ =	shalt  }
0x5b: {  	_ =	shalt  }
0x5c: {  	_ =	shalt  }
0x5d: {  	_ =	shalt  }
0x5e: {  	_ =	shalt  }
0x5f: {  	_ =	shalt  }
0x60: {  	_ =	shalt  }
0x61: {  	_ =	shalt  }
0x62: {  	_ =	shalt  }
0x63: {  	_ =	shalt  }
0x64: {  	_ =	shalt  }
0x65: {  	_ =	shalt  }
0x66: {  	_ =	shalt  }
0x67: {  	_ =	shalt  }
0x68: {  	_ =	shalt  }
0x69: {  	_ =	shalt  }
0x6a: {  	_ =	shalt  }
0x6b: {  	_ =	shalt  }
0x6c: {  	_ =	shalt  }
0x6d: {  	_ =	shalt  }
0x6e: {  	_ =	shalt  }
0x6f: {  	_ =	shalt  }
0x70: {  	_ =	shalt  }
0x71: {  	_ =	shalt  }
0x72: {  	_ =	shalt  }
0x73: {  	_ =	shalt  }
0x74: {  	_ =	shalt  }
0x75: {  	_ =	shalt  }
0x76: {  	_ =	shalt  }
0x77: {  	_ =	shalt  }
0x78: {  	_ =	shalt  }
0x79: {  	_ =	shalt  }
0x7a: {  	_ =	shalt  }
0x7b: {  	_ =	shalt  }
0x7c: {  	_ =	shalt  }
0x7d: {  	_ =	shalt  }
0x7e: {  	_ =	shalt  }
0x7f: {  	_ =	shalt  }
0x80: {  	_ =	shalt  }
0x81: {  	_ =	shalt  }
0x82: {  	_ =	shalt  }
0x83: {  	_ =	shalt  }
0x84: {  	_ =	shalt  }
0x85: {  	_ =	shalt  }
0x86: {  	_ =	shalt  }
0x87: {  	_ =	shalt  }
.Lfunc_end0:
.L_simem_size_0:
called_computation_lowered:
.L_overlay_start_0:
0x88: {  	s2 =	sld [smem:$0x3FD9]  }
0x89: {  	s3 =	sld [smem:$0x3FFE];
	_ =	sdelay $0x1  }
0x8a: {  	s1 =	srdreg.scid  }
0x8b: {  	s0 =	sand.u32 $0x1, s1  }
0x8c: {  	s16 =	sshll.u32 s0, $0xA;
	s2 =	sadd.s32 s3, s2  }
0x8d: {  	s2 =	sadd.s32 s2, s16  }
0x8e: {  	[smem:$0x3FC2] =	sst s2  }
0x8f: {  	_ = 	snop  }
0x90: {  	(tm) =	ssettm $0x1  }
0x91: {  	s17 =	sld [smem:$0x3FFB];
	_ =	sdelay $0x3  }
0x92: {  	_ =	strace s17  }
0x93: {  	s2 =	sld [smem:$0x3FFC];
	_ =	sdelay $0x3  }
0x94: {  	_ =	strace s2  }
0x95: {  	s2 =	sld [smem:$0x3FFD];
	_ =	sdelay $0x3  }
0x96: {  	_ =	strace s2  }
0x97: {  	_ =	strace $0x8FFFFFFF  }
0x98: {  	s18 =	sld [smem:$0x3FDB];
	_ =	sdelay $0x1  }
0x99: {  	s19 =	simm.s32 $_scs_section_size  }
0x9a: {  	s4 =	simm.s32 $_size__tile_overlayer_lowered;
	s5 =	simm.s32 $_tile_overlayer_lowered  }
0x9b: {  	s22 =	simm.s32 $0x1BFF;
	s21 =	sshll.u32 s5, $0x1;
	s2 =	sadd.s32 s19, s18  }
0x9c: {  	s6 =	simm.s32 $0x0;
	s20 =	sshll.u32 s4, $0x1;
	s4 =	sadd.s32 s21, s2  }
0x9d: {  	[timem:s6], [sflag:s22] =	dma.local [hbm:s4], s20  }
0x9e: {  	_ =	swait.ge [sflag:s22], s20  }
0x9f: {  	s3 =	ssub.s32 $0x0, s20;
	[sflag:s22] =	ssyncset.done $0x0  }
0xa0: {  	[sflag:s22] =	ssyncadd.s32 s3;
	_ =	sdelay $0x1  }
0xa1: {  	s23 =	simm.s32 $0x1B8B  }
0xa2: {  	_ =	swait.ge [sflag:s23], $0x1  }
0xa3: {  	[sflag:s23] =	ssyncset.done $0x0  }
0xa4: {  	s25 =	simm.s32 $0x1B8E;
	s24 =	sld [smem:$0x3FFE];
	[sflag:s23] =	ssyncadd.s32 $0xFFFFFFFF  }
0xa5: {  	s26 =	simm.s32 $execute0_lowered;
	[smem:$0x3FD2] =	sst s25  }
0xa6: {  	s4 =	sshll.u32 s26, $0x1;
	_ =	strace $0x80000046;
	[dreg:$0x1] =	wrdreg $0xFFFFFFFF  }
0xa7: {  	s28 =	simm.s32 $_size_execute0_lowered;
	s2 =	sadd.s32 s2, s4;
	[dreg:$0x0] =	wrdreg $0x0  }
0xa8: {  	s4 =	sshll.u32 s28, $0x1;
	[dreg:$0x2] =	wrdreg s2  }
0xa9: {  	[dreg:$0x3] =	wrdreg s4  }
0xaa: {  	[dreg:$0x4] =	wrdreg $0xC0  }
0xab: {  	_ =	task [dreg:s6], $0x5FFFF  }
0xac: {  	[dreg:$0x1] =	wrdreg $0xFFFFFFFF  }
0xad: {  	[dreg:$0x0] =	wrdreg $0x60  }
0xae: {  	[dreg:$0x2] =	wrdreg s24  }
0xaf: {  	[dreg:$0x3] =	wrdreg $0x38800  }
0xb0: {  	[dreg:$0x4] =	wrdreg $0x9  }
0xb1: {  	_ =	task.clear_ibuf [dreg:s6], $0x5FFFF;
	_ =	strace $0x90000046  }
0xb2: {  	s29 =	simm.s32 $0x9;
	_ =	strace $0x80000048  }
0xb3: {  	_ =	swait.ge [sflag:s29], $0x1  }
0xb4: {  	[sflag:s29] =	ssyncadd.s32 $0xFFFFFFFF  }
0xb5: {  	_ =	strace $0x90000048  }
0xb6: {  	_ =	sfence  }
0xb7: {  	s30 =	sld [smem:$0x0];
	_ =	sdelay $0x2  }
0xb8: {  	s31 =	sshll.u32 s1, $0xD;
	s1 =	sshrl.u32 s1, $0x2  }
0xb9: {  	s3 =	sand.u32 $0x4000, s31;
	s1 =	sadd.s32 s1, s30  }
0xba: {  	s0 =	sor.u32 s3, s0;
	s1 =	sshll.u32 s1, $0x11  }
0xbb: {  	s0 =	sor.u32 s1, s0  }
0xbc: {  	s0 =	sadd.s32 $0x8F2B, s0  }
0xbd: {  	[sflag:s0] =	ssyncadd.remote.s32 $0x1  }
0xbe: {  	_ =	sfence.sel $0xFFFF  }
0xbf: {  	[dreg:$0x0] =	wrdreg $0xFFFFFFFF;
	(pc) =	sbr.abs _section_cstart, $3  }
0xc0: {  	[dreg:$0x1] =	wrdreg $0xFFFFFFFF  }
0xc1: {  	_ =	task.clear_ibuf [dreg:s6], $0x2FFFF;
	_ =	strace $0x9FFFFFFF  }
0xc2: {  	(tm) =	ssettm $0x7FFFFFFF  }
0xc3: {  	_ =	shalt  }
tec
execute0_lowered:
.L_overlay_start_1:
0x0: {  	(tag) =	ssettag $0x1  }
0x1: {  	s0 =	srdreg.scid;
	s4 =	rddreg [dreg:$0x0]  }
0x2: {  	s2 =	rddreg [dreg:$0x1];
	s5 =	sand.u32 $0x1, s0  }
0x3: {  	s0 =	stileid.u32;
	s6 =	smul.u32 $0x27600, s5  }
0x4: {  	s1 =	rddreg [dreg:$0x2];
	s3 =	simm.s32 $0x0;
	s7 =	smul.u32 $0x2760, s0  }
0x5: {  	s13 =	simm.s32 $0x1;
	s14 =	simm.s32 $0x3800;
	s8 =	smul.u32 $0x2780, s0  }
0x6: {  	s15 =	simm.s32 $0x70;
	s18 =	simm.s32 $0x0;
	s28 =	smul.u32 $0x27800, s5  }
0x7: {  	[smem:$0x7FF] =	sst s3;
	s9 =	smul.u32 $0x4F000, s0;
	s5 =	ssub.s32 $0x2, s5  }
0x8: {  	_ =	strace $0x80000047;
	s16 =	sshll.u32 s0, $0x6;
	s30 =	sshrl.u32 s5, $0x1  }
0x9: {  	s16 =	sor.u32 $0x1C01, s16;
	s6 =	sadd.s32 s7, s6;
	s29 =	sadd.s32 s8, s28  }
0xa: {  	s31 =	sshrl.u32 s9, $0x2;
	s11 =	ssub.s32 s5, s30;
	s6 =	sshrl.u32 s6, $0x3  }
0xb: {  	s10 =	sadd.s32 s29, s4;
	s12 =	sadd.s32 s6, s4;
	s4 =	sadd.s32 s31, s2  }
0xc: {  	s11 =	smax.u32 s11, $0x1;
	s10 =	sadd.s32 $0x17200, s10;
	s5 =	sadd.s32 $0x3800, s4  }
0xd: {  	s6 =	sadd.s32 $0x7000, s4;
	s7 =	sadd.s32 $0xA800, s4;
	s8 =	sadd.s32 $0xE000, s4  }
0xe: {  	v0 =	vimm.f32 $0.0e+00;
	v1 =	vimm.f32 $1.000000000e+00;
	s9 =	sadd.s32 $0x11800, s4;
	s12 =	sadd.s32 $0x3600, s12;
	s17 =	sshrl.u32 s4, $0x3  }
.LBB2_1:
0xf: {  	s19 =	sand.u32 $0xFE00, s3  }
0x10: {  	s20 =	sand.u32 $0x70, s3;
	s21 =	sshrl.u32 s19, $0x2  }
0x11: {  	s19 =	simm.s32 $0x40;
	s21 =	sor.u32 s20, s21;
	s20 =	simm.s32 $0x0  }
.LBB2_2:
0x12: {  	p0 =	sne.s32 s19, $0xDFC0  }
0x13: {  	[tilespmem:s21+$0x0] =	vst v0;
	s20 =	sadd.s32 $0x10, s20;
	s21 =	smov.u32 s19;
	s19 =	sadd.s32 $0x40, s19  }
.Ltmp0:
0x14: {  	(pc) =	sbr.rel @p0 .LBB2_2-.Ltmp0, $4  }
0x15: {  	_ = 	snop  }
0x16: {  	s21 =	sand.u32 $0xFE00, s21  }
0x17: {  	s22 =	sand.u32 $0x70, s20;
	s21 =	sshrl.u32 s21, $0x2  }
0x18: {  	s21 =	sor.u32 s22, s21  }
0x19: {  	[tilespmem:s21+$0x0] =	vst v0;
	s19 =	simm.s32 $0x0  }
0x1a: {  	[spmem:s4] =	stream.linear.scatter [tilespmem:s19], [sflag:$0x1], $0x3800, $0x38;
	[tilespmem:$0x17480] =	vst v63  }
0x1b: {  	_ =	swait.ge [sflag:s13], $0x3800  }
0x1c: {  	[sflag:s13] =	ssyncset.done $0x0  }
0x1d: {  	[sflag:s13] =	ssyncadd.s32 $0xFFFFC800  }
0x1e: {  	[spmem:s5] =	stream.linear.scatter [tilespmem:s19], [sflag:$0x1], $0x3800, $0x38;
	[tilespmem:$0x17480] =	vst v63  }
0x1f: {  	_ =	swait.ge [sflag:s13], $0x3800  }
0x20: {  	[sflag:s13] =	ssyncset.done $0x0  }
0x21: {  	[sflag:s13] =	ssyncadd.s32 $0xFFFFC800  }
0x22: {  	[spmem:s6] =	stream.linear.scatter [tilespmem:s19], [sflag:$0x1], $0x3800, $0x38;
	[tilespmem:$0x17480] =	vst v63  }
0x23: {  	_ =	swait.ge [sflag:s13], $0x3800  }
0x24: {  	[sflag:s13] =	ssyncset.done $0x0  }
0x25: {  	[sflag:s13] =	ssyncadd.s32 $0xFFFFC800  }
0x26: {  	[spmem:s7] =	stream.linear.scatter [tilespmem:s19], [sflag:$0x1], $0x3800, $0x38;
	[tilespmem:$0x17480] =	vst v63  }
0x27: {  	_ =	swait.ge [sflag:s13], $0x3800  }
0x28: {  	[sflag:s13] =	ssyncset.done $0x0  }
0x29: {  	[sflag:s13] =	ssyncadd.s32 $0xFFFFC800  }
0x2a: {  	[spmem:s8] =	stream.linear.scatter [tilespmem:s19], [sflag:$0x1], $0x3800, $0x38;
	[tilespmem:$0x17480] =	vst v63  }
0x2b: {  	_ =	swait.ge [sflag:s13], $0x3800  }
0x2c: {  	[sflag:s13] =	ssyncset.done $0x0  }
0x2d: {  	[sflag:s13] =	ssyncadd.s32 $0xFFFFC800  }
0x2e: {  	[spmem:s9] =	stream.linear.scatter [tilespmem:s19], [sflag:$0x1], $0x2400, $0x38;
	[tilespmem:$0x17480] =	vst v63  }
0x2f: {  	_ =	swait.ge [sflag:s13], $0x2400  }
0x30: {  	s20 =	sand.u32 $0xFE00, s19;
	[sflag:s13] =	ssyncset.done $0x0  }
0x31: {  	s31 =	sand.u32 $0x70, s19;
	s22 =	sshrl.u32 s20, $0x2;
	[sflag:s13] =	ssyncadd.s32 $0xFFFFDC00  }
0x32: {  	s20 =	simm.s32 $0x40;
	s21 =	sor.u32 s31, s22;
	[bflag:$0x0] =	sbarrier.arrive $0xFFFF  }
.LBB2_4:
0x33: {  	p0 =	sne.s32 s20, $0xDFC0  }
0x34: {  	[tilespmem:s21+$0x0] =	vst v1;
	s19 =	sadd.s32 $0x10, s19;
	s21 =	smov.u32 s20;
	s20 =	sadd.s32 $0x40, s20  }
.Ltmp1:
0x35: {  	(pc) =	sbr.rel @p0 .LBB2_4-.Ltmp1, $4  }
0x36: {  	_ = 	snop  }
0x37: {  	s21 =	sand.u32 $0xFE00, s21  }
0x38: {  	s22 =	sand.u32 $0x70, s19;
	s21 =	sshrl.u32 s21, $0x2  }
0x39: {  	s21 =	sor.u32 s22, s21  }
0x3a: {  	[tilespmem:s21+$0x0] =	vst v1;
	s19 =	sadd.s32 $0x0, s12  }
0x3b: {  	[tilespmem:s14], [sflag:$0x1] =	stream.linear.gather [hbm4b:s19+s3], $0x70, $0x38;
	[tilespmem:$0x17480] =	vst v63  }
0x3c: {  	_ =	swait.ge [sflag:s13], $0x70  }
0x3d: {  	[sflag:s13] =	ssyncset.done $0x0  }
0x3e: {  	[sflag:s13] =	ssyncadd.s32 $0xFFFFFF90  }
0x3f: {  	[spmem:s2] =	stream.indirect.scatter.add.f32 [tilespmem:s3], [sflag:$0x1], $0x80, s14, s15, $0xb8;
	[tilespmem:$0x17480] =	vst v63  }
0x40: {  	_ =	swait.ge [sflag:s13], $0x3800  }
0x41: {  	s20 =	simm.s32 $0x1C;
	s19 =	simm.s32 $0xE;
	[sflag:s13] =	ssyncset.done $0x0  }
.LBB2_6:
0x42: {  	s21 =	sadd.s32 s19, s12  }
0x43: {  	[sflag:s13] =	ssyncadd.s32 $0xFFFFC800;
	s19 =	smov.u32 s20;
	s22 =	sadd.s32 $0xE, s20  }
0x44: {  	[tilespmem:s14], [sflag:$0x1] =	stream.linear.gather [hbm4b:s21+s3], $0x70, $0x38;
	[tilespmem:$0x17480] =	vst v63  }
0x45: {  	p0 =	sne.s32 s20, $0x4DE;
	_ =	swait.ge [sflag:s13], $0x70  }
.Ltmp2:
0x46: {  	[sflag:s13] =	ssyncset.done $0x0;
	(pc) =	sbr.rel @p0 .LBB2_6-.Ltmp2, $4  }
0x47: {  	[sflag:s13] =	ssyncadd.s32 $0xFFFFFF90  }
0x48: {  	[spmem:s2] =	stream.indirect.scatter.add.f32 [tilespmem:s3], [sflag:$0x1], $0x80, s14, s15, $0xb8;
	[tilespmem:$0x17480] =	vst v63  }
0x49: {  	_ =	swait.ge [sflag:s13], $0x3800  }
0x4a: {  	s20 =	smov.u32 s22;
	[sflag:s13] =	ssyncset.done $0x0  }
0x4b: {  	s19 =	sadd.s32 s19, s12;
	[sflag:s13] =	ssyncadd.s32 $0xFFFFC800  }
0x4c: {  	[tilespmem:s14], [sflag:$0x1] =	stream.linear.gather [hbm4b:s19+s3], $0x70, $0x38;
	[tilespmem:$0x17480] =	vst v63  }
0x4d: {  	_ =	swait.ge [sflag:s13], $0x70  }
0x4e: {  	[sflag:s13] =	ssyncset.done $0x0  }
0x4f: {  	[sflag:s13] =	ssyncadd.s32 $0xFFFFFF90  }
0x50: {  	[spmem:s2] =	stream.indirect.scatter.add.f32 [tilespmem:s3], [sflag:$0x1], $0x80, s14, s15, $0xb8;
	[tilespmem:$0x17480] =	vst v63  }
0x51: {  	_ =	swait.ge [sflag:s13], $0x3800  }
0x52: {  	s18 =	sadd.s32 $0x1, s18;
	[sflag:s13] =	ssyncset.done $0x0  }
0x53: {  	p0 =	sne.s32 s18, s11;
	[sflag:s13] =	ssyncadd.s32 $0xFFFFC800  }
.Ltmp3:
0x54: {  	[bflag:$0x0] =	sbarrier.arrive $0xFFFF;
	(pc) =	sbr.rel @p0 .LBB2_1-.Ltmp3, $4  }
0x55: {  	[hbm:s10], [sflag:s16] =	dma.local [spmem:s17], $0x2780  }
0x56: {  	_ =	swait.ge [sflag:s13], $0x2780  }
0x57: {  	[sflag:s13] =	ssyncset.done $0x0  }
0x58: {  	[sflag:s13] =	ssyncadd.s32 $0xFFFFD880  }
0x59: {  	_ =	sfence.sel $0x180000  }
0x5a: {  	[bflag:$0x0] =	sbarrier.arrive $0xFFFF  }
0x5b: {  	p0 =	sne.s32 s0, $0x0;
	_ =	strace $0x90000047  }
0x5c: {  	s0 =	sadd.s32 @!p0 $0x100000, s1;
	[bflag:$0x2] =	sbarrier.arrive $0xFFFF  }
0x5d: {  	[sflag:s0] =	ssyncadd.tile.s32 @!p0 $0x1;
	_ =	shalt  }
.Lfunc_end2:
_tile_overlayer_lowered:
.L_overlay_start_2:
0x5e: {  	(tag) =	ssettag $0x2  }
0x5f: {  	s0 =	rddreg [dreg:$0x0];
	s2 =	stileid.u32  }
0x60: {  	s1 =	rddreg [dreg:$0x1];
	p0 =	sne.s32 s2, $0x0  }
0x61: {  	s3 =	rddreg [dreg:$0x2];
	[bflag:$0x3] =	sbarrier.arrive $0xFFFF;
	s2 =	simm.s32 @!p0 $0x1C01  }
0x62: {  	[timem:s3], [sflag:s2] =	dma.local @!p0 [hbm:s0], s1  }
0x63: {  	s0 =	simm.s32 @!p0 $0x1  }
0x64: {  	_ =	swait.ge @!p0 [sflag:s0], s1  }
0x65: {  	s1 =	ssub.s32 @!p0 $0x0, s1;
	[sflag:s0] =	ssyncset.done @!p0 $0x0  }
0x66: {  	[sflag:s0] =	ssyncadd.s32 @!p0 s1  }
0x67: {  	[bflag:$0x3] =	sbarrier.arrive $0xFFFF  }
0x68: {  	_ =	shalt  }

</sc_bundles>
